<compile_context>
chip_gen: v7x
topology: tpu7x:2x2x1
jax: 0.10.2.dev20260603
libtpu: 0.0.44.dev20260713+nightly
codegen_flags: <defaults>
</compile_context>

<pallas_src>
import functools

import jax
import jax.numpy as jnp
from jax import lax
from jax.experimental import pallas as pl
from jax.experimental.pallas import tpu as pltpu
from jax.experimental.pallas import tpu_sc as plsc

N = 10000
E = 320000
IN_DIM = 128
HID = 128
LAT = 64
HH = HID // 2

NW = 32
K = 80
EPAD = NW * K * 128
ROWS = EPAD // 128
KT = ROWS // 16
NPAD = 10112
RPT = NPAD // 16

_MESH = plsc.VectorSubcoreMesh(core_axis_name="c", subcore_axis_name="s")
_SC_PARAMS = pltpu.CompilerParams(use_tc_tiling_on_sc=False)



@functools.partial(
    pl.kernel,
    mesh=_MESH,
    out_type=jax.ShapeDtypeStruct((2, NPAD, 16), jnp.float32),
    scratch_types=[
        pltpu.VMEM((K, 128), jnp.int32),
        pltpu.VMEM((128, 16), jnp.float32),
        pltpu.VMEM((RPT, 16), jnp.float32),
        pltpu.VMEM_SHARED((NPAD, 16), jnp.float32),
    ],
    compiler_params=_SC_PARAMS,
)
def _deg_sc(dst_hbm, ones_hbm, zer_hbm, out_hbm, dst_v, ones_v, zer_v, acc_sp):
    c = lax.axis_index("c")
    s = lax.axis_index("s")
    w = s * 2 + c
    pltpu.sync_copy(zer_hbm, zer_v)
    pltpu.sync_copy(zer_v, acc_sp.at[pl.ds(s * RPT, RPT)])
    pltpu.sync_copy(ones_hbm, ones_v)
    pltpu.sync_copy(dst_hbm.at[pl.ds(w * K, K)], dst_v)
    plsc.subcore_barrier()

    def body(j, _):
        pltpu.sync_copy(ones_v, acc_sp.at[dst_v.at[j]], add=True)
        return ()

    lax.fori_loop(0, K, body, ())
    plsc.subcore_barrier()
    pltpu.sync_copy(acc_sp.at[pl.ds(s * RPT, RPT)], out_hbm.at[c, pl.ds(s * RPT, RPT)])


@functools.partial(
    pl.kernel,
    mesh=_MESH,
    out_type=jax.ShapeDtypeStruct((2, NPAD, HH), jnp.float32),
    scratch_types=[
        pltpu.VMEM((KT, 128), jnp.int32),
        pltpu.VMEM((KT, 128), jnp.int32),
        pltpu.VMEM((5, 128, HH), jnp.float32),
        pltpu.VMEM_SHARED((NPAD, HH), jnp.float32),
        [pltpu.SemaphoreType.DMA] * 5,
        [pltpu.SemaphoreType.DMA] * 5,
    ],
    compiler_params=_SC_PARAMS,
)
def _prop_sc(y_hbm, src_hbm, dst_hbm, zer_hbm, out_hbm,
             src_v, dst_v, rows_v, acc_sp, sem_g, sem_s):
    c = lax.axis_index("c")
    s = lax.axis_index("s")
    pltpu.sync_copy(zer_hbm, rows_v.at[0])
    for r in range(4):
        pltpu.sync_copy(rows_v.at[0], acc_sp.at[pl.ds(s * RPT + r * 128, 128)])
    pltpu.sync_copy(rows_v.at[0, pl.ds(0, RPT - 512)],
                    acc_sp.at[pl.ds(s * RPT + 512, RPT - 512)])
    pltpu.sync_copy(src_hbm.at[pl.ds(c * ROWS + s * KT, KT)], src_v)
    pltpu.sync_copy(dst_hbm.at[pl.ds(s * KT, KT)], dst_v)
    plsc.subcore_barrier()

    def gather(j, b):
        pltpu.make_async_copy(y_hbm.at[src_v.at[j]], rows_v.at[b], sem_g[b]).start()

    def scatter_start(j, b):
        pltpu.async_copy(rows_v.at[b], acc_sp.at[dst_v.at[j]], sem_s[b], add=True)

    def scatter_wait(j, b):
        pltpu.make_async_copy(rows_v.at[b], acc_sp.at[dst_v.at[j]], sem_s[b]).wait()

    NB = 5
    LEAD = 2
    gather(0, 0)
    gather(1, 1)

    def ring(i, _):
        for b in range(NB):
            j = i * NB + b
            pltpu.make_async_copy(y_hbm.at[src_v.at[j]], rows_v.at[b], sem_g[b]).wait()
            scatter_start(j, b)
            b2 = (b + LEAD) % NB

            @pl.when(j >= NB - LEAD)
            def _():
                scatter_wait(j - (NB - LEAD), b2)

            @pl.when(j + LEAD < KT)
            def _():
                gather(j + LEAD, b2)
        return ()

    lax.fori_loop(0, KT // NB, ring, ())
    for j in range(KT - (NB - LEAD), KT):
        scatter_wait(j, j % NB)
    plsc.subcore_barrier()
    pltpu.sync_copy(acc_sp.at[pl.ds(s * RPT, RPT)], out_hbm.at[c, pl.ds(s * RPT, RPT)])



_BM = 1000


def _tc1_body(x_ref, w1_ref, dp_ref, y1_ref, dis_ref):
    deg = dp_ref[0, :, 0:1] + dp_ref[1, :, 0:1] + 1.0
    dis = lax.rsqrt(deg)
    xw = jnp.dot(x_ref[...], w1_ref[...], preferred_element_type=jnp.float32)
    y1_ref[0] = dis * xw[:, :HH]
    y1_ref[1] = dis * xw[:, HH:]
    dis_ref[...] = dis


def _tc2_body(s1_ref, y1_ref, dis_ref, b1_ref, yh_ref):
    dis = dis_ref[...]
    for c in range(2):
        h = jnp.maximum(dis * (s1_ref[c] + y1_ref[c]) + b1_ref[c], 0.0)
        yh_ref[c] = dis * h


def _tc3_body(s2_ref, yh_ref, dis_ref, wmu_ref, bmu_ref, wlv_ref, blv_ref,
              eps_ref, mu_ref, lv_ref, z_ref):
    dis = dis_ref[...]
    qa = dis * (s2_ref[0] + yh_ref[0])
    qb = dis * (s2_ref[1] + yh_ref[1])
    mu = (jnp.dot(qa, wmu_ref[0], preferred_element_type=jnp.float32)
          + jnp.dot(qb, wmu_ref[1], preferred_element_type=jnp.float32)
          + bmu_ref[...])
    lv = (jnp.dot(qa, wlv_ref[0], preferred_element_type=jnp.float32)
          + jnp.dot(qb, wlv_ref[1], preferred_element_type=jnp.float32)
          + blv_ref[...])
    mu_ref[...] = mu
    lv_ref[...] = lv
    z_ref[...] = eps_ref[...] * jnp.exp(0.5 * lv) + mu


_BD = 400


def _dec_body(zb_ref, z_ref, a_ref):
    prod = lax.dot_general(zb_ref[...], z_ref[...], (((1,), (1,)), ((), ())),
                           preferred_element_type=jnp.float32)
    a_ref[...] = jax.nn.sigmoid(prod)



def kernel(adj, x_features, W1, b1, W_mu, b_mu, W_lv, b_lv):
    f32 = jnp.float32
    src = adj[0].astype(jnp.int32)
    dst = adj[1].astype(jnp.int32)
    srcp = jnp.concatenate([src, jnp.zeros((EPAD - E,), jnp.int32)]).reshape(ROWS, 128)
    dstp = jnp.concatenate([dst, jnp.full((EPAD - E,), N, jnp.int32)]).reshape(ROWS, 128)
    srcc = jnp.concatenate([srcp, srcp + N])
    ones16 = jnp.ones((128, 16), f32)
    zer16 = jnp.zeros((RPT, 16), f32)
    zer64 = jnp.zeros((128, HH), f32)
    eps = jax.random.normal(jax.random.key(42), (N, LAT), dtype=f32)

    deg_p = _deg_sc(dstp, ones16, zer16)

    y1, dis = pl.pallas_call(
        _tc1_body,
        grid=(N // _BM,),
        in_specs=[
            pl.BlockSpec((_BM, IN_DIM), lambda i: (i, 0)),
            pl.BlockSpec((IN_DIM, HID), lambda i: (0, 0)),
            pl.BlockSpec((2, _BM, 16), lambda i: (0, i, 0)),
        ],
        out_specs=[
            pl.BlockSpec((2, _BM, HH), lambda i: (0, i, 0)),
            pl.BlockSpec((_BM, 1), lambda i: (i, 0)),
        ],
        out_shape=[
            jax.ShapeDtypeStruct((2, N, HH), f32),
            jax.ShapeDtypeStruct((N, 1), f32),
        ],
    )(x_features, W1, deg_p)

    s1 = _prop_sc(y1.reshape(2 * N, HH), srcc, dstp, zer64)

    yh = pl.pallas_call(
        _tc2_body,
        grid=(N // _BM,),
        in_specs=[
            pl.BlockSpec((2, _BM, HH), lambda i: (0, i, 0)),
            pl.BlockSpec((2, _BM, HH), lambda i: (0, i, 0)),
            pl.BlockSpec((_BM, 1), lambda i: (i, 0)),
            pl.BlockSpec((2, 1, HH), lambda i: (0, 0, 0)),
        ],
        out_specs=pl.BlockSpec((2, _BM, HH), lambda i: (0, i, 0)),
        out_shape=jax.ShapeDtypeStruct((2, N, HH), f32),
    )(s1, y1, dis, b1.reshape(2, 1, HH))

    s2 = _prop_sc(yh.reshape(2 * N, HH), srcc, dstp, zer64)

    mu, lv, z = pl.pallas_call(
        _tc3_body,
        grid=(N // _BM,),
        in_specs=[
            pl.BlockSpec((2, _BM, HH), lambda i: (0, i, 0)),
            pl.BlockSpec((2, _BM, HH), lambda i: (0, i, 0)),
            pl.BlockSpec((_BM, 1), lambda i: (i, 0)),
            pl.BlockSpec((2, HH, LAT), lambda i: (0, 0, 0)),
            pl.BlockSpec((1, LAT), lambda i: (0, 0)),
            pl.BlockSpec((2, HH, LAT), lambda i: (0, 0, 0)),
            pl.BlockSpec((1, LAT), lambda i: (0, 0)),
            pl.BlockSpec((_BM, LAT), lambda i: (i, 0)),
        ],
        out_specs=[
            pl.BlockSpec((_BM, LAT), lambda i: (i, 0)),
            pl.BlockSpec((_BM, LAT), lambda i: (i, 0)),
            pl.BlockSpec((_BM, LAT), lambda i: (i, 0)),
        ],
        out_shape=[
            jax.ShapeDtypeStruct((N, LAT), f32),
            jax.ShapeDtypeStruct((N, LAT), f32),
            jax.ShapeDtypeStruct((N, LAT), f32),
        ],
    )(s2, yh, dis, W_mu.reshape(2, HH, LAT), b_mu.reshape(1, LAT),
      W_lv.reshape(2, HH, LAT), b_lv.reshape(1, LAT), eps)

    a_pred = pl.pallas_call(
        _dec_body,
        grid=(N // _BD,),
        in_specs=[
            pl.BlockSpec((_BD, LAT), lambda i: (i, 0)),
            pl.BlockSpec((N, LAT), lambda i: (0, 0)),
        ],
        out_specs=pl.BlockSpec((_BD, N), lambda i: (i, 0)),
        out_shape=jax.ShapeDtypeStruct((N, N), f32),
    )(z, z)

    return (a_pred, mu, lv, z)

# --- scband reference (transcript-rebuilt; emitter-appended) ---
"""Pipeline reference for scband-graph-vae-21663815041514 (READ-ONLY COPY).

The authoritative reference and input builder live on the scoring server;
editing this copy changes nothing except your own understanding.
"""

import jax, jax.numpy as jnp
import numpy as np

N = 10000
E = 320000
IN_DIM = 128
HID = 128
LAT = 64


def _gcn_conv(x, src, dst, W, b, n_nodes):
    # GCNConv with added self-loops and symmetric normalization (PyG semantics)
    loop = jnp.arange(n_nodes, dtype=src.dtype)
    row = jnp.concatenate([src, loop])
    col = jnp.concatenate([dst, loop])
    deg = jax.ops.segment_sum(jnp.ones_like(col, dtype=x.dtype), col, num_segments=n_nodes)
    dis = jnp.where(deg > 0, deg ** -0.5, 0.0)
    norm = dis[row] * dis[col]
    xw = x @ W
    msgs = norm[:, None] * jnp.take(xw, row, axis=0)
    out = jax.ops.segment_sum(msgs, col, num_segments=n_nodes)
    return out + b


def setup_inputs(seed: int = 0) -> dict:
    key = jax.random.key(seed)
    ks = jax.random.split(key, 9)
    adj = jax.random.randint(ks[0], (2, E), 0, N)
    x_features = jax.random.normal(ks[1], (N, IN_DIM), dtype=jnp.float32)
    s1 = 1.0 / np.sqrt(IN_DIM)
    s2 = 1.0 / np.sqrt(HID)
    W1 = jax.random.uniform(ks[2], (IN_DIM, HID), minval=-s1, maxval=s1, dtype=jnp.float32)
    b1 = jnp.zeros((HID,), dtype=jnp.float32)
    W_mu = jax.random.uniform(ks[3], (HID, LAT), minval=-s2, maxval=s2, dtype=jnp.float32)
    b_mu = jnp.zeros((LAT,), dtype=jnp.float32)
    W_lv = jax.random.uniform(ks[4], (HID, LAT), minval=-s2, maxval=s2, dtype=jnp.float32)
    b_lv = jnp.zeros((LAT,), dtype=jnp.float32)
    return {"adj": adj, "x_features": x_features, "W1": W1, "b1": b1,
            "W_mu": W_mu, "b_mu": b_mu, "W_lv": W_lv, "b_lv": b_lv}


def reference(adj, x_features, W1, b1, W_mu, b_mu, W_lv, b_lv):
    src = adj[0]
    dst = adj[1]
    # encode
    h = jax.nn.relu(_gcn_conv(x_features, src, dst, W1, b1, N))
    mu = _gcn_conv(h, src, dst, W_mu, b_mu, N)
    logvar = _gcn_conv(h, src, dst, W_lv, b_lv, N)
    # reparameterize (training mode; deterministic eps via fixed key)
    std = jnp.exp(0.5 * logvar)
    eps = jax.random.normal(jax.random.key(42), std.shape, dtype=std.dtype)
    z = eps * std + mu
    # dot product decode
    A_pred = jax.nn.sigmoid(z @ z.T)
    return (A_pred, mu, logvar, z)

if __name__ == "__main__":
    import jax
    _d = setup_inputs()
    print(jax.jit(kernel)(*tuple(_d.values())))

</pallas_src>

<mosaic_0001>
#map = affine_map<(d0, d1) -> (0, 0)>
#map1 = affine_map<(d0, d1) -> (0, 0, 0)>
module attributes {stable_mosaic.version = 14 : i64} {
  func.func @_deg_sc(%arg0: i32, %arg1: i32, %arg2: memref<2560x128xi32, #tpu.memory_space<hbm>>, %arg3: memref<128x16xf32, #tpu.memory_space<hbm>>, %arg4: memref<632x16xf32, #tpu.memory_space<hbm>>, %arg5: memref<2x10112x16xf32, #tpu.memory_space<hbm>>, %arg6: memref<80x128xi32, #tpu.memory_space<vmem>>, %arg7: memref<128x16xf32, #tpu.memory_space<vmem>>, %arg8: memref<632x16xf32, #tpu.memory_space<vmem>>, %arg9: memref<10112x16xf32, #tpu.memory_space<vmem_shared>>) attributes {dimension_semantics = [#tpu.dimension_semantics<core_parallel>, #tpu.dimension_semantics<subcore_parallel>], iteration_bounds = array<i64: 2, 16>, scalar_prefetch = 0 : i64, scratch_operands = 4 : i64, tpu.core_type = #tpu.core_type<sc_vector_subcore>, window_params = [{transform_indices = #map}, {transform_indices = #map}, {transform_indices = #map}, {transform_indices = #map1}]} {
    %mul3A = arith.constant 2 : i32
    %mul3A_0 = arith.muli %arg1, %mul3A : i32
    %add3A = arith.addi %mul3A_0, %arg0 : i32
    "tpu.region"() ({
      %run_scoped3A = tpu.sem_alloc : memref<!tpu.dma_semaphore, #tpu.memory_space<semaphore_mem>>
      tpu.enqueue_dma source(%arg4 : memref<632x16xf32, #tpu.memory_space<hbm>>) target(%arg8 : memref<632x16xf32, #tpu.memory_space<vmem>>) target_semaphore(%run_scoped3A : memref<!tpu.dma_semaphore, #tpu.memory_space<semaphore_mem>>)
      tpu.wait_dma2 semaphore(%run_scoped3A : memref<!tpu.dma_semaphore, #tpu.memory_space<semaphore_mem>>) src(%arg4 : memref<632x16xf32, #tpu.memory_space<hbm>>) dst(%arg8 : memref<632x16xf32, #tpu.memory_space<vmem>>)
      tpu.yield
    }) : () -> ()
    %mul3A_1 = arith.constant 632 : i32
    %mul3A_2 = arith.muli %arg1, %mul3A_1 : i32
    "tpu.region"() ({
      %run_scoped3A = tpu.sem_alloc : memref<!tpu.dma_semaphore, #tpu.memory_space<semaphore_mem>>
      %dma_start3A = arith.constant 0 : i32
      %dma_start3A_14 = tpu.memref_slice %arg9[%mul3A_2, %dma_start3A] : memref<10112x16xf32, #tpu.memory_space<vmem_shared>> -> memref<632x16xf32, #tpu.memory_space<vmem_shared>>
      %dma_start3A_15 = arith.constant 0 : i32
      %dma_start3A_16 = tpu.memref_slice %arg9[%mul3A_2, %dma_start3A_15] : memref<10112x16xf32, #tpu.memory_space<vmem_shared>> -> memref<632x16xf32, #tpu.memory_space<vmem_shared>>
      tpu.enqueue_dma source(%arg8 : memref<632x16xf32, #tpu.memory_space<vmem>>) target(%dma_start3A_16 : memref<632x16xf32, #tpu.memory_space<vmem_shared>>) target_semaphore(%run_scoped3A : memref<!tpu.dma_semaphore, #tpu.memory_space<semaphore_mem>>)
      %dma_wait3A = arith.constant 0 : i32
      %dma_wait3A_17 = tpu.memref_slice %arg9[%mul3A_2, %dma_wait3A] : memref<10112x16xf32, #tpu.memory_space<vmem_shared>> -> memref<632x16xf32, #tpu.memory_space<vmem_shared>>
      %dma_wait3A_18 = arith.constant 0 : i32
      %dma_wait3A_19 = tpu.memref_slice %arg9[%mul3A_2, %dma_wait3A_18] : memref<10112x16xf32, #tpu.memory_space<vmem_shared>> -> memref<632x16xf32, #tpu.memory_space<vmem_shared>>
      tpu.wait_dma2 semaphore(%run_scoped3A : memref<!tpu.dma_semaphore, #tpu.memory_space<semaphore_mem>>) src(%arg8 : memref<632x16xf32, #tpu.memory_space<vmem>>) dst(%dma_wait3A_19 : memref<632x16xf32, #tpu.memory_space<vmem_shared>>)
      tpu.yield
    }) : () -> ()
    "tpu.region"() ({
      %run_scoped3A = tpu.sem_alloc : memref<!tpu.dma_semaphore, #tpu.memory_space<semaphore_mem>>
      tpu.enqueue_dma source(%arg3 : memref<128x16xf32, #tpu.memory_space<hbm>>) target(%arg7 : memref<128x16xf32, #tpu.memory_space<vmem>>) target_semaphore(%run_scoped3A : memref<!tpu.dma_semaphore, #tpu.memory_space<semaphore_mem>>)
      tpu.wait_dma2 semaphore(%run_scoped3A : memref<!tpu.dma_semaphore, #tpu.memory_space<semaphore_mem>>) src(%arg3 : memref<128x16xf32, #tpu.memory_space<hbm>>) dst(%arg7 : memref<128x16xf32, #tpu.memory_space<vmem>>)
      tpu.yield
    }) : () -> ()
    %mul3A_3 = arith.constant 80 : i32
    %mul3A_4 = arith.muli %add3A, %mul3A_3 : i32
    "tpu.region"() ({
      %run_scoped3A = tpu.sem_alloc : memref<!tpu.dma_semaphore, #tpu.memory_space<semaphore_mem>>
      %dma_start3A = arith.constant 0 : i32
      %dma_start3A_14 = tpu.memref_slice %arg2[%mul3A_4, %dma_start3A] : memref<2560x128xi32, #tpu.memory_space<hbm>> -> memref<80x128xi32, #tpu.memory_space<hbm>>
      %dma_start3A_15 = arith.constant 0 : i32
      %dma_start3A_16 = tpu.memref_slice %arg2[%mul3A_4, %dma_start3A_15] : memref<2560x128xi32, #tpu.memory_space<hbm>> -> memref<80x128xi32, #tpu.memory_space<hbm>>
      tpu.enqueue_dma source(%dma_start3A_16 : memref<80x128xi32, #tpu.memory_space<hbm>>) target(%arg6 : memref<80x128xi32, #tpu.memory_space<vmem>>) target_semaphore(%run_scoped3A : memref<!tpu.dma_semaphore, #tpu.memory_space<semaphore_mem>>)
      %dma_wait3A = arith.constant 0 : i32
      %dma_wait3A_17 = tpu.memref_slice %arg2[%mul3A_4, %dma_wait3A] : memref<2560x128xi32, #tpu.memory_space<hbm>> -> memref<80x128xi32, #tpu.memory_space<hbm>>
      %dma_wait3A_18 = arith.constant 0 : i32
      %dma_wait3A_19 = tpu.memref_slice %arg2[%mul3A_4, %dma_wait3A_18] : memref<2560x128xi32, #tpu.memory_space<hbm>> -> memref<80x128xi32, #tpu.memory_space<hbm>>
      tpu.wait_dma2 semaphore(%run_scoped3A : memref<!tpu.dma_semaphore, #tpu.memory_space<semaphore_mem>>) src(%dma_wait3A_19 : memref<80x128xi32, #tpu.memory_space<hbm>>) dst(%arg6 : memref<80x128xi32, #tpu.memory_space<vmem>>)
      tpu.yield
    }) : () -> ()
    %barrier3A = arith.constant 0 : index
    tpu.barrier barrier_id(%barrier3A)
    %scan3A = arith.constant 0 : i32
    %scan3A_5 = arith.constant 80 : i32
    %scan3A_6 = arith.addi %scan3A, %scan3A_5 : i32
    %scan3A_7 = arith.constant 1 : i32
    scf.for %scan3A_14 = %scan3A to %scan3A_6 step %scan3A_7  : i32 {
      "tpu.region"() ({
        %run_scoped3A = tpu.sem_alloc : memref<!tpu.dma_semaphore, #tpu.memory_space<semaphore_mem>>
        %dma_start3A = arith.constant 0 : i32
        %dma_start3A_15 = tpu.memref_slice %arg6[%scan3A_14, %dma_start3A] : memref<80x128xi32, #tpu.memory_space<vmem>> -> memref<1x128xi32, #tpu.memory_space<vmem>>
        %dma_start3A_16 = tpu.memref_squeeze %dma_start3A_15 : memref<1x128xi32, #tpu.memory_space<vmem>> -> memref<128xi32, #tpu.memory_space<vmem>>
        %dma_start3A_17 = arith.constant 0 : i32
        %dma_start3A_18 = arith.constant 0 : i32
        %dma_start3A_19 = tpu.memref_slice %arg9[%dma_start3A_17, %dma_start3A_18] : memref<10112x16xf32, #tpu.memory_space<vmem_shared>> -> memref<10112x16xf32, #tpu.memory_space<vmem_shared>>
        tpu.enqueue_indirect_dma source(%arg7 : memref<128x16xf32, #tpu.memory_space<vmem>>) target(%dma_start3A_19 : memref<10112x16xf32, #tpu.memory_space<vmem_shared>>) offsets(%dma_start3A_16 : memref<128xi32, #tpu.memory_space<vmem>>) semaphore(%run_scoped3A : memref<!tpu.dma_semaphore, #tpu.memory_space<semaphore_mem>>) {add = true}
        %dma_wait3A = arith.constant 0 : i32
        %dma_wait3A_20 = tpu.memref_slice %arg6[%scan3A_14, %dma_wait3A] : memref<80x128xi32, #tpu.memory_space<vmem>> -> memref<1x128xi32, #tpu.memory_space<vmem>>
        %dma_wait3A_21 = tpu.memref_squeeze %dma_wait3A_20 : memref<1x128xi32, #tpu.memory_space<vmem>> -> memref<128xi32, #tpu.memory_space<vmem>>
        %dma_wait3A_22 = arith.constant 0 : i32
        %dma_wait3A_23 = arith.constant 0 : i32
        %dma_wait3A_24 = tpu.memref_slice %arg9[%dma_wait3A_22, %dma_wait3A_23] : memref<10112x16xf32, #tpu.memory_space<vmem_shared>> -> memref<10112x16xf32, #tpu.memory_space<vmem_shared>>
        tpu.wait_indirect_dma semaphore(%run_scoped3A : memref<!tpu.dma_semaphore, #tpu.memory_space<semaphore_mem>>) src(%arg7 : memref<128x16xf32, #tpu.memory_space<vmem>>) dst(%dma_wait3A_24 : memref<10112x16xf32, #tpu.memory_space<vmem_shared>>)
        tpu.yield
      }) : () -> ()
    }
    %scan3A_8 = arith.constant 80 : i32
    %barrier3A_9 = arith.constant 0 : index
    tpu.barrier barrier_id(%barrier3A_9)
    %mul3A_10 = arith.constant 632 : i32
    %mul3A_11 = arith.muli %arg1, %mul3A_10 : i32
    %mul3A_12 = arith.constant 632 : i32
    %mul3A_13 = arith.muli %arg1, %mul3A_12 : i32
    "tpu.region"() ({
      %run_scoped3A = tpu.sem_alloc : memref<!tpu.dma_semaphore, #tpu.memory_space<semaphore_mem>>
      %dma_start3A = arith.constant 0 : i32
      %dma_start3A_14 = tpu.memref_slice %arg5[%arg0, %mul3A_13, %dma_start3A] : memref<2x10112x16xf32, #tpu.memory_space<hbm>> -> memref<1x632x16xf32, #tpu.memory_space<hbm>>
      %dma_start3A_15 = tpu.memref_squeeze %dma_start3A_14 : memref<1x632x16xf32, #tpu.memory_space<hbm>> -> memref<632x16xf32, #tpu.memory_space<hbm>>
      %dma_start3A_16 = arith.constant 0 : i32
      %dma_start3A_17 = tpu.memref_slice %arg9[%mul3A_11, %dma_start3A_16] : memref<10112x16xf32, #tpu.memory_space<vmem_shared>> -> memref<632x16xf32, #tpu.memory_space<vmem_shared>>
      tpu.enqueue_dma source(%dma_start3A_17 : memref<632x16xf32, #tpu.memory_space<vmem_shared>>) target(%dma_start3A_15 : memref<632x16xf32, #tpu.memory_space<hbm>>) target_semaphore(%run_scoped3A : memref<!tpu.dma_semaphore, #tpu.memory_space<semaphore_mem>>)
      %dma_wait3A = arith.constant 0 : i32
      %dma_wait3A_18 = tpu.memref_slice %arg5[%arg0, %mul3A_13, %dma_wait3A] : memref<2x10112x16xf32, #tpu.memory_space<hbm>> -> memref<1x632x16xf32, #tpu.memory_space<hbm>>
      %dma_wait3A_19 = tpu.memref_squeeze %dma_wait3A_18 : memref<1x632x16xf32, #tpu.memory_space<hbm>> -> memref<632x16xf32, #tpu.memory_space<hbm>>
      %dma_wait3A_20 = arith.constant 0 : i32
      %dma_wait3A_21 = tpu.memref_slice %arg9[%mul3A_11, %dma_wait3A_20] : memref<10112x16xf32, #tpu.memory_space<vmem_shared>> -> memref<632x16xf32, #tpu.memory_space<vmem_shared>>
      tpu.wait_dma2 semaphore(%run_scoped3A : memref<!tpu.dma_semaphore, #tpu.memory_space<semaphore_mem>>) src(%dma_wait3A_21 : memref<632x16xf32, #tpu.memory_space<vmem_shared>>) dst(%dma_wait3A_19 : memref<632x16xf32, #tpu.memory_space<hbm>>)
      tpu.yield
    }) : () -> ()
    return
  }
}

#map = affine_map<(d0, d1) -> (0, 0)>
#map1 = affine_map<(d0, d1) -> (0, 0, 0)>
module attributes {stable_mosaic.version = 14 : i64} {
  func.func @_prop_sc(%arg0: i32, %arg1: i32, %arg2: memref<20000x64xf32, #tpu.memory_space<hbm>>, %arg3: memref<5120x128xi32, #tpu.memory_space<hbm>>, %arg4: memref<2560x128xi32, #tpu.memory_space<hbm>>, %arg5: memref<128x64xf32, #tpu.memory_space<hbm>>, %arg6: memref<2x10112x64xf32, #tpu.memory_space<hbm>>, %arg7: memref<160x128xi32, #tpu.memory_space<vmem>>, %arg8: memref<160x128xi32, #tpu.memory_space<vmem>>, %arg9: memref<5x128x64xf32, #tpu.memory_space<vmem>>, %arg10: memref<10112x64xf32, #tpu.memory_space<vmem_shared>>, %arg11: memref<!tpu.dma_semaphore, #tpu.memory_space<semaphore_mem>>, %arg12: memref<!tpu.dma_semaphore, #tpu.memory_space<semaphore_mem>>, %arg13: memref<!tpu.dma_semaphore, #tpu.memory_space<semaphore_mem>>, %arg14: memref<!tpu.dma_semaphore, #tpu.memory_space<semaphore_mem>>, %arg15: memref<!tpu.dma_semaphore, #tpu.memory_space<semaphore_mem>>, %arg16: memref<!tpu.dma_semaphore, #tpu.memory_space<semaphore_mem>>, %arg17: memref<!tpu.dma_semaphore, #tpu.memory_space<semaphore_mem>>, %arg18: memref<!tpu.dma_semaphore, #tpu.memory_space<semaphore_mem>>, %arg19: memref<!tpu.dma_semaphore, #tpu.memory_space<semaphore_mem>>, %arg20: memref<!tpu.dma_semaphore, #tpu.memory_space<semaphore_mem>>) attributes {dimension_semantics = [#tpu.dimension_semantics<core_parallel>, #tpu.dimension_semantics<subcore_parallel>], iteration_bounds = array<i64: 2, 16>, scalar_prefetch = 0 : i64, scratch_operands = 14 : i64, tpu.core_type = #tpu.core_type<sc_vector_subcore>, window_params = [{transform_indices = #map}, {transform_indices = #map}, {transform_indices = #map}, {transform_indices = #map}, {transform_indices = #map1}]} {
    %run_scoped3A = arith.constant 0 : i32
    "tpu.region"() ({
      %run_scoped3A_97 = tpu.sem_alloc : memref<!tpu.dma_semaphore, #tpu.memory_space<semaphore_mem>>
      %dma_start3A_98 = arith.constant 0 : i32
      %dma_start3A_99 = arith.constant 0 : i32
      %dma_start3A_100 = tpu.memref_slice %arg9[%run_scoped3A, %dma_start3A_98, %dma_start3A_99] : memref<5x128x64xf32, #tpu.memory_space<vmem>> -> memref<1x128x64xf32, #tpu.memory_space<vmem>>
      %dma_start3A_101 = tpu.memref_squeeze %dma_start3A_100 : memref<1x128x64xf32, #tpu.memory_space<vmem>> -> memref<128x64xf32, #tpu.memory_space<vmem>>
      %dma_start3A_102 = arith.constant 0 : i32
      %dma_start3A_103 = arith.constant 0 : i32
      %dma_start3A_104 = tpu.memref_slice %arg9[%run_scoped3A, %dma_start3A_102, %dma_start3A_103] : memref<5x128x64xf32, #tpu.memory_space<vmem>> -> memref<1x128x64xf32, #tpu.memory_space<vmem>>
      %dma_start3A_105 = tpu.memref_squeeze %dma_start3A_104 : memref<1x128x64xf32, #tpu.memory_space<vmem>> -> memref<128x64xf32, #tpu.memory_space<vmem>>
      tpu.enqueue_dma source(%arg5 : memref<128x64xf32, #tpu.memory_space<hbm>>) target(%dma_start3A_105 : memref<128x64xf32, #tpu.memory_space<vmem>>) target_semaphore(%run_scoped3A_97 : memref<!tpu.dma_semaphore, #tpu.memory_space<semaphore_mem>>)
      %dma_wait3A_106 = arith.constant 0 : i32
      %dma_wait3A_107 = arith.constant 0 : i32
      %dma_wait3A_108 = tpu.memref_slice %arg9[%run_scoped3A, %dma_wait3A_106, %dma_wait3A_107] : memref<5x128x64xf32, #tpu.memory_space<vmem>> -> memref<1x128x64xf32, #tpu.memory_space<vmem>>
      %dma_wait3A_109 = tpu.memref_squeeze %dma_wait3A_108 : memref<1x128x64xf32, #tpu.memory_space<vmem>> -> memref<128x64xf32, #tpu.memory_space<vmem>>
      %dma_wait3A_110 = arith.constant 0 : i32
      %dma_wait3A_111 = arith.constant 0 : i32
      %dma_wait3A_112 = tpu.memref_slice %arg9[%run_scoped3A, %dma_wait3A_110, %dma_wait3A_111] : memref<5x128x64xf32, #tpu.memory_space<vmem>> -> memref<1x128x64xf32, #tpu.memory_space<vmem>>
      %dma_wait3A_113 = tpu.memref_squeeze %dma_wait3A_112 : memref<1x128x64xf32, #tpu.memory_space<vmem>> -> memref<128x64xf32, #tpu.memory_space<vmem>>
      tpu.wait_dma2 semaphore(%run_scoped3A_97 : memref<!tpu.dma_semaphore, #tpu.memory_space<semaphore_mem>>) src(%arg5 : memref<128x64xf32, #tpu.memory_space<hbm>>) dst(%dma_wait3A_113 : memref<128x64xf32, #tpu.memory_space<vmem>>)
      tpu.yield
    }) : () -> ()
    %mul3A = arith.constant 632 : i32
    %mul3A_0 = arith.muli %arg1, %mul3A : i32
    %add3A = arith.constant 0 : i32
    %add3A_1 = arith.addi %mul3A_0, %add3A : i32
    %run_scoped3A_2 = arith.constant 0 : i32
    "tpu.region"() ({
      %run_scoped3A_97 = tpu.sem_alloc : memref<!tpu.dma_semaphore, #tpu.memory_space<semaphore_mem>>
      %dma_start3A_98 = arith.constant 0 : i32
      %dma_start3A_99 = arith.constant 0 : i32
      %dma_start3A_100 = tpu.memref_slice %arg9[%run_scoped3A_2, %dma_start3A_98, %dma_start3A_99] : memref<5x128x64xf32, #tpu.memory_space<vmem>> -> memref<1x128x64xf32, #tpu.memory_space<vmem>>
      %dma_start3A_101 = tpu.memref_squeeze %dma_start3A_100 : memref<1x128x64xf32, #tpu.memory_space<vmem>> -> memref<128x64xf32, #tpu.memory_space<vmem>>
      %dma_start3A_102 = arith.constant 0 : i32
      %dma_start3A_103 = tpu.memref_slice %arg10[%add3A_1, %dma_start3A_102] : memref<10112x64xf32, #tpu.memory_space<vmem_shared>> -> memref<128x64xf32, #tpu.memory_space<vmem_shared>>
      %dma_start3A_104 = arith.constant 0 : i32
      %dma_start3A_105 = tpu.memref_slice %arg10[%add3A_1, %dma_start3A_104] : memref<10112x64xf32, #tpu.memory_space<vmem_shared>> -> memref<128x64xf32, #tpu.memory_space<vmem_shared>>
      %dma_start3A_106 = arith.constant 0 : i32
      %dma_start3A_107 = arith.constant 0 : i32
      %dma_start3A_108 = tpu.memref_slice %arg9[%run_scoped3A_2, %dma_start3A_106, %dma_start3A_107] : memref<5x128x64xf32, #tpu.memory_space<vmem>> -> memref<1x128x64xf32, #tpu.memory_space<vmem>>
      %dma_start3A_109 = tpu.memref_squeeze %dma_start3A_108 : memref<1x128x64xf32, #tpu.memory_space<vmem>> -> memref<128x64xf32, #tpu.memory_space<vmem>>
      tpu.enqueue_dma source(%dma_start3A_109 : memref<128x64xf32, #tpu.memory_space<vmem>>) target(%dma_start3A_105 : memref<128x64xf32, #tpu.memory_space<vmem_shared>>) target_semaphore(%run_scoped3A_97 : memref<!tpu.dma_semaphore, #tpu.memory_space<semaphore_mem>>)
      %dma_wait3A_110 = arith.constant 0 : i32
      %dma_wait3A_111 = arith.constant 0 : i32
      %dma_wait3A_112 = tpu.memref_slice %arg9[%run_scoped3A_2, %dma_wait3A_110, %dma_wait3A_111] : memref<5x128x64xf32, #tpu.memory_space<vmem>> -> memref<1x128x64xf32, #tpu.memory_space<vmem>>
      %dma_wait3A_113 = tpu.memref_squeeze %dma_wait3A_112 : memref<1x128x64xf32, #tpu.memory_space<vmem>> -> memref<128x64xf32, #tpu.memory_space<vmem>>
      %dma_wait3A_114 = arith.constant 0 : i32
      %dma_wait3A_115 = tpu.memref_slice %arg10[%add3A_1, %dma_wait3A_114] : memref<10112x64xf32, #tpu.memory_space<vmem_shared>> -> memref<128x64xf32, #tpu.memory_space<vmem_shared>>
      %dma_wait3A_116 = arith.constant 0 : i32
      %dma_wait3A_117 = tpu.memref_slice %arg10[%add3A_1, %dma_wait3A_116] : memref<10112x64xf32, #tpu.memory_space<vmem_shared>> -> memref<128x64xf32, #tpu.memory_space<vmem_shared>>
      %dma_wait3A_118 = arith.constant 0 : i32
      %dma_wait3A_119 = arith.constant 0 : i32
      %dma_wait3A_120 = tpu.memref_slice %arg9[%run_scoped3A_2, %dma_wait3A_118, %dma_wait3A_119] : memref<5x128x64xf32, #tpu.memory_space<vmem>> -> memref<1x128x64xf32, #tpu.memory_space<vmem>>
      %dma_wait3A_121 = tpu.memref_squeeze %dma_wait3A_120 : memref<1x128x64xf32, #tpu.memory_space<vmem>> -> memref<128x64xf32, #tpu.memory_space<vmem>>
      tpu.wait_dma2 semaphore(%run_scoped3A_97 : memref<!tpu.dma_semaphore, #tpu.memory_space<semaphore_mem>>) src(%dma_wait3A_121 : memref<128x64xf32, #tpu.memory_space<vmem>>) dst(%dma_wait3A_117 : memref<128x64xf32, #tpu.memory_space<vmem_shared>>)
      tpu.yield
    }) : () -> ()
    %mul3A_3 = arith.constant 632 : i32
    %mul3A_4 = arith.muli %arg1, %mul3A_3 : i32
    %add3A_5 = arith.constant 128 : i32
    %add3A_6 = arith.addi %mul3A_4, %add3A_5 : i32
    %run_scoped3A_7 = arith.constant 0 : i32
    "tpu.region"() ({
      %run_scoped3A_97 = tpu.sem_alloc : memref<!tpu.dma_semaphore, #tpu.memory_space<semaphore_mem>>
      %dma_start3A_98 = arith.constant 0 : i32
      %dma_start3A_99 = arith.constant 0 : i32
      %dma_start3A_100 = tpu.memref_slice %arg9[%run_scoped3A_7, %dma_start3A_98, %dma_start3A_99] : memref<5x128x64xf32, #tpu.memory_space<vmem>> -> memref<1x128x64xf32, #tpu.memory_space<vmem>>
      %dma_start3A_101 = tpu.memref_squeeze %dma_start3A_100 : memref<1x128x64xf32, #tpu.memory_space<vmem>> -> memref<128x64xf32, #tpu.memory_space<vmem>>
      %dma_start3A_102 = arith.constant 0 : i32
      %dma_start3A_103 = tpu.memref_slice %arg10[%add3A_6, %dma_start3A_102] : memref<10112x64xf32, #tpu.memory_space<vmem_shared>> -> memref<128x64xf32, #tpu.memory_space<vmem_shared>>
      %dma_start3A_104 = arith.constant 0 : i32
      %dma_start3A_105 = tpu.memref_slice %arg10[%add3A_6, %dma_start3A_104] : memref<10112x64xf32, #tpu.memory_space<vmem_shared>> -> memref<128x64xf32, #tpu.memory_space<vmem_shared>>
      %dma_start3A_106 = arith.constant 0 : i32
      %dma_start3A_107 = arith.constant 0 : i32
      %dma_start3A_108 = tpu.memref_slice %arg9[%run_scoped3A_7, %dma_start3A_106, %dma_start3A_107] : memref<5x128x64xf32, #tpu.memory_space<vmem>> -> memref<1x128x64xf32, #tpu.memory_space<vmem>>
      %dma_start3A_109 = tpu.memref_squeeze %dma_start3A_108 : memref<1x128x64xf32, #tpu.memory_space<vmem>> -> memref<128x64xf32, #tpu.memory_space<vmem>>
      tpu.enqueue_dma source(%dma_start3A_109 : memref<128x64xf32, #tpu.memory_space<vmem>>) target(%dma_start3A_105 : memref<128x64xf32, #tpu.memory_space<vmem_shared>>) target_semaphore(%run_scoped3A_97 : memref<!tpu.dma_semaphore, #tpu.memory_space<semaphore_mem>>)
      %dma_wait3A_110 = arith.constant 0 : i32
      %dma_wait3A_111 = arith.constant 0 : i32
      %dma_wait3A_112 = tpu.memref_slice %arg9[%run_scoped3A_7, %dma_wait3A_110, %dma_wait3A_111] : memref<5x128x64xf32, #tpu.memory_space<vmem>> -> memref<1x128x64xf32, #tpu.memory_space<vmem>>
      %dma_wait3A_113 = tpu.memref_squeeze %dma_wait3A_112 : memref<1x128x64xf32, #tpu.memory_space<vmem>> -> memref<128x64xf32, #tpu.memory_space<vmem>>
      %dma_wait3A_114 = arith.constant 0 : i32
      %dma_wait3A_115 = tpu.memref_slice %arg10[%add3A_6, %dma_wait3A_114] : memref<10112x64xf32, #tpu.memory_space<vmem_shared>> -> memref<128x64xf32, #tpu.memory_space<vmem_shared>>
      %dma_wait3A_116 = arith.constant 0 : i32
      %dma_wait3A_117 = tpu.memref_slice %arg10[%add3A_6, %dma_wait3A_116] : memref<10112x64xf32, #tpu.memory_space<vmem_shared>> -> memref<128x64xf32, #tpu.memory_space<vmem_shared>>
      %dma_wait3A_118 = arith.constant 0 : i32
      %dma_wait3A_119 = arith.constant 0 : i32
      %dma_wait3A_120 = tpu.memref_slice %arg9[%run_scoped3A_7, %dma_wait3A_118, %dma_wait3A_119] : memref<5x128x64xf32, #tpu.memory_space<vmem>> -> memref<1x128x64xf32, #tpu.memory_space<vmem>>
      %dma_wait3A_121 = tpu.memref_squeeze %dma_wait3A_120 : memref<1x128x64xf32, #tpu.memory_space<vmem>> -> memref<128x64xf32, #tpu.memory_space<vmem>>
      tpu.wait_dma2 semaphore(%run_scoped3A_97 : memref<!tpu.dma_semaphore, #tpu.memory_space<semaphore_mem>>) src(%dma_wait3A_121 : memref<128x64xf32, #tpu.memory_space<vmem>>) dst(%dma_wait3A_117 : memref<128x64xf32, #tpu.memory_space<vmem_shared>>)
      tpu.yield
    }) : () -> ()
    %mul3A_8 = arith.constant 632 : i32
    %mul3A_9 = arith.muli %arg1, %mul3A_8 : i32
    %add3A_10 = arith.constant 256 : i32
    %add3A_11 = arith.addi %mul3A_9, %add3A_10 : i32
    %run_scoped3A_12 = arith.constant 0 : i32
    "tpu.region"() ({
      %run_scoped3A_97 = tpu.sem_alloc : memref<!tpu.dma_semaphore, #tpu.memory_space<semaphore_mem>>
      %dma_start3A_98 = arith.constant 0 : i32
      %dma_start3A_99 = arith.constant 0 : i32
      %dma_start3A_100 = tpu.memref_slice %arg9[%run_scoped3A_12, %dma_start3A_98, %dma_start3A_99] : memref<5x128x64xf32, #tpu.memory_space<vmem>> -> memref<1x128x64xf32, #tpu.memory_space<vmem>>
      %dma_start3A_101 = tpu.memref_squeeze %dma_start3A_100 : memref<1x128x64xf32, #tpu.memory_space<vmem>> -> memref<128x64xf32, #tpu.memory_space<vmem>>
      %dma_start3A_102 = arith.constant 0 : i32
      %dma_start3A_103 = tpu.memref_slice %arg10[%add3A_11, %dma_start3A_102] : memref<10112x64xf32, #tpu.memory_space<vmem_shared>> -> memref<128x64xf32, #tpu.memory_space<vmem_shared>>
      %dma_start3A_104 = arith.constant 0 : i32
      %dma_start3A_105 = tpu.memref_slice %arg10[%add3A_11, %dma_start3A_104] : memref<10112x64xf32, #tpu.memory_space<vmem_shared>> -> memref<128x64xf32, #tpu.memory_space<vmem_shared>>
      %dma_start3A_106 = arith.constant 0 : i32
      %dma_start3A_107 = arith.constant 0 : i32
      %dma_start3A_108 = tpu.memref_slice %arg9[%run_scoped3A_12, %dma_start3A_106, %dma_start3A_107] : memref<5x128x64xf32, #tpu.memory_space<vmem>> -> memref<1x128x64xf32, #tpu.memory_space<vmem>>
      %dma_start3A_109 = tpu.memref_squeeze %dma_start3A_108 : memref<1x128x64xf32, #tpu.memory_space<vmem>> -> memref<128x64xf32, #tpu.memory_space<vmem>>
      tpu.enqueue_dma source(%dma_start3A_109 : memref<128x64xf32, #tpu.memory_space<vmem>>) target(%dma_start3A_105 : memref<128x64xf32, #tpu.memory_space<vmem_shared>>) target_semaphore(%run_scoped3A_97 : memref<!tpu.dma_semaphore, #tpu.memory_space<semaphore_mem>>)
      %dma_wait3A_110 = arith.constant 0 : i32
      %dma_wait3A_111 = arith.constant 0 : i32
      %dma_wait3A_112 = tpu.memref_slice %arg9[%run_scoped3A_12, %dma_wait3A_110, %dma_wait3A_111] : memref<5x128x64xf32, #tpu.memory_space<vmem>> -> memref<1x128x64xf32, #tpu.memory_space<vmem>>
      %dma_wait3A_113 = tpu.memref_squeeze %dma_wait3A_112 : memref<1x128x64xf32, #tpu.memory_space<vmem>> -> memref<128x64xf32, #tpu.memory_space<vmem>>
      %dma_wait3A_114 = arith.constant 0 : i32
      %dma_wait3A_115 = tpu.memref_slice %arg10[%add3A_11, %dma_wait3A_114] : memref<10112x64xf32, #tpu.memory_space<vmem_shared>> -> memref<128x64xf32, #tpu.memory_space<vmem_shared>>
      %dma_wait3A_116 = arith.constant 0 : i32
      %dma_wait3A_117 = tpu.memref_slice %arg10[%add3A_11, %dma_wait3A_116] : memref<10112x64xf32, #tpu.memory_space<vmem_shared>> -> memref<128x64xf32, #tpu.memory_space<vmem_shared>>
      %dma_wait3A_118 = arith.constant 0 : i32
      %dma_wait3A_119 = arith.constant 0 : i32
      %dma_wait3A_120 = tpu.memref_slice %arg9[%run_scoped3A_12, %dma_wait3A_118, %dma_wait3A_119] : memref<5x128x64xf32, #tpu.memory_space<vmem>> -> memref<1x128x64xf32, #tpu.memory_space<vmem>>
      %dma_wait3A_121 = tpu.memref_squeeze %dma_wait3A_120 : memref<1x128x64xf32, #tpu.memory_space<vmem>> -> memref<128x64xf32, #tpu.memory_space<vmem>>
      tpu.wait_dma2 semaphore(%run_scoped3A_97 : memref<!tpu.dma_semaphore, #tpu.memory_space<semaphore_mem>>) src(%dma_wait3A_121 : memref<128x64xf32, #tpu.memory_space<vmem>>) dst(%dma_wait3A_117 : memref<128x64xf32, #tpu.memory_space<vmem_shared>>)
      tpu.yield
    }) : () -> ()
    %mul3A_13 = arith.constant 632 : i32
    %mul3A_14 = arith.muli %arg1, %mul3A_13 : i32
    %add3A_15 = arith.constant 384 : i32
    %add3A_16 = arith.addi %mul3A_14, %add3A_15 : i32
    %run_scoped3A_17 = arith.constant 0 : i32
    "tpu.region"() ({
      %run_scoped3A_97 = tpu.sem_alloc : memref<!tpu.dma_semaphore, #tpu.memory_space<semaphore_mem>>
      %dma_start3A_98 = arith.constant 0 : i32
      %dma_start3A_99 = arith.constant 0 : i32
      %dma_start3A_100 = tpu.memref_slice %arg9[%run_scoped3A_17, %dma_start3A_98, %dma_start3A_99] : memref<5x128x64xf32, #tpu.memory_space<vmem>> -> memref<1x128x64xf32, #tpu.memory_space<vmem>>
      %dma_start3A_101 = tpu.memref_squeeze %dma_start3A_100 : memref<1x128x64xf32, #tpu.memory_space<vmem>> -> memref<128x64xf32, #tpu.memory_space<vmem>>
      %dma_start3A_102 = arith.constant 0 : i32
      %dma_start3A_103 = tpu.memref_slice %arg10[%add3A_16, %dma_start3A_102] : memref<10112x64xf32, #tpu.memory_space<vmem_shared>> -> memref<128x64xf32, #tpu.memory_space<vmem_shared>>
      %dma_start3A_104 = arith.constant 0 : i32
      %dma_start3A_105 = tpu.memref_slice %arg10[%add3A_16, %dma_start3A_104] : memref<10112x64xf32, #tpu.memory_space<vmem_shared>> -> memref<128x64xf32, #tpu.memory_space<vmem_shared>>
      %dma_start3A_106 = arith.constant 0 : i32
      %dma_start3A_107 = arith.constant 0 : i32
      %dma_start3A_108 = tpu.memref_slice %arg9[%run_scoped3A_17, %dma_start3A_106, %dma_start3A_107] : memref<5x128x64xf32, #tpu.memory_space<vmem>> -> memref<1x128x64xf32, #tpu.memory_space<vmem>>
      %dma_start3A_109 = tpu.memref_squeeze %dma_start3A_108 : memref<1x128x64xf32, #tpu.memory_space<vmem>> -> memref<128x64xf32, #tpu.memory_space<vmem>>
      tpu.enqueue_dma source(%dma_start3A_109 : memref<128x64xf32, #tpu.memory_space<vmem>>) target(%dma_start3A_105 : memref<128x64xf32, #tpu.memory_space<vmem_shared>>) target_semaphore(%run_scoped3A_97 : memref<!tpu.dma_semaphore, #tpu.memory_space<semaphore_mem>>)
      %dma_wait3A_110 = arith.constant 0 : i32
      %dma_wait3A_111 = arith.constant 0 : i32
      %dma_wait3A_112 = tpu.memref_slice %arg9[%run_scoped3A_17, %dma_wait3A_110, %dma_wait3A_111] : memref<5x128x64xf32, #tpu.memory_space<vmem>> -> memref<1x128x64xf32, #tpu.memory_space<vmem>>
      %dma_wait3A_113 = tpu.memref_squeeze %dma_wait3A_112 : memref<1x128x64xf32, #tpu.memory_space<vmem>> -> memref<128x64xf32, #tpu.memory_space<vmem>>
      %dma_wait3A_114 = arith.constant 0 : i32
      %dma_wait3A_115 = tpu.memref_slice %arg10[%add3A_16, %dma_wait3A_114] : memref<10112x64xf32, #tpu.memory_space<vmem_shared>> -> memref<128x64xf32, #tpu.memory_space<vmem_shared>>
      %dma_wait3A_116 = arith.constant 0 : i32
      %dma_wait3A_117 = tpu.memref_slice %arg10[%add3A_16, %dma_wait3A_116] : memref<10112x64xf32, #tpu.memory_space<vmem_shared>> -> memref<128x64xf32, #tpu.memory_space<vmem_shared>>
      %dma_wait3A_118 = arith.constant 0 : i32
      %dma_wait3A_119 = arith.constant 0 : i32
      %dma_wait3A_120 = tpu.memref_slice %arg9[%run_scoped3A_17, %dma_wait3A_118, %dma_wait3A_119] : memref<5x128x64xf32, #tpu.memory_space<vmem>> -> memref<1x128x64xf32, #tpu.memory_space<vmem>>
      %dma_wait3A_121 = tpu.memref_squeeze %dma_wait3A_120 : memref<1x128x64xf32, #tpu.memory_space<vmem>> -> memref<128x64xf32, #tpu.memory_space<vmem>>
      tpu.wait_dma2 semaphore(%run_scoped3A_97 : memref<!tpu.dma_semaphore, #tpu.memory_space<semaphore_mem>>) src(%dma_wait3A_121 : memref<128x64xf32, #tpu.memory_space<vmem>>) dst(%dma_wait3A_117 : memref<128x64xf32, #tpu.memory_space<vmem_shared>>)
      tpu.yield
    }) : () -> ()
    %mul3A_18 = arith.constant 632 : i32
    %mul3A_19 = arith.muli %arg1, %mul3A_18 : i32
    %add3A_20 = arith.constant 512 : i32
    %add3A_21 = arith.addi %mul3A_19, %add3A_20 : i32
    %run_scoped3A_22 = arith.constant 0 : i32
    "tpu.region"() ({
      %run_scoped3A_97 = tpu.sem_alloc : memref<!tpu.dma_semaphore, #tpu.memory_space<semaphore_mem>>
      %dma_start3A_98 = arith.constant 0 : i32
      %dma_start3A_99 = arith.constant 0 : i32
      %dma_start3A_100 = tpu.memref_slice %arg9[%run_scoped3A_22, %dma_start3A_98, %dma_start3A_99] : memref<5x128x64xf32, #tpu.memory_space<vmem>> -> memref<1x120x64xf32, #tpu.memory_space<vmem>>
      %dma_start3A_101 = tpu.memref_squeeze %dma_start3A_100 : memref<1x120x64xf32, #tpu.memory_space<vmem>> -> memref<120x64xf32, #tpu.memory_space<vmem>>
      %dma_start3A_102 = arith.constant 0 : i32
      %dma_start3A_103 = tpu.memref_slice %arg10[%add3A_21, %dma_start3A_102] : memref<10112x64xf32, #tpu.memory_space<vmem_shared>> -> memref<120x64xf32, #tpu.memory_space<vmem_shared>>
      %dma_start3A_104 = arith.constant 0 : i32
      %dma_start3A_105 = tpu.memref_slice %arg10[%add3A_21, %dma_start3A_104] : memref<10112x64xf32, #tpu.memory_space<vmem_shared>> -> memref<120x64xf32, #tpu.memory_space<vmem_shared>>
      %dma_start3A_106 = arith.constant 0 : i32
      %dma_start3A_107 = arith.constant 0 : i32
      %dma_start3A_108 = tpu.memref_slice %arg9[%run_scoped3A_22, %dma_start3A_106, %dma_start3A_107] : memref<5x128x64xf32, #tpu.memory_space<vmem>> -> memref<1x120x64xf32, #tpu.memory_space<vmem>>
      %dma_start3A_109 = tpu.memref_squeeze %dma_start3A_108 : memref<1x120x64xf32, #tpu.memory_space<vmem>> -> memref<120x64xf32, #tpu.memory_space<vmem>>
      tpu.enqueue_dma source(%dma_start3A_109 : memref<120x64xf32, #tpu.memory_space<vmem>>) target(%dma_start3A_105 : memref<120x64xf32, #tpu.memory_space<vmem_shared>>) target_semaphore(%run_scoped3A_97 : memref<!tpu.dma_semaphore, #tpu.memory_space<semaphore_mem>>)
      %dma_wait3A_110 = arith.constant 0 : i32
      %dma_wait3A_111 = arith.constant 0 : i32
      %dma_wait3A_112 = tpu.memref_slice %arg9[%run_scoped3A_22, %dma_wait3A_110, %dma_wait3A_111] : memref<5x128x64xf32, #tpu.memory_space<vmem>> -> memref<1x120x64xf32, #tpu.memory_space<vmem>>
      %dma_wait3A_113 = tpu.memref_squeeze %dma_wait3A_112 : memref<1x120x64xf32, #tpu.memory_space<vmem>> -> memref<120x64xf32, #tpu.memory_space<vmem>>
      %dma_wait3A_114 = arith.constant 0 : i32
      %dma_wait3A_115 = tpu.memref_slice %arg10[%add3A_21, %dma_wait3A_114] : memref<10112x64xf32, #tpu.memory_space<vmem_shared>> -> memref<120x64xf32, #tpu.memory_space<vmem_shared>>
      %dma_wait3A_116 = arith.constant 0 : i32
      %dma_wait3A_117 = tpu.memref_slice %arg10[%add3A_21, %dma_wait3A_116] : memref<10112x64xf32, #tpu.memory_space<vmem_shared>> -> memref<120x64xf32, #tpu.memory_space<vmem_shared>>
      %dma_wait3A_118 = arith.constant 0 : i32
      %dma_wait3A_119 = arith.constant 0 : i32
      %dma_wait3A_120 = tpu.memref_slice %arg9[%run_scoped3A_22, %dma_wait3A_118, %dma_wait3A_119] : memref<5x128x64xf32, #tpu.memory_space<vmem>> -> memref<1x120x64xf32, #tpu.memory_space<vmem>>
      %dma_wait3A_121 = tpu.memref_squeeze %dma_wait3A_120 : memref<1x120x64xf32, #tpu.memory_space<vmem>> -> memref<120x64xf32, #tpu.memory_space<vmem>>
      tpu.wait_dma2 semaphore(%run_scoped3A_97 : memref<!tpu.dma_semaphore, #tpu.memory_space<semaphore_mem>>) src(%dma_wait3A_121 : memref<120x64xf32, #tpu.memory_space<vmem>>) dst(%dma_wait3A_117 : memref<120x64xf32, #tpu.memory_space<vmem_shared>>)
      tpu.yield
    }) : () -> ()
    %mul3A_23 = arith.constant 2560 : i32
    %mul3A_24 = arith.muli %arg0, %mul3A_23 : i32
    %mul3A_25 = arith.constant 160 : i32
    %mul3A_26 = arith.muli %arg1, %mul3A_25 : i32
    %add3A_27 = arith.addi %mul3A_24, %mul3A_26 : i32
    "tpu.region"() ({
      %run_scoped3A_97 = tpu.sem_alloc : memref<!tpu.dma_semaphore, #tpu.memory_space<semaphore_mem>>
      %dma_start3A_98 = arith.constant 0 : i32
      %dma_start3A_99 = tpu.memref_slice %arg3[%add3A_27, %dma_start3A_98] : memref<5120x128xi32, #tpu.memory_space<hbm>> -> memref<160x128xi32, #tpu.memory_space<hbm>>
      %dma_start3A_100 = arith.constant 0 : i32
      %dma_start3A_101 = tpu.memref_slice %arg3[%add3A_27, %dma_start3A_100] : memref<5120x128xi32, #tpu.memory_space<hbm>> -> memref<160x128xi32, #tpu.memory_space<hbm>>
      tpu.enqueue_dma source(%dma_start3A_101 : memref<160x128xi32, #tpu.memory_space<hbm>>) target(%arg7 : memref<160x128xi32, #tpu.memory_space<vmem>>) target_semaphore(%run_scoped3A_97 : memref<!tpu.dma_semaphore, #tpu.memory_space<semaphore_mem>>)
      %dma_wait3A_102 = arith.constant 0 : i32
      %dma_wait3A_103 = tpu.memref_slice %arg3[%add3A_27, %dma_wait3A_102] : memref<5120x128xi32, #tpu.memory_space<hbm>> -> memref<160x128xi32, #tpu.memory_space<hbm>>
      %dma_wait3A_104 = arith.constant 0 : i32
      %dma_wait3A_105 = tpu.memref_slice %arg3[%add3A_27, %dma_wait3A_104] : memref<5120x128xi32, #tpu.memory_space<hbm>> -> memref<160x128xi32, #tpu.memory_space<hbm>>
      tpu.wait_dma2 semaphore(%run_scoped3A_97 : memref<!tpu.dma_semaphore, #tpu.memory_space<semaphore_mem>>) src(%dma_wait3A_105 : memref<160x128xi32, #tpu.memory_space<hbm>>) dst(%arg7 : memref<160x128xi32, #tpu.memory_space<vmem>>)
      tpu.yield
    }) : () -> ()
    %mul3A_28 = arith.constant 160 : i32
    %mul3A_29 = arith.muli %arg1, %mul3A_28 : i32
    "tpu.region"() ({
      %run_scoped3A_97 = tpu.sem_alloc : memref<!tpu.dma_semaphore, #tpu.memory_space<semaphore_mem>>
      %dma_start3A_98 = arith.constant 0 : i32
      %dma_start3A_99 = tpu.memref_slice %arg4[%mul3A_29, %dma_start3A_98] : memref<2560x128xi32, #tpu.memory_space<hbm>> -> memref<160x128xi32, #tpu.memory_space<hbm>>
      %dma_start3A_100 = arith.constant 0 : i32
      %dma_start3A_101 = tpu.memref_slice %arg4[%mul3A_29, %dma_start3A_100] : memref<2560x128xi32, #tpu.memory_space<hbm>> -> memref<160x128xi32, #tpu.memory_space<hbm>>
      tpu.enqueue_dma source(%dma_start3A_101 : memref<160x128xi32, #tpu.memory_space<hbm>>) target(%arg8 : memref<160x128xi32, #tpu.memory_space<vmem>>) target_semaphore(%run_scoped3A_97 : memref<!tpu.dma_semaphore, #tpu.memory_space<semaphore_mem>>)
      %dma_wait3A_102 = arith.constant 0 : i32
      %dma_wait3A_103 = tpu.memref_slice %arg4[%mul3A_29, %dma_wait3A_102] : memref<2560x128xi32, #tpu.memory_space<hbm>> -> memref<160x128xi32, #tpu.memory_space<hbm>>
      %dma_wait3A_104 = arith.constant 0 : i32
      %dma_wait3A_105 = tpu.memref_slice %arg4[%mul3A_29, %dma_wait3A_104] : memref<2560x128xi32, #tpu.memory_space<hbm>> -> memref<160x128xi32, #tpu.memory_space<hbm>>
      tpu.wait_dma2 semaphore(%run_scoped3A_97 : memref<!tpu.dma_semaphore, #tpu.memory_space<semaphore_mem>>) src(%dma_wait3A_105 : memref<160x128xi32, #tpu.memory_space<hbm>>) dst(%arg8 : memref<160x128xi32, #tpu.memory_space<vmem>>)
      tpu.yield
    }) : () -> ()
    %barrier3A = arith.constant 0 : index
    tpu.barrier barrier_id(%barrier3A)
    %dma_start3A = arith.constant 0 : i32
    %dma_start3A_30 = arith.constant 0 : i32
    %dma_start3A_31 = arith.constant 0 : i32
    %dma_start3A_32 = arith.constant 0 : i32
    %dma_start3A_33 = tpu.memref_slice %arg9[%dma_start3A_30, %dma_start3A_31, %dma_start3A_32] : memref<5x128x64xf32, #tpu.memory_space<vmem>> -> memref<1x128x64xf32, #tpu.memory_space<vmem>>
    %dma_start3A_34 = tpu.memref_squeeze %dma_start3A_33 : memref<1x128x64xf32, #tpu.memory_space<vmem>> -> memref<128x64xf32, #tpu.memory_space<vmem>>
    %dma_start3A_35 = arith.constant 0 : i32
    %dma_start3A_36 = tpu.memref_slice %arg7[%dma_start3A, %dma_start3A_35] : memref<160x128xi32, #tpu.memory_space<vmem>> -> memref<1x128xi32, #tpu.memory_space<vmem>>
    %dma_start3A_37 = tpu.memref_squeeze %dma_start3A_36 : memref<1x128xi32, #tpu.memory_space<vmem>> -> memref<128xi32, #tpu.memory_space<vmem>>
    %dma_start3A_38 = arith.constant 0 : i32
    %dma_start3A_39 = arith.constant 0 : i32
    %dma_start3A_40 = tpu.memref_slice %arg2[%dma_start3A_38, %dma_start3A_39] : memref<20000x64xf32, #tpu.memory_space<hbm>> -> memref<20000x64xf32, #tpu.memory_space<hbm>>
    tpu.enqueue_indirect_dma source(%dma_start3A_40 : memref<20000x64xf32, #tpu.memory_space<hbm>>) target(%dma_start3A_34 : memref<128x64xf32, #tpu.memory_space<vmem>>) offsets(%dma_start3A_37 : memref<128xi32, #tpu.memory_space<vmem>>) semaphore(%arg11 : memref<!tpu.dma_semaphore, #tpu.memory_space<semaphore_mem>>)
    %dma_start3A_41 = arith.constant 1 : i32
    %dma_start3A_42 = arith.constant 1 : i32
    %dma_start3A_43 = arith.constant 0 : i32
    %dma_start3A_44 = arith.constant 0 : i32
    %dma_start3A_45 = tpu.memref_slice %arg9[%dma_start3A_42, %dma_start3A_43, %dma_start3A_44] : memref<5x128x64xf32, #tpu.memory_space<vmem>> -> memref<1x128x64xf32, #tpu.memory_space<vmem>>
    %dma_start3A_46 = tpu.memref_squeeze %dma_start3A_45 : memref<1x128x64xf32, #tpu.memory_space<vmem>> -> memref<128x64xf32, #tpu.memory_space<vmem>>
    %dma_start3A_47 = arith.constant 0 : i32
    %dma_start3A_48 = tpu.memref_slice %arg7[%dma_start3A_41, %dma_start3A_47] : memref<160x128xi32, #tpu.memory_space<vmem>> -> memref<1x128xi32, #tpu.memory_space<vmem>>
    %dma_start3A_49 = tpu.memref_squeeze %dma_start3A_48 : memref<1x128xi32, #tpu.memory_space<vmem>> -> memref<128xi32, #tpu.memory_space<vmem>>
    %dma_start3A_50 = arith.constant 0 : i32
    %dma_start3A_51 = arith.constant 0 : i32
    %dma_start3A_52 = tpu.memref_slice %arg2[%dma_start3A_50, %dma_start3A_51] : memref<20000x64xf32, #tpu.memory_space<hbm>> -> memref<20000x64xf32, #tpu.memory_space<hbm>>
    tpu.enqueue_indirect_dma source(%dma_start3A_52 : memref<20000x64xf32, #tpu.memory_space<hbm>>) target(%dma_start3A_46 : memref<128x64xf32, #tpu.memory_space<vmem>>) offsets(%dma_start3A_49 : memref<128xi32, #tpu.memory_space<vmem>>) semaphore(%arg12 : memref<!tpu.dma_semaphore, #tpu.memory_space<semaphore_mem>>)
    %scan3A = arith.constant 0 : i32
    %scan3A_53 = arith.constant 32 : i32
    %scan3A_54 = arith.addi %scan3A, %scan3A_53 : i32
    %scan3A_55 = arith.constant 1 : i32
    scf.for %scan3A_97 = %scan3A to %scan3A_54 step %scan3A_55  : i32 {
      %mul3A_98 = arith.constant 5 : i32
      %mul3A_99 = arith.muli %scan3A_97, %mul3A_98 : i32
      %add3A_100 = arith.constant 0 : i32
      %add3A_101 = arith.addi %mul3A_99, %add3A_100 : i32
      %dma_wait3A_102 = arith.constant 0 : i32
      %dma_wait3A_103 = arith.constant 0 : i32
      %dma_wait3A_104 = arith.constant 0 : i32
      %dma_wait3A_105 = tpu.memref_slice %arg9[%dma_wait3A_102, %dma_wait3A_103, %dma_wait3A_104] : memref<5x128x64xf32, #tpu.memory_space<vmem>> -> memref<1x128x64xf32, #tpu.memory_space<vmem>>
      %dma_wait3A_106 = tpu.memref_squeeze %dma_wait3A_105 : memref<1x128x64xf32, #tpu.memory_space<vmem>> -> memref<128x64xf32, #tpu.memory_space<vmem>>
      %dma_wait3A_107 = arith.constant 0 : i32
      %dma_wait3A_108 = tpu.memref_slice %arg7[%add3A_101, %dma_wait3A_107] : memref<160x128xi32, #tpu.memory_space<vmem>> -> memref<1x128xi32, #tpu.memory_space<vmem>>
      %dma_wait3A_109 = tpu.memref_squeeze %dma_wait3A_108 : memref<1x128xi32, #tpu.memory_space<vmem>> -> memref<128xi32, #tpu.memory_space<vmem>>
      %dma_wait3A_110 = arith.constant 0 : i32
      %dma_wait3A_111 = arith.constant 0 : i32
      %dma_wait3A_112 = tpu.memref_slice %arg2[%dma_wait3A_110, %dma_wait3A_111] : memref<20000x64xf32, #tpu.memory_space<hbm>> -> memref<20000x64xf32, #tpu.memory_space<hbm>>
      tpu.wait_indirect_dma semaphore(%arg11 : memref<!tpu.dma_semaphore, #tpu.memory_space<semaphore_mem>>) src(%dma_wait3A_112 : memref<20000x64xf32, #tpu.memory_space<hbm>>) dst(%dma_wait3A_106 : memref<128x64xf32, #tpu.memory_space<vmem>>)
      %dma_start3A_113 = arith.constant 0 : i32
      %dma_start3A_114 = arith.constant 0 : i32
      %dma_start3A_115 = arith.constant 0 : i32
      %dma_start3A_116 = tpu.memref_slice %arg9[%dma_start3A_113, %dma_start3A_114, %dma_start3A_115] : memref<5x128x64xf32, #tpu.memory_space<vmem>> -> memref<1x128x64xf32, #tpu.memory_space<vmem>>
      %dma_start3A_117 = tpu.memref_squeeze %dma_start3A_116 : memref<1x128x64xf32, #tpu.memory_space<vmem>> -> memref<128x64xf32, #tpu.memory_space<vmem>>
      %dma_start3A_118 = arith.constant 0 : i32
      %dma_start3A_119 = tpu.memref_slice %arg8[%add3A_101, %dma_start3A_118] : memref<160x128xi32, #tpu.memory_space<vmem>> -> memref<1x128xi32, #tpu.memory_space<vmem>>
      %dma_start3A_120 = tpu.memref_squeeze %dma_start3A_119 : memref<1x128xi32, #tpu.memory_space<vmem>> -> memref<128xi32, #tpu.memory_space<vmem>>
      %dma_start3A_121 = arith.constant 0 : i32
      %dma_start3A_122 = arith.constant 0 : i32
      %dma_start3A_123 = tpu.memref_slice %arg10[%dma_start3A_121, %dma_start3A_122] : memref<10112x64xf32, #tpu.memory_space<vmem_shared>> -> memref<10112x64xf32, #tpu.memory_space<vmem_shared>>
      tpu.enqueue_indirect_dma source(%dma_start3A_117 : memref<128x64xf32, #tpu.memory_space<vmem>>) target(%dma_start3A_123 : memref<10112x64xf32, #tpu.memory_space<vmem_shared>>) offsets(%dma_start3A_120 : memref<128xi32, #tpu.memory_space<vmem>>) semaphore(%arg16 : memref<!tpu.dma_semaphore, #tpu.memory_space<semaphore_mem>>) {add = true}
      %ge3A = arith.constant 3 : i32
      %ge3A_124 = arith.cmpi sge, %add3A_101, %ge3A : i32
      %convert_element_type3A = arith.extui %ge3A_124 : i1 to i32
      %cond3A = arith.constant 0 : i32
      %cond3A_125 = arith.cmpi ne, %convert_element_type3A, %cond3A : i32
      scf.if %cond3A_125 {
        %sub3A = arith.constant 3 : i32
        %sub3A_284 = arith.subi %add3A_101, %sub3A : i32
        %dma_wait3A_285 = arith.constant 2 : i32
        %dma_wait3A_286 = arith.constant 0 : i32
        %dma_wait3A_287 = arith.constant 0 : i32
        %dma_wait3A_288 = tpu.memref_slice %arg9[%dma_wait3A_285, %dma_wait3A_286, %dma_wait3A_287] : memref<5x128x64xf32, #tpu.memory_space<vmem>> -> memref<1x128x64xf32, #tpu.memory_space<vmem>>
        %dma_wait3A_289 = tpu.memref_squeeze %dma_wait3A_288 : memref<1x128x64xf32, #tpu.memory_space<vmem>> -> memref<128x64xf32, #tpu.memory_space<vmem>>
        %dma_wait3A_290 = arith.constant 0 : i32
        %dma_wait3A_291 = tpu.memref_slice %arg8[%sub3A_284, %dma_wait3A_290] : memref<160x128xi32, #tpu.memory_space<vmem>> -> memref<1x128xi32, #tpu.memory_space<vmem>>
        %dma_wait3A_292 = tpu.memref_squeeze %dma_wait3A_291 : memref<1x128xi32, #tpu.memory_space<vmem>> -> memref<128xi32, #tpu.memory_space<vmem>>
        %dma_wait3A_293 = arith.constant 0 : i32
        %dma_wait3A_294 = arith.constant 0 : i32
        %dma_wait3A_295 = tpu.memref_slice %arg10[%dma_wait3A_293, %dma_wait3A_294] : memref<10112x64xf32, #tpu.memory_space<vmem_shared>> -> memref<10112x64xf32, #tpu.memory_space<vmem_shared>>
        tpu.wait_indirect_dma semaphore(%arg18 : memref<!tpu.dma_semaphore, #tpu.memory_space<semaphore_mem>>) src(%dma_wait3A_289 : memref<128x64xf32, #tpu.memory_space<vmem>>) dst(%dma_wait3A_295 : memref<10112x64xf32, #tpu.memory_space<vmem_shared>>)
      } else {
      }
      %add3A_126 = arith.constant 2 : i32
      %add3A_127 = arith.addi %add3A_101, %add3A_126 : i32
      %lt3A = arith.constant 160 : i32
      %lt3A_128 = arith.cmpi slt, %add3A_127, %lt3A : i32
      %convert_element_type3A_129 = arith.extui %lt3A_128 : i1 to i32
      %cond3A_130 = arith.constant 0 : i32
      %cond3A_131 = arith.cmpi ne, %convert_element_type3A_129, %cond3A_130 : i32
      scf.if %cond3A_131 {
        %add3A_284 = arith.constant 2 : i32
        %add3A_285 = arith.addi %add3A_101, %add3A_284 : i32
        %dma_start3A_286 = arith.constant 2 : i32
        %dma_start3A_287 = arith.constant 0 : i32
        %dma_start3A_288 = arith.constant 0 : i32
        %dma_start3A_289 = tpu.memref_slice %arg9[%dma_start3A_286, %dma_start3A_287, %dma_start3A_288] : memref<5x128x64xf32, #tpu.memory_space<vmem>> -> memref<1x128x64xf32, #tpu.memory_space<vmem>>
        %dma_start3A_290 = tpu.memref_squeeze %dma_start3A_289 : memref<1x128x64xf32, #tpu.memory_space<vmem>> -> memref<128x64xf32, #tpu.memory_space<vmem>>
        %dma_start3A_291 = arith.constant 0 : i32
        %dma_start3A_292 = tpu.memref_slice %arg7[%add3A_285, %dma_start3A_291] : memref<160x128xi32, #tpu.memory_space<vmem>> -> memref<1x128xi32, #tpu.memory_space<vmem>>
        %dma_start3A_293 = tpu.memref_squeeze %dma_start3A_292 : memref<1x128xi32, #tpu.memory_space<vmem>> -> memref<128xi32, #tpu.memory_space<vmem>>
        %dma_start3A_294 = arith.constant 0 : i32
        %dma_start3A_295 = arith.constant 0 : i32
        %dma_start3A_296 = tpu.memref_slice %arg2[%dma_start3A_294, %dma_start3A_295] : memref<20000x64xf32, #tpu.memory_space<hbm>> -> memref<20000x64xf32, #tpu.memory_space<hbm>>
        tpu.enqueue_indirect_dma source(%dma_start3A_296 : memref<20000x64xf32, #tpu.memory_space<hbm>>) target(%dma_start3A_290 : memref<128x64xf32, #tpu.memory_space<vmem>>) offsets(%dma_start3A_293 : memref<128xi32, #tpu.memory_space<vmem>>) semaphore(%arg13 : memref<!tpu.dma_semaphore, #tpu.memory_space<semaphore_mem>>)
      } else {
      }
      %mul3A_132 = arith.constant 5 : i32
      %mul3A_133 = arith.muli %scan3A_97, %mul3A_132 : i32
      %add3A_134 = arith.constant 1 : i32
      %add3A_135 = arith.addi %mul3A_133, %add3A_134 : i32
      %dma_wait3A_136 = arith.constant 1 : i32
      %dma_wait3A_137 = arith.constant 0 : i32
      %dma_wait3A_138 = arith.constant 0 : i32
      %dma_wait3A_139 = tpu.memref_slice %arg9[%dma_wait3A_136, %dma_wait3A_137, %dma_wait3A_138] : memref<5x128x64xf32, #tpu.memory_space<vmem>> -> memref<1x128x64xf32, #tpu.memory_space<vmem>>
      %dma_wait3A_140 = tpu.memref_squeeze %dma_wait3A_139 : memref<1x128x64xf32, #tpu.memory_space<vmem>> -> memref<128x64xf32, #tpu.memory_space<vmem>>
      %dma_wait3A_141 = arith.constant 0 : i32
      %dma_wait3A_142 = tpu.memref_slice %arg7[%add3A_135, %dma_wait3A_141] : memref<160x128xi32, #tpu.memory_space<vmem>> -> memref<1x128xi32, #tpu.memory_space<vmem>>
      %dma_wait3A_143 = tpu.memref_squeeze %dma_wait3A_142 : memref<1x128xi32, #tpu.memory_space<vmem>> -> memref<128xi32, #tpu.memory_space<vmem>>
      %dma_wait3A_144 = arith.constant 0 : i32
      %dma_wait3A_145 = arith.constant 0 : i32
      %dma_wait3A_146 = tpu.memref_slice %arg2[%dma_wait3A_144, %dma_wait3A_145] : memref<20000x64xf32, #tpu.memory_space<hbm>> -> memref<20000x64xf32, #tpu.memory_space<hbm>>
      tpu.wait_indirect_dma semaphore(%arg12 : memref<!tpu.dma_semaphore, #tpu.memory_space<semaphore_mem>>) src(%dma_wait3A_146 : memref<20000x64xf32, #tpu.memory_space<hbm>>) dst(%dma_wait3A_140 : memref<128x64xf32, #tpu.memory_space<vmem>>)
      %dma_start3A_147 = arith.constant 1 : i32
      %dma_start3A_148 = arith.constant 0 : i32
      %dma_start3A_149 = arith.constant 0 : i32
      %dma_start3A_150 = tpu.memref_slice %arg9[%dma_start3A_147, %dma_start3A_148, %dma_start3A_149] : memref<5x128x64xf32, #tpu.memory_space<vmem>> -> memref<1x128x64xf32, #tpu.memory_space<vmem>>
      %dma_start3A_151 = tpu.memref_squeeze %dma_start3A_150 : memref<1x128x64xf32, #tpu.memory_space<vmem>> -> memref<128x64xf32, #tpu.memory_space<vmem>>
      %dma_start3A_152 = arith.constant 0 : i32
      %dma_start3A_153 = tpu.memref_slice %arg8[%add3A_135, %dma_start3A_152] : memref<160x128xi32, #tpu.memory_space<vmem>> -> memref<1x128xi32, #tpu.memory_space<vmem>>
      %dma_start3A_154 = tpu.memref_squeeze %dma_start3A_153 : memref<1x128xi32, #tpu.memory_space<vmem>> -> memref<128xi32, #tpu.memory_space<vmem>>
      %dma_start3A_155 = arith.constant 0 : i32
      %dma_start3A_156 = arith.constant 0 : i32
      %dma_start3A_157 = tpu.memref_slice %arg10[%dma_start3A_155, %dma_start3A_156] : memref<10112x64xf32, #tpu.memory_space<vmem_shared>> -> memref<10112x64xf32, #tpu.memory_space<vmem_shared>>
      tpu.enqueue_indirect_dma source(%dma_start3A_151 : memref<128x64xf32, #tpu.memory_space<vmem>>) target(%dma_start3A_157 : memref<10112x64xf32, #tpu.memory_space<vmem_shared>>) offsets(%dma_start3A_154 : memref<128xi32, #tpu.memory_space<vmem>>) semaphore(%arg17 : memref<!tpu.dma_semaphore, #tpu.memory_space<semaphore_mem>>) {add = true}
      %ge3A_158 = arith.constant 3 : i32
      %ge3A_159 = arith.cmpi sge, %add3A_135, %ge3A_158 : i32
      %convert_element_type3A_160 = arith.extui %ge3A_159 : i1 to i32
      %cond3A_161 = arith.constant 0 : i32
      %cond3A_162 = arith.cmpi ne, %convert_element_type3A_160, %cond3A_161 : i32
      scf.if %cond3A_162 {
        %sub3A = arith.constant 3 : i32
        %sub3A_284 = arith.subi %add3A_135, %sub3A : i32
        %dma_wait3A_285 = arith.constant 3 : i32
        %dma_wait3A_286 = arith.constant 0 : i32
        %dma_wait3A_287 = arith.constant 0 : i32
        %dma_wait3A_288 = tpu.memref_slice %arg9[%dma_wait3A_285, %dma_wait3A_286, %dma_wait3A_287] : memref<5x128x64xf32, #tpu.memory_space<vmem>> -> memref<1x128x64xf32, #tpu.memory_space<vmem>>
        %dma_wait3A_289 = tpu.memref_squeeze %dma_wait3A_288 : memref<1x128x64xf32, #tpu.memory_space<vmem>> -> memref<128x64xf32, #tpu.memory_space<vmem>>
        %dma_wait3A_290 = arith.constant 0 : i32
        %dma_wait3A_291 = tpu.memref_slice %arg8[%sub3A_284, %dma_wait3A_290] : memref<160x128xi32, #tpu.memory_space<vmem>> -> memref<1x128xi32, #tpu.memory_space<vmem>>
        %dma_wait3A_292 = tpu.memref_squeeze %dma_wait3A_291 : memref<1x128xi32, #tpu.memory_space<vmem>> -> memref<128xi32, #tpu.memory_space<vmem>>
        %dma_wait3A_293 = arith.constant 0 : i32
        %dma_wait3A_294 = arith.constant 0 : i32
        %dma_wait3A_295 = tpu.memref_slice %arg10[%dma_wait3A_293, %dma_wait3A_294] : memref<10112x64xf32, #tpu.memory_space<vmem_shared>> -> memref<10112x64xf32, #tpu.memory_space<vmem_shared>>
        tpu.wait_indirect_dma semaphore(%arg19 : memref<!tpu.dma_semaphore, #tpu.memory_space<semaphore_mem>>) src(%dma_wait3A_289 : memref<128x64xf32, #tpu.memory_space<vmem>>) dst(%dma_wait3A_295 : memref<10112x64xf32, #tpu.memory_space<vmem_shared>>)
      } else {
      }
      %add3A_163 = arith.constant 2 : i32
      %add3A_164 = arith.addi %add3A_135, %add3A_163 : i32
      %lt3A_165 = arith.constant 160 : i32
      %lt3A_166 = arith.cmpi slt, %add3A_164, %lt3A_165 : i32
      %convert_element_type3A_167 = arith.extui %lt3A_166 : i1 to i32
      %cond3A_168 = arith.constant 0 : i32
      %cond3A_169 = arith.cmpi ne, %convert_element_type3A_167, %cond3A_168 : i32
      scf.if %cond3A_169 {
        %add3A_284 = arith.constant 2 : i32
        %add3A_285 = arith.addi %add3A_135, %add3A_284 : i32
        %dma_start3A_286 = arith.constant 3 : i32
        %dma_start3A_287 = arith.constant 0 : i32
        %dma_start3A_288 = arith.constant 0 : i32
        %dma_start3A_289 = tpu.memref_slice %arg9[%dma_start3A_286, %dma_start3A_287, %dma_start3A_288] : memref<5x128x64xf32, #tpu.memory_space<vmem>> -> memref<1x128x64xf32, #tpu.memory_space<vmem>>
        %dma_start3A_290 = tpu.memref_squeeze %dma_start3A_289 : memref<1x128x64xf32, #tpu.memory_space<vmem>> -> memref<128x64xf32, #tpu.memory_space<vmem>>
        %dma_start3A_291 = arith.constant 0 : i32
        %dma_start3A_292 = tpu.memref_slice %arg7[%add3A_285, %dma_start3A_291] : memref<160x128xi32, #tpu.memory_space<vmem>> -> memref<1x128xi32, #tpu.memory_space<vmem>>
        %dma_start3A_293 = tpu.memref_squeeze %dma_start3A_292 : memref<1x128xi32, #tpu.memory_space<vmem>> -> memref<128xi32, #tpu.memory_space<vmem>>
        %dma_start3A_294 = arith.constant 0 : i32
        %dma_start3A_295 = arith.constant 0 : i32
        %dma_start3A_296 = tpu.memref_slice %arg2[%dma_start3A_294, %dma_start3A_295] : memref<20000x64xf32, #tpu.memory_space<hbm>> -> memref<20000x64xf32, #tpu.memory_space<hbm>>
        tpu.enqueue_indirect_dma source(%dma_start3A_296 : memref<20000x64xf32, #tpu.memory_space<hbm>>) target(%dma_start3A_290 : memref<128x64xf32, #tpu.memory_space<vmem>>) offsets(%dma_start3A_293 : memref<128xi32, #tpu.memory_space<vmem>>) semaphore(%arg14 : memref<!tpu.dma_semaphore, #tpu.memory_space<semaphore_mem>>)
      } else {
      }
      %mul3A_170 = arith.constant 5 : i32
      %mul3A_171 = arith.muli %scan3A_97, %mul3A_170 : i32
      %add3A_172 = arith.constant 2 : i32
      %add3A_173 = arith.addi %mul3A_171, %add3A_172 : i32
      %dma_wait3A_174 = arith.constant 2 : i32
      %dma_wait3A_175 = arith.constant 0 : i32
      %dma_wait3A_176 = arith.constant 0 : i32
      %dma_wait3A_177 = tpu.memref_slice %arg9[%dma_wait3A_174, %dma_wait3A_175, %dma_wait3A_176] : memref<5x128x64xf32, #tpu.memory_space<vmem>> -> memref<1x128x64xf32, #tpu.memory_space<vmem>>
      %dma_wait3A_178 = tpu.memref_squeeze %dma_wait3A_177 : memref<1x128x64xf32, #tpu.memory_space<vmem>> -> memref<128x64xf32, #tpu.memory_space<vmem>>
      %dma_wait3A_179 = arith.constant 0 : i32
      %dma_wait3A_180 = tpu.memref_slice %arg7[%add3A_173, %dma_wait3A_179] : memref<160x128xi32, #tpu.memory_space<vmem>> -> memref<1x128xi32, #tpu.memory_space<vmem>>
      %dma_wait3A_181 = tpu.memref_squeeze %dma_wait3A_180 : memref<1x128xi32, #tpu.memory_space<vmem>> -> memref<128xi32, #tpu.memory_space<vmem>>
      %dma_wait3A_182 = arith.constant 0 : i32
      %dma_wait3A_183 = arith.constant 0 : i32
      %dma_wait3A_184 = tpu.memref_slice %arg2[%dma_wait3A_182, %dma_wait3A_183] : memref<20000x64xf32, #tpu.memory_space<hbm>> -> memref<20000x64xf32, #tpu.memory_space<hbm>>
      tpu.wait_indirect_dma semaphore(%arg13 : memref<!tpu.dma_semaphore, #tpu.memory_space<semaphore_mem>>) src(%dma_wait3A_184 : memref<20000x64xf32, #tpu.memory_space<hbm>>) dst(%dma_wait3A_178 : memref<128x64xf32, #tpu.memory_space<vmem>>)
      %dma_start3A_185 = arith.constant 2 : i32
      %dma_start3A_186 = arith.constant 0 : i32
      %dma_start3A_187 = arith.constant 0 : i32
      %dma_start3A_188 = tpu.memref_slice %arg9[%dma_start3A_185, %dma_start3A_186, %dma_start3A_187] : memref<5x128x64xf32, #tpu.memory_space<vmem>> -> memref<1x128x64xf32, #tpu.memory_space<vmem>>
      %dma_start3A_189 = tpu.memref_squeeze %dma_start3A_188 : memref<1x128x64xf32, #tpu.memory_space<vmem>> -> memref<128x64xf32, #tpu.memory_space<vmem>>
      %dma_start3A_190 = arith.constant 0 : i32
      %dma_start3A_191 = tpu.memref_slice %arg8[%add3A_173, %dma_start3A_190] : memref<160x128xi32, #tpu.memory_space<vmem>> -> memref<1x128xi32, #tpu.memory_space<vmem>>
      %dma_start3A_192 = tpu.memref_squeeze %dma_start3A_191 : memref<1x128xi32, #tpu.memory_space<vmem>> -> memref<128xi32, #tpu.memory_space<vmem>>
      %dma_start3A_193 = arith.constant 0 : i32
      %dma_start3A_194 = arith.constant 0 : i32
      %dma_start3A_195 = tpu.memref_slice %arg10[%dma_start3A_193, %dma_start3A_194] : memref<10112x64xf32, #tpu.memory_space<vmem_shared>> -> memref<10112x64xf32, #tpu.memory_space<vmem_shared>>
      tpu.enqueue_indirect_dma source(%dma_start3A_189 : memref<128x64xf32, #tpu.memory_space<vmem>>) target(%dma_start3A_195 : memref<10112x64xf32, #tpu.memory_space<vmem_shared>>) offsets(%dma_start3A_192 : memref<128xi32, #tpu.memory_space<vmem>>) semaphore(%arg18 : memref<!tpu.dma_semaphore, #tpu.memory_space<semaphore_mem>>) {add = true}
      %ge3A_196 = arith.constant 3 : i32
      %ge3A_197 = arith.cmpi sge, %add3A_173, %ge3A_196 : i32
      %convert_element_type3A_198 = arith.extui %ge3A_197 : i1 to i32
      %cond3A_199 = arith.constant 0 : i32
      %cond3A_200 = arith.cmpi ne, %convert_element_type3A_198, %cond3A_199 : i32
      scf.if %cond3A_200 {
        %sub3A = arith.constant 3 : i32
        %sub3A_284 = arith.subi %add3A_173, %sub3A : i32
        %dma_wait3A_285 = arith.constant 4 : i32
        %dma_wait3A_286 = arith.constant 0 : i32
        %dma_wait3A_287 = arith.constant 0 : i32
        %dma_wait3A_288 = tpu.memref_slice %arg9[%dma_wait3A_285, %dma_wait3A_286, %dma_wait3A_287] : memref<5x128x64xf32, #tpu.memory_space<vmem>> -> memref<1x128x64xf32, #tpu.memory_space<vmem>>
        %dma_wait3A_289 = tpu.memref_squeeze %dma_wait3A_288 : memref<1x128x64xf32, #tpu.memory_space<vmem>> -> memref<128x64xf32, #tpu.memory_space<vmem>>
        %dma_wait3A_290 = arith.constant 0 : i32
        %dma_wait3A_291 = tpu.memref_slice %arg8[%sub3A_284, %dma_wait3A_290] : memref<160x128xi32, #tpu.memory_space<vmem>> -> memref<1x128xi32, #tpu.memory_space<vmem>>
        %dma_wait3A_292 = tpu.memref_squeeze %dma_wait3A_291 : memref<1x128xi32, #tpu.memory_space<vmem>> -> memref<128xi32, #tpu.memory_space<vmem>>
        %dma_wait3A_293 = arith.constant 0 : i32
        %dma_wait3A_294 = arith.constant 0 : i32
        %dma_wait3A_295 = tpu.memref_slice %arg10[%dma_wait3A_293, %dma_wait3A_294] : memref<10112x64xf32, #tpu.memory_space<vmem_shared>> -> memref<10112x64xf32, #tpu.memory_space<vmem_shared>>
        tpu.wait_indirect_dma semaphore(%arg20 : memref<!tpu.dma_semaphore, #tpu.memory_space<semaphore_mem>>) src(%dma_wait3A_289 : memref<128x64xf32, #tpu.memory_space<vmem>>) dst(%dma_wait3A_295 : memref<10112x64xf32, #tpu.memory_space<vmem_shared>>)
      } else {
      }
      %add3A_201 = arith.constant 2 : i32
      %add3A_202 = arith.addi %add3A_173, %add3A_201 : i32
      %lt3A_203 = arith.constant 160 : i32
      %lt3A_204 = arith.cmpi slt, %add3A_202, %lt3A_203 : i32
      %convert_element_type3A_205 = arith.extui %lt3A_204 : i1 to i32
      %cond3A_206 = arith.constant 0 : i32
      %cond3A_207 = arith.cmpi ne, %convert_element_type3A_205, %cond3A_206 : i32
      scf.if %cond3A_207 {
        %add3A_284 = arith.constant 2 : i32
        %add3A_285 = arith.addi %add3A_173, %add3A_284 : i32
        %dma_start3A_286 = arith.constant 4 : i32
        %dma_start3A_287 = arith.constant 0 : i32
        %dma_start3A_288 = arith.constant 0 : i32
        %dma_start3A_289 = tpu.memref_slice %arg9[%dma_start3A_286, %dma_start3A_287, %dma_start3A_288] : memref<5x128x64xf32, #tpu.memory_space<vmem>> -> memref<1x128x64xf32, #tpu.memory_space<vmem>>
        %dma_start3A_290 = tpu.memref_squeeze %dma_start3A_289 : memref<1x128x64xf32, #tpu.memory_space<vmem>> -> memref<128x64xf32, #tpu.memory_space<vmem>>
        %dma_start3A_291 = arith.constant 0 : i32
        %dma_start3A_292 = tpu.memref_slice %arg7[%add3A_285, %dma_start3A_291] : memref<160x128xi32, #tpu.memory_space<vmem>> -> memref<1x128xi32, #tpu.memory_space<vmem>>
        %dma_start3A_293 = tpu.memref_squeeze %dma_start3A_292 : memref<1x128xi32, #tpu.memory_space<vmem>> -> memref<128xi32, #tpu.memory_space<vmem>>
        %dma_start3A_294 = arith.constant 0 : i32
        %dma_start3A_295 = arith.constant 0 : i32
        %dma_start3A_296 = tpu.memref_slice %arg2[%dma_start3A_294, %dma_start3A_295] : memref<20000x64xf32, #tpu.memory_space<hbm>> -> memref<20000x64xf32, #tpu.memory_space<hbm>>
        tpu.enqueue_indirect_dma source(%dma_start3A_296 : memref<20000x64xf32, #tpu.memory_space<hbm>>) target(%dma_start3A_290 : memref<128x64xf32, #tpu.memory_space<vmem>>) offsets(%dma_start3A_293 : memref<128xi32, #tpu.memory_space<vmem>>) semaphore(%arg15 : memref<!tpu.dma_semaphore, #tpu.memory_space<semaphore_mem>>)
      } else {
      }
      %mul3A_208 = arith.constant 5 : i32
      %mul3A_209 = arith.muli %scan3A_97, %mul3A_208 : i32
      %add3A_210 = arith.constant 3 : i32
      %add3A_211 = arith.addi %mul3A_209, %add3A_210 : i32
      %dma_wait3A_212 = arith.constant 3 : i32
      %dma_wait3A_213 = arith.constant 0 : i32
      %dma_wait3A_214 = arith.constant 0 : i32
      %dma_wait3A_215 = tpu.memref_slice %arg9[%dma_wait3A_212, %dma_wait3A_213, %dma_wait3A_214] : memref<5x128x64xf32, #tpu.memory_space<vmem>> -> memref<1x128x64xf32, #tpu.memory_space<vmem>>
      %dma_wait3A_216 = tpu.memref_squeeze %dma_wait3A_215 : memref<1x128x64xf32, #tpu.memory_space<vmem>> -> memref<128x64xf32, #tpu.memory_space<vmem>>
      %dma_wait3A_217 = arith.constant 0 : i32
      %dma_wait3A_218 = tpu.memref_slice %arg7[%add3A_211, %dma_wait3A_217] : memref<160x128xi32, #tpu.memory_space<vmem>> -> memref<1x128xi32, #tpu.memory_space<vmem>>
      %dma_wait3A_219 = tpu.memref_squeeze %dma_wait3A_218 : memref<1x128xi32, #tpu.memory_space<vmem>> -> memref<128xi32, #tpu.memory_space<vmem>>
      %dma_wait3A_220 = arith.constant 0 : i32
      %dma_wait3A_221 = arith.constant 0 : i32
      %dma_wait3A_222 = tpu.memref_slice %arg2[%dma_wait3A_220, %dma_wait3A_221] : memref<20000x64xf32, #tpu.memory_space<hbm>> -> memref<20000x64xf32, #tpu.memory_space<hbm>>
      tpu.wait_indirect_dma semaphore(%arg14 : memref<!tpu.dma_semaphore, #tpu.memory_space<semaphore_mem>>) src(%dma_wait3A_222 : memref<20000x64xf32, #tpu.memory_space<hbm>>) dst(%dma_wait3A_216 : memref<128x64xf32, #tpu.memory_space<vmem>>)
      %dma_start3A_223 = arith.constant 3 : i32
      %dma_start3A_224 = arith.constant 0 : i32
      %dma_start3A_225 = arith.constant 0 : i32
      %dma_start3A_226 = tpu.memref_slice %arg9[%dma_start3A_223, %dma_start3A_224, %dma_start3A_225] : memref<5x128x64xf32, #tpu.memory_space<vmem>> -> memref<1x128x64xf32, #tpu.memory_space<vmem>>
      %dma_start3A_227 = tpu.memref_squeeze %dma_start3A_226 : memref<1x128x64xf32, #tpu.memory_space<vmem>> -> memref<128x64xf32, #tpu.memory_space<vmem>>
      %dma_start3A_228 = arith.constant 0 : i32
      %dma_start3A_229 = tpu.memref_slice %arg8[%add3A_211, %dma_start3A_228] : memref<160x128xi32, #tpu.memory_space<vmem>> -> memref<1x128xi32, #tpu.memory_space<vmem>>
      %dma_start3A_230 = tpu.memref_squeeze %dma_start3A_229 : memref<1x128xi32, #tpu.memory_space<vmem>> -> memref<128xi32, #tpu.memory_space<vmem>>
      %dma_start3A_231 = arith.constant 0 : i32
      %dma_start3A_232 = arith.constant 0 : i32
      %dma_start3A_233 = tpu.memref_slice %arg10[%dma_start3A_231, %dma_start3A_232] : memref<10112x64xf32, #tpu.memory_space<vmem_shared>> -> memref<10112x64xf32, #tpu.memory_space<vmem_shared>>
      tpu.enqueue_indirect_dma source(%dma_start3A_227 : memref<128x64xf32, #tpu.memory_space<vmem>>) target(%dma_start3A_233 : memref<10112x64xf32, #tpu.memory_space<vmem_shared>>) offsets(%dma_start3A_230 : memref<128xi32, #tpu.memory_space<vmem>>) semaphore(%arg19 : memref<!tpu.dma_semaphore, #tpu.memory_space<semaphore_mem>>) {add = true}
      %ge3A_234 = arith.constant 3 : i32
      %ge3A_235 = arith.cmpi sge, %add3A_211, %ge3A_234 : i32
      %convert_element_type3A_236 = arith.extui %ge3A_235 : i1 to i32
      %cond3A_237 = arith.constant 0 : i32
      %cond3A_238 = arith.cmpi ne, %convert_element_type3A_236, %cond3A_237 : i32
      scf.if %cond3A_238 {
        %sub3A = arith.constant 3 : i32
        %sub3A_284 = arith.subi %add3A_211, %sub3A : i32
        %dma_wait3A_285 = arith.constant 0 : i32
        %dma_wait3A_286 = arith.constant 0 : i32
        %dma_wait3A_287 = arith.constant 0 : i32
        %dma_wait3A_288 = tpu.memref_slice %arg9[%dma_wait3A_285, %dma_wait3A_286, %dma_wait3A_287] : memref<5x128x64xf32, #tpu.memory_space<vmem>> -> memref<1x128x64xf32, #tpu.memory_space<vmem>>
        %dma_wait3A_289 = tpu.memref_squeeze %dma_wait3A_288 : memref<1x128x64xf32, #tpu.memory_space<vmem>> -> memref<128x64xf32, #tpu.memory_space<vmem>>
        %dma_wait3A_290 = arith.constant 0 : i32
        %dma_wait3A_291 = tpu.memref_slice %arg8[%sub3A_284, %dma_wait3A_290] : memref<160x128xi32, #tpu.memory_space<vmem>> -> memref<1x128xi32, #tpu.memory_space<vmem>>
        %dma_wait3A_292 = tpu.memref_squeeze %dma_wait3A_291 : memref<1x128xi32, #tpu.memory_space<vmem>> -> memref<128xi32, #tpu.memory_space<vmem>>
        %dma_wait3A_293 = arith.constant 0 : i32
        %dma_wait3A_294 = arith.constant 0 : i32
        %dma_wait3A_295 = tpu.memref_slice %arg10[%dma_wait3A_293, %dma_wait3A_294] : memref<10112x64xf32, #tpu.memory_space<vmem_shared>> -> memref<10112x64xf32, #tpu.memory_space<vmem_shared>>
        tpu.wait_indirect_dma semaphore(%arg16 : memref<!tpu.dma_semaphore, #tpu.memory_space<semaphore_mem>>) src(%dma_wait3A_289 : memref<128x64xf32, #tpu.memory_space<vmem>>) dst(%dma_wait3A_295 : memref<10112x64xf32, #tpu.memory_space<vmem_shared>>)
      } else {
      }
      %add3A_239 = arith.constant 2 : i32
      %add3A_240 = arith.addi %add3A_211, %add3A_239 : i32
      %lt3A_241 = arith.constant 160 : i32
      %lt3A_242 = arith.cmpi slt, %add3A_240, %lt3A_241 : i32
      %convert_element_type3A_243 = arith.extui %lt3A_242 : i1 to i32
      %cond3A_244 = arith.constant 0 : i32
      %cond3A_245 = arith.cmpi ne, %convert_element_type3A_243, %cond3A_244 : i32
      scf.if %cond3A_245 {
        %add3A_284 = arith.constant 2 : i32
        %add3A_285 = arith.addi %add3A_211, %add3A_284 : i32
        %dma_start3A_286 = arith.constant 0 : i32
        %dma_start3A_287 = arith.constant 0 : i32
        %dma_start3A_288 = arith.constant 0 : i32
        %dma_start3A_289 = tpu.memref_slice %arg9[%dma_start3A_286, %dma_start3A_287, %dma_start3A_288] : memref<5x128x64xf32, #tpu.memory_space<vmem>> -> memref<1x128x64xf32, #tpu.memory_space<vmem>>
        %dma_start3A_290 = tpu.memref_squeeze %dma_start3A_289 : memref<1x128x64xf32, #tpu.memory_space<vmem>> -> memref<128x64xf32, #tpu.memory_space<vmem>>
        %dma_start3A_291 = arith.constant 0 : i32
        %dma_start3A_292 = tpu.memref_slice %arg7[%add3A_285, %dma_start3A_291] : memref<160x128xi32, #tpu.memory_space<vmem>> -> memref<1x128xi32, #tpu.memory_space<vmem>>
        %dma_start3A_293 = tpu.memref_squeeze %dma_start3A_292 : memref<1x128xi32, #tpu.memory_space<vmem>> -> memref<128xi32, #tpu.memory_space<vmem>>
        %dma_start3A_294 = arith.constant 0 : i32
        %dma_start3A_295 = arith.constant 0 : i32
        %dma_start3A_296 = tpu.memref_slice %arg2[%dma_start3A_294, %dma_start3A_295] : memref<20000x64xf32, #tpu.memory_space<hbm>> -> memref<20000x64xf32, #tpu.memory_space<hbm>>
        tpu.enqueue_indirect_dma source(%dma_start3A_296 : memref<20000x64xf32, #tpu.memory_space<hbm>>) target(%dma_start3A_290 : memref<128x64xf32, #tpu.memory_space<vmem>>) offsets(%dma_start3A_293 : memref<128xi32, #tpu.memory_space<vmem>>) semaphore(%arg11 : memref<!tpu.dma_semaphore, #tpu.memory_space<semaphore_mem>>)
      } else {
      }
      %mul3A_246 = arith.constant 5 : i32
      %mul3A_247 = arith.muli %scan3A_97, %mul3A_246 : i32
      %add3A_248 = arith.constant 4 : i32
      %add3A_249 = arith.addi %mul3A_247, %add3A_248 : i32
      %dma_wait3A_250 = arith.constant 4 : i32
      %dma_wait3A_251 = arith.constant 0 : i32
      %dma_wait3A_252 = arith.constant 0 : i32
      %dma_wait3A_253 = tpu.memref_slice %arg9[%dma_wait3A_250, %dma_wait3A_251, %dma_wait3A_252] : memref<5x128x64xf32, #tpu.memory_space<vmem>> -> memref<1x128x64xf32, #tpu.memory_space<vmem>>
      %dma_wait3A_254 = tpu.memref_squeeze %dma_wait3A_253 : memref<1x128x64xf32, #tpu.memory_space<vmem>> -> memref<128x64xf32, #tpu.memory_space<vmem>>
      %dma_wait3A_255 = arith.constant 0 : i32
      %dma_wait3A_256 = tpu.memref_slice %arg7[%add3A_249, %dma_wait3A_255] : memref<160x128xi32, #tpu.memory_space<vmem>> -> memref<1x128xi32, #tpu.memory_space<vmem>>
      %dma_wait3A_257 = tpu.memref_squeeze %dma_wait3A_256 : memref<1x128xi32, #tpu.memory_space<vmem>> -> memref<128xi32, #tpu.memory_space<vmem>>
      %dma_wait3A_258 = arith.constant 0 : i32
      %dma_wait3A_259 = arith.constant 0 : i32
      %dma_wait3A_260 = tpu.memref_slice %arg2[%dma_wait3A_258, %dma_wait3A_259] : memref<20000x64xf32, #tpu.memory_space<hbm>> -> memref<20000x64xf32, #tpu.memory_space<hbm>>
      tpu.wait_indirect_dma semaphore(%arg15 : memref<!tpu.dma_semaphore, #tpu.memory_space<semaphore_mem>>) src(%dma_wait3A_260 : memref<20000x64xf32, #tpu.memory_space<hbm>>) dst(%dma_wait3A_254 : memref<128x64xf32, #tpu.memory_space<vmem>>)
      %dma_start3A_261 = arith.constant 4 : i32
      %dma_start3A_262 = arith.constant 0 : i32
      %dma_start3A_263 = arith.constant 0 : i32
      %dma_start3A_264 = tpu.memref_slice %arg9[%dma_start3A_261, %dma_start3A_262, %dma_start3A_263] : memref<5x128x64xf32, #tpu.memory_space<vmem>> -> memref<1x128x64xf32, #tpu.memory_space<vmem>>
      %dma_start3A_265 = tpu.memref_squeeze %dma_start3A_264 : memref<1x128x64xf32, #tpu.memory_space<vmem>> -> memref<128x64xf32, #tpu.memory_space<vmem>>
      %dma_start3A_266 = arith.constant 0 : i32
      %dma_start3A_267 = tpu.memref_slice %arg8[%add3A_249, %dma_start3A_266] : memref<160x128xi32, #tpu.memory_space<vmem>> -> memref<1x128xi32, #tpu.memory_space<vmem>>
      %dma_start3A_268 = tpu.memref_squeeze %dma_start3A_267 : memref<1x128xi32, #tpu.memory_space<vmem>> -> memref<128xi32, #tpu.memory_space<vmem>>
      %dma_start3A_269 = arith.constant 0 : i32
      %dma_start3A_270 = arith.constant 0 : i32
      %dma_start3A_271 = tpu.memref_slice %arg10[%dma_start3A_269, %dma_start3A_270] : memref<10112x64xf32, #tpu.memory_space<vmem_shared>> -> memref<10112x64xf32, #tpu.memory_space<vmem_shared>>
      tpu.enqueue_indirect_dma source(%dma_start3A_265 : memref<128x64xf32, #tpu.memory_space<vmem>>) target(%dma_start3A_271 : memref<10112x64xf32, #tpu.memory_space<vmem_shared>>) offsets(%dma_start3A_268 : memref<128xi32, #tpu.memory_space<vmem>>) semaphore(%arg20 : memref<!tpu.dma_semaphore, #tpu.memory_space<semaphore_mem>>) {add = true}
      %ge3A_272 = arith.constant 3 : i32
      %ge3A_273 = arith.cmpi sge, %add3A_249, %ge3A_272 : i32
      %convert_element_type3A_274 = arith.extui %ge3A_273 : i1 to i32
      %cond3A_275 = arith.constant 0 : i32
      %cond3A_276 = arith.cmpi ne, %convert_element_type3A_274, %cond3A_275 : i32
      scf.if %cond3A_276 {
        %sub3A = arith.constant 3 : i32
        %sub3A_284 = arith.subi %add3A_249, %sub3A : i32
        %dma_wait3A_285 = arith.constant 1 : i32
        %dma_wait3A_286 = arith.constant 0 : i32
        %dma_wait3A_287 = arith.constant 0 : i32
        %dma_wait3A_288 = tpu.memref_slice %arg9[%dma_wait3A_285, %dma_wait3A_286, %dma_wait3A_287] : memref<5x128x64xf32, #tpu.memory_space<vmem>> -> memref<1x128x64xf32, #tpu.memory_space<vmem>>
        %dma_wait3A_289 = tpu.memref_squeeze %dma_wait3A_288 : memref<1x128x64xf32, #tpu.memory_space<vmem>> -> memref<128x64xf32, #tpu.memory_space<vmem>>
        %dma_wait3A_290 = arith.constant 0 : i32
        %dma_wait3A_291 = tpu.memref_slice %arg8[%sub3A_284, %dma_wait3A_290] : memref<160x128xi32, #tpu.memory_space<vmem>> -> memref<1x128xi32, #tpu.memory_space<vmem>>
        %dma_wait3A_292 = tpu.memref_squeeze %dma_wait3A_291 : memref<1x128xi32, #tpu.memory_space<vmem>> -> memref<128xi32, #tpu.memory_space<vmem>>
        %dma_wait3A_293 = arith.constant 0 : i32
        %dma_wait3A_294 = arith.constant 0 : i32
        %dma_wait3A_295 = tpu.memref_slice %arg10[%dma_wait3A_293, %dma_wait3A_294] : memref<10112x64xf32, #tpu.memory_space<vmem_shared>> -> memref<10112x64xf32, #tpu.memory_space<vmem_shared>>
        tpu.wait_indirect_dma semaphore(%arg17 : memref<!tpu.dma_semaphore, #tpu.memory_space<semaphore_mem>>) src(%dma_wait3A_289 : memref<128x64xf32, #tpu.memory_space<vmem>>) dst(%dma_wait3A_295 : memref<10112x64xf32, #tpu.memory_space<vmem_shared>>)
      } else {
      }
      %add3A_277 = arith.constant 2 : i32
      %add3A_278 = arith.addi %add3A_249, %add3A_277 : i32
      %lt3A_279 = arith.constant 160 : i32
      %lt3A_280 = arith.cmpi slt, %add3A_278, %lt3A_279 : i32
      %convert_element_type3A_281 = arith.extui %lt3A_280 : i1 to i32
      %cond3A_282 = arith.constant 0 : i32
      %cond3A_283 = arith.cmpi ne, %convert_element_type3A_281, %cond3A_282 : i32
      scf.if %cond3A_283 {
        %add3A_284 = arith.constant 2 : i32
        %add3A_285 = arith.addi %add3A_249, %add3A_284 : i32
        %dma_start3A_286 = arith.constant 1 : i32
        %dma_start3A_287 = arith.constant 0 : i32
        %dma_start3A_288 = arith.constant 0 : i32
        %dma_start3A_289 = tpu.memref_slice %arg9[%dma_start3A_286, %dma_start3A_287, %dma_start3A_288] : memref<5x128x64xf32, #tpu.memory_space<vmem>> -> memref<1x128x64xf32, #tpu.memory_space<vmem>>
        %dma_start3A_290 = tpu.memref_squeeze %dma_start3A_289 : memref<1x128x64xf32, #tpu.memory_space<vmem>> -> memref<128x64xf32, #tpu.memory_space<vmem>>
        %dma_start3A_291 = arith.constant 0 : i32
        %dma_start3A_292 = tpu.memref_slice %arg7[%add3A_285, %dma_start3A_291] : memref<160x128xi32, #tpu.memory_space<vmem>> -> memref<1x128xi32, #tpu.memory_space<vmem>>
        %dma_start3A_293 = tpu.memref_squeeze %dma_start3A_292 : memref<1x128xi32, #tpu.memory_space<vmem>> -> memref<128xi32, #tpu.memory_space<vmem>>
        %dma_start3A_294 = arith.constant 0 : i32
        %dma_start3A_295 = arith.constant 0 : i32
        %dma_start3A_296 = tpu.memref_slice %arg2[%dma_start3A_294, %dma_start3A_295] : memref<20000x64xf32, #tpu.memory_space<hbm>> -> memref<20000x64xf32, #tpu.memory_space<hbm>>
        tpu.enqueue_indirect_dma source(%dma_start3A_296 : memref<20000x64xf32, #tpu.memory_space<hbm>>) target(%dma_start3A_290 : memref<128x64xf32, #tpu.memory_space<vmem>>) offsets(%dma_start3A_293 : memref<128xi32, #tpu.memory_space<vmem>>) semaphore(%arg12 : memref<!tpu.dma_semaphore, #tpu.memory_space<semaphore_mem>>)
      } else {
      }
    }
    %scan3A_56 = arith.constant 32 : i32
    %dma_wait3A = arith.constant 2 : i32
    %dma_wait3A_57 = arith.constant 157 : i32
    %dma_wait3A_58 = arith.constant 0 : i32
    %dma_wait3A_59 = arith.constant 0 : i32
    %dma_wait3A_60 = tpu.memref_slice %arg9[%dma_wait3A, %dma_wait3A_58, %dma_wait3A_59] : memref<5x128x64xf32, #tpu.memory_space<vmem>> -> memref<1x128x64xf32, #tpu.memory_space<vmem>>
    %dma_wait3A_61 = tpu.memref_squeeze %dma_wait3A_60 : memref<1x128x64xf32, #tpu.memory_space<vmem>> -> memref<128x64xf32, #tpu.memory_space<vmem>>
    %dma_wait3A_62 = arith.constant 0 : i32
    %dma_wait3A_63 = tpu.memref_slice %arg8[%dma_wait3A_57, %dma_wait3A_62] : memref<160x128xi32, #tpu.memory_space<vmem>> -> memref<1x128xi32, #tpu.memory_space<vmem>>
    %dma_wait3A_64 = tpu.memref_squeeze %dma_wait3A_63 : memref<1x128xi32, #tpu.memory_space<vmem>> -> memref<128xi32, #tpu.memory_space<vmem>>
    %dma_wait3A_65 = arith.constant 0 : i32
    %dma_wait3A_66 = arith.constant 0 : i32
    %dma_wait3A_67 = tpu.memref_slice %arg10[%dma_wait3A_65, %dma_wait3A_66] : memref<10112x64xf32, #tpu.memory_space<vmem_shared>> -> memref<10112x64xf32, #tpu.memory_space<vmem_shared>>
    tpu.wait_indirect_dma semaphore(%arg18 : memref<!tpu.dma_semaphore, #tpu.memory_space<semaphore_mem>>) src(%dma_wait3A_61 : memref<128x64xf32, #tpu.memory_space<vmem>>) dst(%dma_wait3A_67 : memref<10112x64xf32, #tpu.memory_space<vmem_shared>>)
    %dma_wait3A_68 = arith.constant 3 : i32
    %dma_wait3A_69 = arith.constant 158 : i32
    %dma_wait3A_70 = arith.constant 0 : i32
    %dma_wait3A_71 = arith.constant 0 : i32
    %dma_wait3A_72 = tpu.memref_slice %arg9[%dma_wait3A_68, %dma_wait3A_70, %dma_wait3A_71] : memref<5x128x64xf32, #tpu.memory_space<vmem>> -> memref<1x128x64xf32, #tpu.memory_space<vmem>>
    %dma_wait3A_73 = tpu.memref_squeeze %dma_wait3A_72 : memref<1x128x64xf32, #tpu.memory_space<vmem>> -> memref<128x64xf32, #tpu.memory_space<vmem>>
    %dma_wait3A_74 = arith.constant 0 : i32
    %dma_wait3A_75 = tpu.memref_slice %arg8[%dma_wait3A_69, %dma_wait3A_74] : memref<160x128xi32, #tpu.memory_space<vmem>> -> memref<1x128xi32, #tpu.memory_space<vmem>>
    %dma_wait3A_76 = tpu.memref_squeeze %dma_wait3A_75 : memref<1x128xi32, #tpu.memory_space<vmem>> -> memref<128xi32, #tpu.memory_space<vmem>>
    %dma_wait3A_77 = arith.constant 0 : i32
    %dma_wait3A_78 = arith.constant 0 : i32
    %dma_wait3A_79 = tpu.memref_slice %arg10[%dma_wait3A_77, %dma_wait3A_78] : memref<10112x64xf32, #tpu.memory_space<vmem_shared>> -> memref<10112x64xf32, #tpu.memory_space<vmem_shared>>
    tpu.wait_indirect_dma semaphore(%arg19 : memref<!tpu.dma_semaphore, #tpu.memory_space<semaphore_mem>>) src(%dma_wait3A_73 : memref<128x64xf32, #tpu.memory_space<vmem>>) dst(%dma_wait3A_79 : memref<10112x64xf32, #tpu.memory_space<vmem_shared>>)
    %dma_wait3A_80 = arith.constant 4 : i32
    %dma_wait3A_81 = arith.constant 159 : i32
    %dma_wait3A_82 = arith.constant 0 : i32
    %dma_wait3A_83 = arith.constant 0 : i32
    %dma_wait3A_84 = tpu.memref_slice %arg9[%dma_wait3A_80, %dma_wait3A_82, %dma_wait3A_83] : memref<5x128x64xf32, #tpu.memory_space<vmem>> -> memref<1x128x64xf32, #tpu.memory_space<vmem>>
    %dma_wait3A_85 = tpu.memref_squeeze %dma_wait3A_84 : memref<1x128x64xf32, #tpu.memory_space<vmem>> -> memref<128x64xf32, #tpu.memory_space<vmem>>
    %dma_wait3A_86 = arith.constant 0 : i32
    %dma_wait3A_87 = tpu.memref_slice %arg8[%dma_wait3A_81, %dma_wait3A_86] : memref<160x128xi32, #tpu.memory_space<vmem>> -> memref<1x128xi32, #tpu.memory_space<vmem>>
    %dma_wait3A_88 = tpu.memref_squeeze %dma_wait3A_87 : memref<1x128xi32, #tpu.memory_space<vmem>> -> memref<128xi32, #tpu.memory_space<vmem>>
    %dma_wait3A_89 = arith.constant 0 : i32
    %dma_wait3A_90 = arith.constant 0 : i32
    %dma_wait3A_91 = tpu.memref_slice %arg10[%dma_wait3A_89, %dma_wait3A_90] : memref<10112x64xf32, #tpu.memory_space<vmem_shared>> -> memref<10112x64xf32, #tpu.memory_space<vmem_shared>>
    tpu.wait_indirect_dma semaphore(%arg20 : memref<!tpu.dma_semaphore, #tpu.memory_space<semaphore_mem>>) src(%dma_wait3A_85 : memref<128x64xf32, #tpu.memory_space<vmem>>) dst(%dma_wait3A_91 : memref<10112x64xf32, #tpu.memory_space<vmem_shared>>)
    %barrier3A_92 = arith.constant 0 : index
    tpu.barrier barrier_id(%barrier3A_92)
    %mul3A_93 = arith.constant 632 : i32
    %mul3A_94 = arith.muli %arg1, %mul3A_93 : i32
    %mul3A_95 = arith.constant 632 : i32
    %mul3A_96 = arith.muli %arg1, %mul3A_95 : i32
    "tpu.region"() ({
      %run_scoped3A_97 = tpu.sem_alloc : memref<!tpu.dma_semaphore, #tpu.memory_space<semaphore_mem>>
      %dma_start3A_98 = arith.constant 0 : i32
      %dma_start3A_99 = tpu.memref_slice %arg6[%arg0, %mul3A_96, %dma_start3A_98] : memref<2x10112x64xf32, #tpu.memory_space<hbm>> -> memref<1x632x64xf32, #tpu.memory_space<hbm>>
      %dma_start3A_100 = tpu.memref_squeeze %dma_start3A_99 : memref<1x632x64xf32, #tpu.memory_space<hbm>> -> memref<632x64xf32, #tpu.memory_space<hbm>>
      %dma_start3A_101 = arith.constant 0 : i32
      %dma_start3A_102 = tpu.memref_slice %arg10[%mul3A_94, %dma_start3A_101] : memref<10112x64xf32, #tpu.memory_space<vmem_shared>> -> memref<632x64xf32, #tpu.memory_space<vmem_shared>>
      tpu.enqueue_dma source(%dma_start3A_102 : memref<632x64xf32, #tpu.memory_space<vmem_shared>>) target(%dma_start3A_100 : memref<632x64xf32, #tpu.memory_space<hbm>>) target_semaphore(%run_scoped3A_97 : memref<!tpu.dma_semaphore, #tpu.memory_space<semaphore_mem>>)
      %dma_wait3A_103 = arith.constant 0 : i32
      %dma_wait3A_104 = tpu.memref_slice %arg6[%arg0, %mul3A_96, %dma_wait3A_103] : memref<2x10112x64xf32, #tpu.memory_space<hbm>> -> memref<1x632x64xf32, #tpu.memory_space<hbm>>
      %dma_wait3A_105 = tpu.memref_squeeze %dma_wait3A_104 : memref<1x632x64xf32, #tpu.memory_space<hbm>> -> memref<632x64xf32, #tpu.memory_space<hbm>>
      %dma_wait3A_106 = arith.constant 0 : i32
      %dma_wait3A_107 = tpu.memref_slice %arg10[%mul3A_94, %dma_wait3A_106] : memref<10112x64xf32, #tpu.memory_space<vmem_shared>> -> memref<632x64xf32, #tpu.memory_space<vmem_shared>>
      tpu.wait_dma2 semaphore(%run_scoped3A_97 : memref<!tpu.dma_semaphore, #tpu.memory_space<semaphore_mem>>) src(%dma_wait3A_107 : memref<632x64xf32, #tpu.memory_space<vmem_shared>>) dst(%dma_wait3A_105 : memref<632x64xf32, #tpu.memory_space<hbm>>)
      tpu.yield
    }) : () -> ()
    return
  }
}

#map = affine_map<(d0, d1) -> (0, 0)>
#map1 = affine_map<(d0, d1) -> (0, 0, 0)>
module attributes {stable_mosaic.version = 14 : i64} {
  func.func @_prop_sc(%arg0: i32, %arg1: i32, %arg2: memref<20000x64xf32, #tpu.memory_space<hbm>>, %arg3: memref<5120x128xi32, #tpu.memory_space<hbm>>, %arg4: memref<2560x128xi32, #tpu.memory_space<hbm>>, %arg5: memref<128x64xf32, #tpu.memory_space<hbm>>, %arg6: memref<2x10112x64xf32, #tpu.memory_space<hbm>>, %arg7: memref<160x128xi32, #tpu.memory_space<vmem>>, %arg8: memref<160x128xi32, #tpu.memory_space<vmem>>, %arg9: memref<5x128x64xf32, #tpu.memory_space<vmem>>, %arg10: memref<10112x64xf32, #tpu.memory_space<vmem_shared>>, %arg11: memref<!tpu.dma_semaphore, #tpu.memory_space<semaphore_mem>>, %arg12: memref<!tpu.dma_semaphore, #tpu.memory_space<semaphore_mem>>, %arg13: memref<!tpu.dma_semaphore, #tpu.memory_space<semaphore_mem>>, %arg14: memref<!tpu.dma_semaphore, #tpu.memory_space<semaphore_mem>>, %arg15: memref<!tpu.dma_semaphore, #tpu.memory_space<semaphore_mem>>, %arg16: memref<!tpu.dma_semaphore, #tpu.memory_space<semaphore_mem>>, %arg17: memref<!tpu.dma_semaphore, #tpu.memory_space<semaphore_mem>>, %arg18: memref<!tpu.dma_semaphore, #tpu.memory_space<semaphore_mem>>, %arg19: memref<!tpu.dma_semaphore, #tpu.memory_space<semaphore_mem>>, %arg20: memref<!tpu.dma_semaphore, #tpu.memory_space<semaphore_mem>>) attributes {dimension_semantics = [#tpu.dimension_semantics<core_parallel>, #tpu.dimension_semantics<subcore_parallel>], iteration_bounds = array<i64: 2, 16>, scalar_prefetch = 0 : i64, scratch_operands = 14 : i64, tpu.core_type = #tpu.core_type<sc_vector_subcore>, window_params = [{transform_indices = #map}, {transform_indices = #map}, {transform_indices = #map}, {transform_indices = #map}, {transform_indices = #map1}]} {
    %run_scoped3A = arith.constant 0 : i32
    "tpu.region"() ({
      %run_scoped3A_97 = tpu.sem_alloc : memref<!tpu.dma_semaphore, #tpu.memory_space<semaphore_mem>>
      %dma_start3A_98 = arith.constant 0 : i32
      %dma_start3A_99 = arith.constant 0 : i32
      %dma_start3A_100 = tpu.memref_slice %arg9[%run_scoped3A, %dma_start3A_98, %dma_start3A_99] : memref<5x128x64xf32, #tpu.memory_space<vmem>> -> memref<1x128x64xf32, #tpu.memory_space<vmem>>
      %dma_start3A_101 = tpu.memref_squeeze %dma_start3A_100 : memref<1x128x64xf32, #tpu.memory_space<vmem>> -> memref<128x64xf32, #tpu.memory_space<vmem>>
      %dma_start3A_102 = arith.constant 0 : i32
      %dma_start3A_103 = arith.constant 0 : i32
      %dma_start3A_104 = tpu.memref_slice %arg9[%run_scoped3A, %dma_start3A_102, %dma_start3A_103] : memref<5x128x64xf32, #tpu.memory_space<vmem>> -> memref<1x128x64xf32, #tpu.memory_space<vmem>>
      %dma_start3A_105 = tpu.memref_squeeze %dma_start3A_104 : memref<1x128x64xf32, #tpu.memory_space<vmem>> -> memref<128x64xf32, #tpu.memory_space<vmem>>
      tpu.enqueue_dma source(%arg5 : memref<128x64xf32, #tpu.memory_space<hbm>>) target(%dma_start3A_105 : memref<128x64xf32, #tpu.memory_space<vmem>>) target_semaphore(%run_scoped3A_97 : memref<!tpu.dma_semaphore, #tpu.memory_space<semaphore_mem>>)
      %dma_wait3A_106 = arith.constant 0 : i32
      %dma_wait3A_107 = arith.constant 0 : i32
      %dma_wait3A_108 = tpu.memref_slice %arg9[%run_scoped3A, %dma_wait3A_106, %dma_wait3A_107] : memref<5x128x64xf32, #tpu.memory_space<vmem>> -> memref<1x128x64xf32, #tpu.memory_space<vmem>>
      %dma_wait3A_109 = tpu.memref_squeeze %dma_wait3A_108 : memref<1x128x64xf32, #tpu.memory_space<vmem>> -> memref<128x64xf32, #tpu.memory_space<vmem>>
      %dma_wait3A_110 = arith.constant 0 : i32
      %dma_wait3A_111 = arith.constant 0 : i32
      %dma_wait3A_112 = tpu.memref_slice %arg9[%run_scoped3A, %dma_wait3A_110, %dma_wait3A_111] : memref<5x128x64xf32, #tpu.memory_space<vmem>> -> memref<1x128x64xf32, #tpu.memory_space<vmem>>
      %dma_wait3A_113 = tpu.memref_squeeze %dma_wait3A_112 : memref<1x128x64xf32, #tpu.memory_space<vmem>> -> memref<128x64xf32, #tpu.memory_space<vmem>>
      tpu.wait_dma2 semaphore(%run_scoped3A_97 : memref<!tpu.dma_semaphore, #tpu.memory_space<semaphore_mem>>) src(%arg5 : memref<128x64xf32, #tpu.memory_space<hbm>>) dst(%dma_wait3A_113 : memref<128x64xf32, #tpu.memory_space<vmem>>)
      tpu.yield
    }) : () -> ()
    %mul3A = arith.constant 632 : i32
    %mul3A_0 = arith.muli %arg1, %mul3A : i32
    %add3A = arith.constant 0 : i32
    %add3A_1 = arith.addi %mul3A_0, %add3A : i32
    %run_scoped3A_2 = arith.constant 0 : i32
    "tpu.region"() ({
      %run_scoped3A_97 = tpu.sem_alloc : memref<!tpu.dma_semaphore, #tpu.memory_space<semaphore_mem>>
      %dma_start3A_98 = arith.constant 0 : i32
      %dma_start3A_99 = arith.constant 0 : i32
      %dma_start3A_100 = tpu.memref_slice %arg9[%run_scoped3A_2, %dma_start3A_98, %dma_start3A_99] : memref<5x128x64xf32, #tpu.memory_space<vmem>> -> memref<1x128x64xf32, #tpu.memory_space<vmem>>
      %dma_start3A_101 = tpu.memref_squeeze %dma_start3A_100 : memref<1x128x64xf32, #tpu.memory_space<vmem>> -> memref<128x64xf32, #tpu.memory_space<vmem>>
      %dma_start3A_102 = arith.constant 0 : i32
      %dma_start3A_103 = tpu.memref_slice %arg10[%add3A_1, %dma_start3A_102] : memref<10112x64xf32, #tpu.memory_space<vmem_shared>> -> memref<128x64xf32, #tpu.memory_space<vmem_shared>>
      %dma_start3A_104 = arith.constant 0 : i32
      %dma_start3A_105 = tpu.memref_slice %arg10[%add3A_1, %dma_start3A_104] : memref<10112x64xf32, #tpu.memory_space<vmem_shared>> -> memref<128x64xf32, #tpu.memory_space<vmem_shared>>
      %dma_start3A_106 = arith.constant 0 : i32
      %dma_start3A_107 = arith.constant 0 : i32
      %dma_start3A_108 = tpu.memref_slice %arg9[%run_scoped3A_2, %dma_start3A_106, %dma_start3A_107] : memref<5x128x64xf32, #tpu.memory_space<vmem>> -> memref<1x128x64xf32, #tpu.memory_space<vmem>>
      %dma_start3A_109 = tpu.memref_squeeze %dma_start3A_108 : memref<1x128x64xf32, #tpu.memory_space<vmem>> -> memref<128x64xf32, #tpu.memory_space<vmem>>
      tpu.enqueue_dma source(%dma_start3A_109 : memref<128x64xf32, #tpu.memory_space<vmem>>) target(%dma_start3A_105 : memref<128x64xf32, #tpu.memory_space<vmem_shared>>) target_semaphore(%run_scoped3A_97 : memref<!tpu.dma_semaphore, #tpu.memory_space<semaphore_mem>>)
      %dma_wait3A_110 = arith.constant 0 : i32
      %dma_wait3A_111 = arith.constant 0 : i32
      %dma_wait3A_112 = tpu.memref_slice %arg9[%run_scoped3A_2, %dma_wait3A_110, %dma_wait3A_111] : memref<5x128x64xf32, #tpu.memory_space<vmem>> -> memref<1x128x64xf32, #tpu.memory_space<vmem>>
      %dma_wait3A_113 = tpu.memref_squeeze %dma_wait3A_112 : memref<1x128x64xf32, #tpu.memory_space<vmem>> -> memref<128x64xf32, #tpu.memory_space<vmem>>
      %dma_wait3A_114 = arith.constant 0 : i32
      %dma_wait3A_115 = tpu.memref_slice %arg10[%add3A_1, %dma_wait3A_114] : memref<10112x64xf32, #tpu.memory_space<vmem_shared>> -> memref<128x64xf32, #tpu.memory_space<vmem_shared>>
      %dma_wait3A_116 = arith.constant 0 : i32
      %dma_wait3A_117 = tpu.memref_slice %arg10[%add3A_1, %dma_wait3A_116] : memref<10112x64xf32, #tpu.memory_space<vmem_shared>> -> memref<128x64xf32, #tpu.memory_space<vmem_shared>>
      %dma_wait3A_118 = arith.constant 0 : i32
      %dma_wait3A_119 = arith.constant 0 : i32
      %dma_wait3A_120 = tpu.memref_slice %arg9[%run_scoped3A_2, %dma_wait3A_118, %dma_wait3A_119] : memref<5x128x64xf32, #tpu.memory_space<vmem>> -> memref<1x128x64xf32, #tpu.memory_space<vmem>>
      %dma_wait3A_121 = tpu.memref_squeeze %dma_wait3A_120 : memref<1x128x64xf32, #tpu.memory_space<vmem>> -> memref<128x64xf32, #tpu.memory_space<vmem>>
      tpu.wait_dma2 semaphore(%run_scoped3A_97 : memref<!tpu.dma_semaphore, #tpu.memory_space<semaphore_mem>>) src(%dma_wait3A_121 : memref<128x64xf32, #tpu.memory_space<vmem>>) dst(%dma_wait3A_117 : memref<128x64xf32, #tpu.memory_space<vmem_shared>>)
      tpu.yield
    }) : () -> ()
    %mul3A_3 = arith.constant 632 : i32
    %mul3A_4 = arith.muli %arg1, %mul3A_3 : i32
    %add3A_5 = arith.constant 128 : i32
    %add3A_6 = arith.addi %mul3A_4, %add3A_5 : i32
    %run_scoped3A_7 = arith.constant 0 : i32
    "tpu.region"() ({
      %run_scoped3A_97 = tpu.sem_alloc : memref<!tpu.dma_semaphore, #tpu.memory_space<semaphore_mem>>
      %dma_start3A_98 = arith.constant 0 : i32
      %dma_start3A_99 = arith.constant 0 : i32
      %dma_start3A_100 = tpu.memref_slice %arg9[%run_scoped3A_7, %dma_start3A_98, %dma_start3A_99] : memref<5x128x64xf32, #tpu.memory_space<vmem>> -> memref<1x128x64xf32, #tpu.memory_space<vmem>>
      %dma_start3A_101 = tpu.memref_squeeze %dma_start3A_100 : memref<1x128x64xf32, #tpu.memory_space<vmem>> -> memref<128x64xf32, #tpu.memory_space<vmem>>
      %dma_start3A_102 = arith.constant 0 : i32
      %dma_start3A_103 = tpu.memref_slice %arg10[%add3A_6, %dma_start3A_102] : memref<10112x64xf32, #tpu.memory_space<vmem_shared>> -> memref<128x64xf32, #tpu.memory_space<vmem_shared>>
      %dma_start3A_104 = arith.constant 0 : i32
      %dma_start3A_105 = tpu.memref_slice %arg10[%add3A_6, %dma_start3A_104] : memref<10112x64xf32, #tpu.memory_space<vmem_shared>> -> memref<128x64xf32, #tpu.memory_space<vmem_shared>>
      %dma_start3A_106 = arith.constant 0 : i32
      %dma_start3A_107 = arith.constant 0 : i32
      %dma_start3A_108 = tpu.memref_slice %arg9[%run_scoped3A_7, %dma_start3A_106, %dma_start3A_107] : memref<5x128x64xf32, #tpu.memory_space<vmem>> -> memref<1x128x64xf32, #tpu.memory_space<vmem>>
      %dma_start3A_109 = tpu.memref_squeeze %dma_start3A_108 : memref<1x128x64xf32, #tpu.memory_space<vmem>> -> memref<128x64xf32, #tpu.memory_space<vmem>>
      tpu.enqueue_dma source(%dma_start3A_109 : memref<128x64xf32, #tpu.memory_space<vmem>>) target(%dma_start3A_105 : memref<128x64xf32, #tpu.memory_space<vmem_shared>>) target_semaphore(%run_scoped3A_97 : memref<!tpu.dma_semaphore, #tpu.memory_space<semaphore_mem>>)
      %dma_wait3A_110 = arith.constant 0 : i32
      %dma_wait3A_111 = arith.constant 0 : i32
      %dma_wait3A_112 = tpu.memref_slice %arg9[%run_scoped3A_7, %dma_wait3A_110, %dma_wait3A_111] : memref<5x128x64xf32, #tpu.memory_space<vmem>> -> memref<1x128x64xf32, #tpu.memory_space<vmem>>
      %dma_wait3A_113 = tpu.memref_squeeze %dma_wait3A_112 : memref<1x128x64xf32, #tpu.memory_space<vmem>> -> memref<128x64xf32, #tpu.memory_space<vmem>>
      %dma_wait3A_114 = arith.constant 0 : i32
      %dma_wait3A_115 = tpu.memref_slice %arg10[%add3A_6, %dma_wait3A_114] : memref<10112x64xf32, #tpu.memory_space<vmem_shared>> -> memref<128x64xf32, #tpu.memory_space<vmem_shared>>
      %dma_wait3A_116 = arith.constant 0 : i32
      %dma_wait3A_117 = tpu.memref_slice %arg10[%add3A_6, %dma_wait3A_116] : memref<10112x64xf32, #tpu.memory_space<vmem_shared>> -> memref<128x64xf32, #tpu.memory_space<vmem_shared>>
      %dma_wait3A_118 = arith.constant 0 : i32
      %dma_wait3A_119 = arith.constant 0 : i32
      %dma_wait3A_120 = tpu.memref_slice %arg9[%run_scoped3A_7, %dma_wait3A_118, %dma_wait3A_119] : memref<5x128x64xf32, #tpu.memory_space<vmem>> -> memref<1x128x64xf32, #tpu.memory_space<vmem>>
      %dma_wait3A_121 = tpu.memref_squeeze %dma_wait3A_120 : memref<1x128x64xf32, #tpu.memory_space<vmem>> -> memref<128x64xf32, #tpu.memory_space<vmem>>
      tpu.wait_dma2 semaphore(%run_scoped3A_97 : memref<!tpu.dma_semaphore, #tpu.memory_space<semaphore_mem>>) src(%dma_wait3A_121 : memref<128x64xf32, #tpu.memory_space<vmem>>) dst(%dma_wait3A_117 : memref<128x64xf32, #tpu.memory_space<vmem_shared>>)
      tpu.yield
    }) : () -> ()
    %mul3A_8 = arith.constant 632 : i32
    %mul3A_9 = arith.muli %arg1, %mul3A_8 : i32
    %add3A_10 = arith.constant 256 : i32
    %add3A_11 = arith.addi %mul3A_9, %add3A_10 : i32
    %run_scoped3A_12 = arith.constant 0 : i32
    "tpu.region"() ({
      %run_scoped3A_97 = tpu.sem_alloc : memref<!tpu.dma_semaphore, #tpu.memory_space<semaphore_mem>>
      %dma_start3A_98 = arith.constant 0 : i32
      %dma_start3A_99 = arith.constant 0 : i32
      %dma_start3A_100 = tpu.memref_slice %arg9[%run_scoped3A_12, %dma_start3A_98, %dma_start3A_99] : memref<5x128x64xf32, #tpu.memory_space<vmem>> -> memref<1x128x64xf32, #tpu.memory_space<vmem>>
      %dma_start3A_101 = tpu.memref_squeeze %dma_start3A_100 : memref<1x128x64xf32, #tpu.memory_space<vmem>> -> memref<128x64xf32, #tpu.memory_space<vmem>>
      %dma_start3A_102 = arith.constant 0 : i32
      %dma_start3A_103 = tpu.memref_slice %arg10[%add3A_11, %dma_start3A_102] : memref<10112x64xf32, #tpu.memory_space<vmem_shared>> -> memref<128x64xf32, #tpu.memory_space<vmem_shared>>
      %dma_start3A_104 = arith.constant 0 : i32
      %dma_start3A_105 = tpu.memref_slice %arg10[%add3A_11, %dma_start3A_104] : memref<10112x64xf32, #tpu.memory_space<vmem_shared>> -> memref<128x64xf32, #tpu.memory_space<vmem_shared>>
      %dma_start3A_106 = arith.constant 0 : i32
      %dma_start3A_107 = arith.constant 0 : i32
      %dma_start3A_108 = tpu.memref_slice %arg9[%run_scoped3A_12, %dma_start3A_106, %dma_start3A_107] : memref<5x128x64xf32, #tpu.memory_space<vmem>> -> memref<1x128x64xf32, #tpu.memory_space<vmem>>
      %dma_start3A_109 = tpu.memref_squeeze %dma_start3A_108 : memref<1x128x64xf32, #tpu.memory_space<vmem>> -> memref<128x64xf32, #tpu.memory_space<vmem>>
      tpu.enqueue_dma source(%dma_start3A_109 : memref<128x64xf32, #tpu.memory_space<vmem>>) target(%dma_start3A_105 : memref<128x64xf32, #tpu.memory_space<vmem_shared>>) target_semaphore(%run_scoped3A_97 : memref<!tpu.dma_semaphore, #tpu.memory_space<semaphore_mem>>)
      %dma_wait3A_110 = arith.constant 0 : i32
      %dma_wait3A_111 = arith.constant 0 : i32
      %dma_wait3A_112 = tpu.memref_slice %arg9[%run_scoped3A_12, %dma_wait3A_110, %dma_wait3A_111] : memref<5x128x64xf32, #tpu.memory_space<vmem>> -> memref<1x128x64xf32, #tpu.memory_space<vmem>>
      %dma_wait3A_113 = tpu.memref_squeeze %dma_wait3A_112 : memref<1x128x64xf32, #tpu.memory_space<vmem>> -> memref<128x64xf32, #tpu.memory_space<vmem>>
      %dma_wait3A_114 = arith.constant 0 : i32
      %dma_wait3A_115 = tpu.memref_slice %arg10[%add3A_11, %dma_wait3A_114] : memref<10112x64xf32, #tpu.memory_space<vmem_shared>> -> memref<128x64xf32, #tpu.memory_space<vmem_shared>>
      %dma_wait3A_116 = arith.constant 0 : i32
      %dma_wait3A_117 = tpu.memref_slice %arg10[%add3A_11, %dma_wait3A_116] : memref<10112x64xf32, #tpu.memory_space<vmem_shared>> -> memref<128x64xf32, #tpu.memory_space<vmem_shared>>
      %dma_wait3A_118 = arith.constant 0 : i32
      %dma_wait3A_119 = arith.constant 0 : i32
      %dma_wait3A_120 = tpu.memref_slice %arg9[%run_scoped3A_12, %dma_wait3A_118, %dma_wait3A_119] : memref<5x128x64xf32, #tpu.memory_space<vmem>> -> memref<1x128x64xf32, #tpu.memory_space<vmem>>
      %dma_wait3A_121 = tpu.memref_squeeze %dma_wait3A_120 : memref<1x128x64xf32, #tpu.memory_space<vmem>> -> memref<128x64xf32, #tpu.memory_space<vmem>>
      tpu.wait_dma2 semaphore(%run_scoped3A_97 : memref<!tpu.dma_semaphore, #tpu.memory_space<semaphore_mem>>) src(%dma_wait3A_121 : memref<128x64xf32, #tpu.memory_space<vmem>>) dst(%dma_wait3A_117 : memref<128x64xf32, #tpu.memory_space<vmem_shared>>)
      tpu.yield
    }) : () -> ()
    %mul3A_13 = arith.constant 632 : i32
    %mul3A_14 = arith.muli %arg1, %mul3A_13 : i32
    %add3A_15 = arith.constant 384 : i32
    %add3A_16 = arith.addi %mul3A_14, %add3A_15 : i32
    %run_scoped3A_17 = arith.constant 0 : i32
    "tpu.region"() ({
      %run_scoped3A_97 = tpu.sem_alloc : memref<!tpu.dma_semaphore, #tpu.memory_space<semaphore_mem>>
      %dma_start3A_98 = arith.constant 0 : i32
      %dma_start3A_99 = arith.constant 0 : i32
      %dma_start3A_100 = tpu.memref_slice %arg9[%run_scoped3A_17, %dma_start3A_98, %dma_start3A_99] : memref<5x128x64xf32, #tpu.memory_space<vmem>> -> memref<1x128x64xf32, #tpu.memory_space<vmem>>
      %dma_start3A_101 = tpu.memref_squeeze %dma_start3A_100 : memref<1x128x64xf32, #tpu.memory_space<vmem>> -> memref<128x64xf32, #tpu.memory_space<vmem>>
      %dma_start3A_102 = arith.constant 0 : i32
      %dma_start3A_103 = tpu.memref_slice %arg10[%add3A_16, %dma_start3A_102] : memref<10112x64xf32, #tpu.memory_space<vmem_shared>> -> memref<128x64xf32, #tpu.memory_space<vmem_shared>>
      %dma_start3A_104 = arith.constant 0 : i32
      %dma_start3A_105 = tpu.memref_slice %arg10[%add3A_16, %dma_start3A_104] : memref<10112x64xf32, #tpu.memory_space<vmem_shared>> -> memref<128x64xf32, #tpu.memory_space<vmem_shared>>
      %dma_start3A_106 = arith.constant 0 : i32
      %dma_start3A_107 = arith.constant 0 : i32
      %dma_start3A_108 = tpu.memref_slice %arg9[%run_scoped3A_17, %dma_start3A_106, %dma_start3A_107] : memref<5x128x64xf32, #tpu.memory_space<vmem>> -> memref<1x128x64xf32, #tpu.memory_space<vmem>>
      %dma_start3A_109 = tpu.memref_squeeze %dma_start3A_108 : memref<1x128x64xf32, #tpu.memory_space<vmem>> -> memref<128x64xf32, #tpu.memory_space<vmem>>
      tpu.enqueue_dma source(%dma_start3A_109 : memref<128x64xf32, #tpu.memory_space<vmem>>) target(%dma_start3A_105 : memref<128x64xf32, #tpu.memory_space<vmem_shared>>) target_semaphore(%run_scoped3A_97 : memref<!tpu.dma_semaphore, #tpu.memory_space<semaphore_mem>>)
      %dma_wait3A_110 = arith.constant 0 : i32
      %dma_wait3A_111 = arith.constant 0 : i32
      %dma_wait3A_112 = tpu.memref_slice %arg9[%run_scoped3A_17, %dma_wait3A_110, %dma_wait3A_111] : memref<5x128x64xf32, #tpu.memory_space<vmem>> -> memref<1x128x64xf32, #tpu.memory_space<vmem>>
      %dma_wait3A_113 = tpu.memref_squeeze %dma_wait3A_112 : memref<1x128x64xf32, #tpu.memory_space<vmem>> -> memref<128x64xf32, #tpu.memory_space<vmem>>
      %dma_wait3A_114 = arith.constant 0 : i32
      %dma_wait3A_115 = tpu.memref_slice %arg10[%add3A_16, %dma_wait3A_114] : memref<10112x64xf32, #tpu.memory_space<vmem_shared>> -> memref<128x64xf32, #tpu.memory_space<vmem_shared>>
      %dma_wait3A_116 = arith.constant 0 : i32
      %dma_wait3A_117 = tpu.memref_slice %arg10[%add3A_16, %dma_wait3A_116] : memref<10112x64xf32, #tpu.memory_space<vmem_shared>> -> memref<128x64xf32, #tpu.memory_space<vmem_shared>>
      %dma_wait3A_118 = arith.constant 0 : i32
      %dma_wait3A_119 = arith.constant 0 : i32
      %dma_wait3A_120 = tpu.memref_slice %arg9[%run_scoped3A_17, %dma_wait3A_118, %dma_wait3A_119] : memref<5x128x64xf32, #tpu.memory_space<vmem>> -> memref<1x128x64xf32, #tpu.memory_space<vmem>>
      %dma_wait3A_121 = tpu.memref_squeeze %dma_wait3A_120 : memref<1x128x64xf32, #tpu.memory_space<vmem>> -> memref<128x64xf32, #tpu.memory_space<vmem>>
      tpu.wait_dma2 semaphore(%run_scoped3A_97 : memref<!tpu.dma_semaphore, #tpu.memory_space<semaphore_mem>>) src(%dma_wait3A_121 : memref<128x64xf32, #tpu.memory_space<vmem>>) dst(%dma_wait3A_117 : memref<128x64xf32, #tpu.memory_space<vmem_shared>>)
      tpu.yield
    }) : () -> ()
    %mul3A_18 = arith.constant 632 : i32
    %mul3A_19 = arith.muli %arg1, %mul3A_18 : i32
    %add3A_20 = arith.constant 512 : i32
    %add3A_21 = arith.addi %mul3A_19, %add3A_20 : i32
    %run_scoped3A_22 = arith.constant 0 : i32
    "tpu.region"() ({
      %run_scoped3A_97 = tpu.sem_alloc : memref<!tpu.dma_semaphore, #tpu.memory_space<semaphore_mem>>
      %dma_start3A_98 = arith.constant 0 : i32
      %dma_start3A_99 = arith.constant 0 : i32
      %dma_start3A_100 = tpu.memref_slice %arg9[%run_scoped3A_22, %dma_start3A_98, %dma_start3A_99] : memref<5x128x64xf32, #tpu.memory_space<vmem>> -> memref<1x120x64xf32, #tpu.memory_space<vmem>>
      %dma_start3A_101 = tpu.memref_squeeze %dma_start3A_100 : memref<1x120x64xf32, #tpu.memory_space<vmem>> -> memref<120x64xf32, #tpu.memory_space<vmem>>
      %dma_start3A_102 = arith.constant 0 : i32
      %dma_start3A_103 = tpu.memref_slice %arg10[%add3A_21, %dma_start3A_102] : memref<10112x64xf32, #tpu.memory_space<vmem_shared>> -> memref<120x64xf32, #tpu.memory_space<vmem_shared>>
      %dma_start3A_104 = arith.constant 0 : i32
      %dma_start3A_105 = tpu.memref_slice %arg10[%add3A_21, %dma_start3A_104] : memref<10112x64xf32, #tpu.memory_space<vmem_shared>> -> memref<120x64xf32, #tpu.memory_space<vmem_shared>>
      %dma_start3A_106 = arith.constant 0 : i32
      %dma_start3A_107 = arith.constant 0 : i32
      %dma_start3A_108 = tpu.memref_slice %arg9[%run_scoped3A_22, %dma_start3A_106, %dma_start3A_107] : memref<5x128x64xf32, #tpu.memory_space<vmem>> -> memref<1x120x64xf32, #tpu.memory_space<vmem>>
      %dma_start3A_109 = tpu.memref_squeeze %dma_start3A_108 : memref<1x120x64xf32, #tpu.memory_space<vmem>> -> memref<120x64xf32, #tpu.memory_space<vmem>>
      tpu.enqueue_dma source(%dma_start3A_109 : memref<120x64xf32, #tpu.memory_space<vmem>>) target(%dma_start3A_105 : memref<120x64xf32, #tpu.memory_space<vmem_shared>>) target_semaphore(%run_scoped3A_97 : memref<!tpu.dma_semaphore, #tpu.memory_space<semaphore_mem>>)
      %dma_wait3A_110 = arith.constant 0 : i32
      %dma_wait3A_111 = arith.constant 0 : i32
      %dma_wait3A_112 = tpu.memref_slice %arg9[%run_scoped3A_22, %dma_wait3A_110, %dma_wait3A_111] : memref<5x128x64xf32, #tpu.memory_space<vmem>> -> memref<1x120x64xf32, #tpu.memory_space<vmem>>
      %dma_wait3A_113 = tpu.memref_squeeze %dma_wait3A_112 : memref<1x120x64xf32, #tpu.memory_space<vmem>> -> memref<120x64xf32, #tpu.memory_space<vmem>>
      %dma_wait3A_114 = arith.constant 0 : i32
      %dma_wait3A_115 = tpu.memref_slice %arg10[%add3A_21, %dma_wait3A_114] : memref<10112x64xf32, #tpu.memory_space<vmem_shared>> -> memref<120x64xf32, #tpu.memory_space<vmem_shared>>
      %dma_wait3A_116 = arith.constant 0 : i32
      %dma_wait3A_117 = tpu.memref_slice %arg10[%add3A_21, %dma_wait3A_116] : memref<10112x64xf32, #tpu.memory_space<vmem_shared>> -> memref<120x64xf32, #tpu.memory_space<vmem_shared>>
      %dma_wait3A_118 = arith.constant 0 : i32
      %dma_wait3A_119 = arith.constant 0 : i32
      %dma_wait3A_120 = tpu.memref_slice %arg9[%run_scoped3A_22, %dma_wait3A_118, %dma_wait3A_119] : memref<5x128x64xf32, #tpu.memory_space<vmem>> -> memref<1x120x64xf32, #tpu.memory_space<vmem>>
      %dma_wait3A_121 = tpu.memref_squeeze %dma_wait3A_120 : memref<1x120x64xf32, #tpu.memory_space<vmem>> -> memref<120x64xf32, #tpu.memory_space<vmem>>
      tpu.wait_dma2 semaphore(%run_scoped3A_97 : memref<!tpu.dma_semaphore, #tpu.memory_space<semaphore_mem>>) src(%dma_wait3A_121 : memref<120x64xf32, #tpu.memory_space<vmem>>) dst(%dma_wait3A_117 : memref<120x64xf32, #tpu.memory_space<vmem_shared>>)
      tpu.yield
    }) : () -> ()
    %mul3A_23 = arith.constant 2560 : i32
    %mul3A_24 = arith.muli %arg0, %mul3A_23 : i32
    %mul3A_25 = arith.constant 160 : i32
    %mul3A_26 = arith.muli %arg1, %mul3A_25 : i32
    %add3A_27 = arith.addi %mul3A_24, %mul3A_26 : i32
    "tpu.region"() ({
      %run_scoped3A_97 = tpu.sem_alloc : memref<!tpu.dma_semaphore, #tpu.memory_space<semaphore_mem>>
      %dma_start3A_98 = arith.constant 0 : i32
      %dma_start3A_99 = tpu.memref_slice %arg3[%add3A_27, %dma_start3A_98] : memref<5120x128xi32, #tpu.memory_space<hbm>> -> memref<160x128xi32, #tpu.memory_space<hbm>>
      %dma_start3A_100 = arith.constant 0 : i32
      %dma_start3A_101 = tpu.memref_slice %arg3[%add3A_27, %dma_start3A_100] : memref<5120x128xi32, #tpu.memory_space<hbm>> -> memref<160x128xi32, #tpu.memory_space<hbm>>
      tpu.enqueue_dma source(%dma_start3A_101 : memref<160x128xi32, #tpu.memory_space<hbm>>) target(%arg7 : memref<160x128xi32, #tpu.memory_space<vmem>>) target_semaphore(%run_scoped3A_97 : memref<!tpu.dma_semaphore, #tpu.memory_space<semaphore_mem>>)
      %dma_wait3A_102 = arith.constant 0 : i32
      %dma_wait3A_103 = tpu.memref_slice %arg3[%add3A_27, %dma_wait3A_102] : memref<5120x128xi32, #tpu.memory_space<hbm>> -> memref<160x128xi32, #tpu.memory_space<hbm>>
      %dma_wait3A_104 = arith.constant 0 : i32
      %dma_wait3A_105 = tpu.memref_slice %arg3[%add3A_27, %dma_wait3A_104] : memref<5120x128xi32, #tpu.memory_space<hbm>> -> memref<160x128xi32, #tpu.memory_space<hbm>>
      tpu.wait_dma2 semaphore(%run_scoped3A_97 : memref<!tpu.dma_semaphore, #tpu.memory_space<semaphore_mem>>) src(%dma_wait3A_105 : memref<160x128xi32, #tpu.memory_space<hbm>>) dst(%arg7 : memref<160x128xi32, #tpu.memory_space<vmem>>)
      tpu.yield
    }) : () -> ()
    %mul3A_28 = arith.constant 160 : i32
    %mul3A_29 = arith.muli %arg1, %mul3A_28 : i32
    "tpu.region"() ({
      %run_scoped3A_97 = tpu.sem_alloc : memref<!tpu.dma_semaphore, #tpu.memory_space<semaphore_mem>>
      %dma_start3A_98 = arith.constant 0 : i32
      %dma_start3A_99 = tpu.memref_slice %arg4[%mul3A_29, %dma_start3A_98] : memref<2560x128xi32, #tpu.memory_space<hbm>> -> memref<160x128xi32, #tpu.memory_space<hbm>>
      %dma_start3A_100 = arith.constant 0 : i32
      %dma_start3A_101 = tpu.memref_slice %arg4[%mul3A_29, %dma_start3A_100] : memref<2560x128xi32, #tpu.memory_space<hbm>> -> memref<160x128xi32, #tpu.memory_space<hbm>>
      tpu.enqueue_dma source(%dma_start3A_101 : memref<160x128xi32, #tpu.memory_space<hbm>>) target(%arg8 : memref<160x128xi32, #tpu.memory_space<vmem>>) target_semaphore(%run_scoped3A_97 : memref<!tpu.dma_semaphore, #tpu.memory_space<semaphore_mem>>)
      %dma_wait3A_102 = arith.constant 0 : i32
      %dma_wait3A_103 = tpu.memref_slice %arg4[%mul3A_29, %dma_wait3A_102] : memref<2560x128xi32, #tpu.memory_space<hbm>> -> memref<160x128xi32, #tpu.memory_space<hbm>>
      %dma_wait3A_104 = arith.constant 0 : i32
      %dma_wait3A_105 = tpu.memref_slice %arg4[%mul3A_29, %dma_wait3A_104] : memref<2560x128xi32, #tpu.memory_space<hbm>> -> memref<160x128xi32, #tpu.memory_space<hbm>>
      tpu.wait_dma2 semaphore(%run_scoped3A_97 : memref<!tpu.dma_semaphore, #tpu.memory_space<semaphore_mem>>) src(%dma_wait3A_105 : memref<160x128xi32, #tpu.memory_space<hbm>>) dst(%arg8 : memref<160x128xi32, #tpu.memory_space<vmem>>)
      tpu.yield
    }) : () -> ()
    %barrier3A = arith.constant 0 : index
    tpu.barrier barrier_id(%barrier3A)
    %dma_start3A = arith.constant 0 : i32
    %dma_start3A_30 = arith.constant 0 : i32
    %dma_start3A_31 = arith.constant 0 : i32
    %dma_start3A_32 = arith.constant 0 : i32
    %dma_start3A_33 = tpu.memref_slice %arg9[%dma_start3A_30, %dma_start3A_31, %dma_start3A_32] : memref<5x128x64xf32, #tpu.memory_space<vmem>> -> memref<1x128x64xf32, #tpu.memory_space<vmem>>
    %dma_start3A_34 = tpu.memref_squeeze %dma_start3A_33 : memref<1x128x64xf32, #tpu.memory_space<vmem>> -> memref<128x64xf32, #tpu.memory_space<vmem>>
    %dma_start3A_35 = arith.constant 0 : i32
    %dma_start3A_36 = tpu.memref_slice %arg7[%dma_start3A, %dma_start3A_35] : memref<160x128xi32, #tpu.memory_space<vmem>> -> memref<1x128xi32, #tpu.memory_space<vmem>>
    %dma_start3A_37 = tpu.memref_squeeze %dma_start3A_36 : memref<1x128xi32, #tpu.memory_space<vmem>> -> memref<128xi32, #tpu.memory_space<vmem>>
    %dma_start3A_38 = arith.constant 0 : i32
    %dma_start3A_39 = arith.constant 0 : i32
    %dma_start3A_40 = tpu.memref_slice %arg2[%dma_start3A_38, %dma_start3A_39] : memref<20000x64xf32, #tpu.memory_space<hbm>> -> memref<20000x64xf32, #tpu.memory_space<hbm>>
    tpu.enqueue_indirect_dma source(%dma_start3A_40 : memref<20000x64xf32, #tpu.memory_space<hbm>>) target(%dma_start3A_34 : memref<128x64xf32, #tpu.memory_space<vmem>>) offsets(%dma_start3A_37 : memref<128xi32, #tpu.memory_space<vmem>>) semaphore(%arg11 : memref<!tpu.dma_semaphore, #tpu.memory_space<semaphore_mem>>)
    %dma_start3A_41 = arith.constant 1 : i32
    %dma_start3A_42 = arith.constant 1 : i32
    %dma_start3A_43 = arith.constant 0 : i32
    %dma_start3A_44 = arith.constant 0 : i32
    %dma_start3A_45 = tpu.memref_slice %arg9[%dma_start3A_42, %dma_start3A_43, %dma_start3A_44] : memref<5x128x64xf32, #tpu.memory_space<vmem>> -> memref<1x128x64xf32, #tpu.memory_space<vmem>>
    %dma_start3A_46 = tpu.memref_squeeze %dma_start3A_45 : memref<1x128x64xf32, #tpu.memory_space<vmem>> -> memref<128x64xf32, #tpu.memory_space<vmem>>
    %dma_start3A_47 = arith.constant 0 : i32
    %dma_start3A_48 = tpu.memref_slice %arg7[%dma_start3A_41, %dma_start3A_47] : memref<160x128xi32, #tpu.memory_space<vmem>> -> memref<1x128xi32, #tpu.memory_space<vmem>>
    %dma_start3A_49 = tpu.memref_squeeze %dma_start3A_48 : memref<1x128xi32, #tpu.memory_space<vmem>> -> memref<128xi32, #tpu.memory_space<vmem>>
    %dma_start3A_50 = arith.constant 0 : i32
    %dma_start3A_51 = arith.constant 0 : i32
    %dma_start3A_52 = tpu.memref_slice %arg2[%dma_start3A_50, %dma_start3A_51] : memref<20000x64xf32, #tpu.memory_space<hbm>> -> memref<20000x64xf32, #tpu.memory_space<hbm>>
    tpu.enqueue_indirect_dma source(%dma_start3A_52 : memref<20000x64xf32, #tpu.memory_space<hbm>>) target(%dma_start3A_46 : memref<128x64xf32, #tpu.memory_space<vmem>>) offsets(%dma_start3A_49 : memref<128xi32, #tpu.memory_space<vmem>>) semaphore(%arg12 : memref<!tpu.dma_semaphore, #tpu.memory_space<semaphore_mem>>)
    %scan3A = arith.constant 0 : i32
    %scan3A_53 = arith.constant 32 : i32
    %scan3A_54 = arith.addi %scan3A, %scan3A_53 : i32
    %scan3A_55 = arith.constant 1 : i32
    scf.for %scan3A_97 = %scan3A to %scan3A_54 step %scan3A_55  : i32 {
      %mul3A_98 = arith.constant 5 : i32
      %mul3A_99 = arith.muli %scan3A_97, %mul3A_98 : i32
      %add3A_100 = arith.constant 0 : i32
      %add3A_101 = arith.addi %mul3A_99, %add3A_100 : i32
      %dma_wait3A_102 = arith.constant 0 : i32
      %dma_wait3A_103 = arith.constant 0 : i32
      %dma_wait3A_104 = arith.constant 0 : i32
      %dma_wait3A_105 = tpu.memref_slice %arg9[%dma_wait3A_102, %dma_wait3A_103, %dma_wait3A_104] : memref<5x128x64xf32, #tpu.memory_space<vmem>> -> memref<1x128x64xf32, #tpu.memory_space<vmem>>
      %dma_wait3A_106 = tpu.memref_squeeze %dma_wait3A_105 : memref<1x128x64xf32, #tpu.memory_space<vmem>> -> memref<128x64xf32, #tpu.memory_space<vmem>>
      %dma_wait3A_107 = arith.constant 0 : i32
      %dma_wait3A_108 = tpu.memref_slice %arg7[%add3A_101, %dma_wait3A_107] : memref<160x128xi32, #tpu.memory_space<vmem>> -> memref<1x128xi32, #tpu.memory_space<vmem>>
      %dma_wait3A_109 = tpu.memref_squeeze %dma_wait3A_108 : memref<1x128xi32, #tpu.memory_space<vmem>> -> memref<128xi32, #tpu.memory_space<vmem>>
      %dma_wait3A_110 = arith.constant 0 : i32
      %dma_wait3A_111 = arith.constant 0 : i32
      %dma_wait3A_112 = tpu.memref_slice %arg2[%dma_wait3A_110, %dma_wait3A_111] : memref<20000x64xf32, #tpu.memory_space<hbm>> -> memref<20000x64xf32, #tpu.memory_space<hbm>>
      tpu.wait_indirect_dma semaphore(%arg11 : memref<!tpu.dma_semaphore, #tpu.memory_space<semaphore_mem>>) src(%dma_wait3A_112 : memref<20000x64xf32, #tpu.memory_space<hbm>>) dst(%dma_wait3A_106 : memref<128x64xf32, #tpu.memory_space<vmem>>)
      %dma_start3A_113 = arith.constant 0 : i32
      %dma_start3A_114 = arith.constant 0 : i32
      %dma_start3A_115 = arith.constant 0 : i32
      %dma_start3A_116 = tpu.memref_slice %arg9[%dma_start3A_113, %dma_start3A_114, %dma_start3A_115] : memref<5x128x64xf32, #tpu.memory_space<vmem>> -> memref<1x128x64xf32, #tpu.memory_space<vmem>>
      %dma_start3A_117 = tpu.memref_squeeze %dma_start3A_116 : memref<1x128x64xf32, #tpu.memory_space<vmem>> -> memref<128x64xf32, #tpu.memory_space<vmem>>
      %dma_start3A_118 = arith.constant 0 : i32
      %dma_start3A_119 = tpu.memref_slice %arg8[%add3A_101, %dma_start3A_118] : memref<160x128xi32, #tpu.memory_space<vmem>> -> memref<1x128xi32, #tpu.memory_space<vmem>>
      %dma_start3A_120 = tpu.memref_squeeze %dma_start3A_119 : memref<1x128xi32, #tpu.memory_space<vmem>> -> memref<128xi32, #tpu.memory_space<vmem>>
      %dma_start3A_121 = arith.constant 0 : i32
      %dma_start3A_122 = arith.constant 0 : i32
      %dma_start3A_123 = tpu.memref_slice %arg10[%dma_start3A_121, %dma_start3A_122] : memref<10112x64xf32, #tpu.memory_space<vmem_shared>> -> memref<10112x64xf32, #tpu.memory_space<vmem_shared>>
      tpu.enqueue_indirect_dma source(%dma_start3A_117 : memref<128x64xf32, #tpu.memory_space<vmem>>) target(%dma_start3A_123 : memref<10112x64xf32, #tpu.memory_space<vmem_shared>>) offsets(%dma_start3A_120 : memref<128xi32, #tpu.memory_space<vmem>>) semaphore(%arg16 : memref<!tpu.dma_semaphore, #tpu.memory_space<semaphore_mem>>) {add = true}
      %ge3A = arith.constant 3 : i32
      %ge3A_124 = arith.cmpi sge, %add3A_101, %ge3A : i32
      %convert_element_type3A = arith.extui %ge3A_124 : i1 to i32
      %cond3A = arith.constant 0 : i32
      %cond3A_125 = arith.cmpi ne, %convert_element_type3A, %cond3A : i32
      scf.if %cond3A_125 {
        %sub3A = arith.constant 3 : i32
        %sub3A_284 = arith.subi %add3A_101, %sub3A : i32
        %dma_wait3A_285 = arith.constant 2 : i32
        %dma_wait3A_286 = arith.constant 0 : i32
        %dma_wait3A_287 = arith.constant 0 : i32
        %dma_wait3A_288 = tpu.memref_slice %arg9[%dma_wait3A_285, %dma_wait3A_286, %dma_wait3A_287] : memref<5x128x64xf32, #tpu.memory_space<vmem>> -> memref<1x128x64xf32, #tpu.memory_space<vmem>>
        %dma_wait3A_289 = tpu.memref_squeeze %dma_wait3A_288 : memref<1x128x64xf32, #tpu.memory_space<vmem>> -> memref<128x64xf32, #tpu.memory_space<vmem>>
        %dma_wait3A_290 = arith.constant 0 : i32
        %dma_wait3A_291 = tpu.memref_slice %arg8[%sub3A_284, %dma_wait3A_290] : memref<160x128xi32, #tpu.memory_space<vmem>> -> memref<1x128xi32, #tpu.memory_space<vmem>>
        %dma_wait3A_292 = tpu.memref_squeeze %dma_wait3A_291 : memref<1x128xi32, #tpu.memory_space<vmem>> -> memref<128xi32, #tpu.memory_space<vmem>>
        %dma_wait3A_293 = arith.constant 0 : i32
        %dma_wait3A_294 = arith.constant 0 : i32
        %dma_wait3A_295 = tpu.memref_slice %arg10[%dma_wait3A_293, %dma_wait3A_294] : memref<10112x64xf32, #tpu.memory_space<vmem_shared>> -> memref<10112x64xf32, #tpu.memory_space<vmem_shared>>
        tpu.wait_indirect_dma semaphore(%arg18 : memref<!tpu.dma_semaphore, #tpu.memory_space<semaphore_mem>>) src(%dma_wait3A_289 : memref<128x64xf32, #tpu.memory_space<vmem>>) dst(%dma_wait3A_295 : memref<10112x64xf32, #tpu.memory_space<vmem_shared>>)
      } else {
      }
      %add3A_126 = arith.constant 2 : i32
      %add3A_127 = arith.addi %add3A_101, %add3A_126 : i32
      %lt3A = arith.constant 160 : i32
      %lt3A_128 = arith.cmpi slt, %add3A_127, %lt3A : i32
      %convert_element_type3A_129 = arith.extui %lt3A_128 : i1 to i32
      %cond3A_130 = arith.constant 0 : i32
      %cond3A_131 = arith.cmpi ne, %convert_element_type3A_129, %cond3A_130 : i32
      scf.if %cond3A_131 {
        %add3A_284 = arith.constant 2 : i32
        %add3A_285 = arith.addi %add3A_101, %add3A_284 : i32
        %dma_start3A_286 = arith.constant 2 : i32
        %dma_start3A_287 = arith.constant 0 : i32
        %dma_start3A_288 = arith.constant 0 : i32
        %dma_start3A_289 = tpu.memref_slice %arg9[%dma_start3A_286, %dma_start3A_287, %dma_start3A_288] : memref<5x128x64xf32, #tpu.memory_space<vmem>> -> memref<1x128x64xf32, #tpu.memory_space<vmem>>
        %dma_start3A_290 = tpu.memref_squeeze %dma_start3A_289 : memref<1x128x64xf32, #tpu.memory_space<vmem>> -> memref<128x64xf32, #tpu.memory_space<vmem>>
        %dma_start3A_291 = arith.constant 0 : i32
        %dma_start3A_292 = tpu.memref_slice %arg7[%add3A_285, %dma_start3A_291] : memref<160x128xi32, #tpu.memory_space<vmem>> -> memref<1x128xi32, #tpu.memory_space<vmem>>
        %dma_start3A_293 = tpu.memref_squeeze %dma_start3A_292 : memref<1x128xi32, #tpu.memory_space<vmem>> -> memref<128xi32, #tpu.memory_space<vmem>>
        %dma_start3A_294 = arith.constant 0 : i32
        %dma_start3A_295 = arith.constant 0 : i32
        %dma_start3A_296 = tpu.memref_slice %arg2[%dma_start3A_294, %dma_start3A_295] : memref<20000x64xf32, #tpu.memory_space<hbm>> -> memref<20000x64xf32, #tpu.memory_space<hbm>>
        tpu.enqueue_indirect_dma source(%dma_start3A_296 : memref<20000x64xf32, #tpu.memory_space<hbm>>) target(%dma_start3A_290 : memref<128x64xf32, #tpu.memory_space<vmem>>) offsets(%dma_start3A_293 : memref<128xi32, #tpu.memory_space<vmem>>) semaphore(%arg13 : memref<!tpu.dma_semaphore, #tpu.memory_space<semaphore_mem>>)
      } else {
      }
      %mul3A_132 = arith.constant 5 : i32
      %mul3A_133 = arith.muli %scan3A_97, %mul3A_132 : i32
      %add3A_134 = arith.constant 1 : i32
      %add3A_135 = arith.addi %mul3A_133, %add3A_134 : i32
      %dma_wait3A_136 = arith.constant 1 : i32
      %dma_wait3A_137 = arith.constant 0 : i32
      %dma_wait3A_138 = arith.constant 0 : i32
      %dma_wait3A_139 = tpu.memref_slice %arg9[%dma_wait3A_136, %dma_wait3A_137, %dma_wait3A_138] : memref<5x128x64xf32, #tpu.memory_space<vmem>> -> memref<1x128x64xf32, #tpu.memory_space<vmem>>
      %dma_wait3A_140 = tpu.memref_squeeze %dma_wait3A_139 : memref<1x128x64xf32, #tpu.memory_space<vmem>> -> memref<128x64xf32, #tpu.memory_space<vmem>>
      %dma_wait3A_141 = arith.constant 0 : i32
      %dma_wait3A_142 = tpu.memref_slice %arg7[%add3A_135, %dma_wait3A_141] : memref<160x128xi32, #tpu.memory_space<vmem>> -> memref<1x128xi32, #tpu.memory_space<vmem>>
      %dma_wait3A_143 = tpu.memref_squeeze %dma_wait3A_142 : memref<1x128xi32, #tpu.memory_space<vmem>> -> memref<128xi32, #tpu.memory_space<vmem>>
      %dma_wait3A_144 = arith.constant 0 : i32
      %dma_wait3A_145 = arith.constant 0 : i32
      %dma_wait3A_146 = tpu.memref_slice %arg2[%dma_wait3A_144, %dma_wait3A_145] : memref<20000x64xf32, #tpu.memory_space<hbm>> -> memref<20000x64xf32, #tpu.memory_space<hbm>>
      tpu.wait_indirect_dma semaphore(%arg12 : memref<!tpu.dma_semaphore, #tpu.memory_space<semaphore_mem>>) src(%dma_wait3A_146 : memref<20000x64xf32, #tpu.memory_space<hbm>>) dst(%dma_wait3A_140 : memref<128x64xf32, #tpu.memory_space<vmem>>)
      %dma_start3A_147 = arith.constant 1 : i32
      %dma_start3A_148 = arith.constant 0 : i32
      %dma_start3A_149 = arith.constant 0 : i32
      %dma_start3A_150 = tpu.memref_slice %arg9[%dma_start3A_147, %dma_start3A_148, %dma_start3A_149] : memref<5x128x64xf32, #tpu.memory_space<vmem>> -> memref<1x128x64xf32, #tpu.memory_space<vmem>>
      %dma_start3A_151 = tpu.memref_squeeze %dma_start3A_150 : memref<1x128x64xf32, #tpu.memory_space<vmem>> -> memref<128x64xf32, #tpu.memory_space<vmem>>
      %dma_start3A_152 = arith.constant 0 : i32
      %dma_start3A_153 = tpu.memref_slice %arg8[%add3A_135, %dma_start3A_152] : memref<160x128xi32, #tpu.memory_space<vmem>> -> memref<1x128xi32, #tpu.memory_space<vmem>>
      %dma_start3A_154 = tpu.memref_squeeze %dma_start3A_153 : memref<1x128xi32, #tpu.memory_space<vmem>> -> memref<128xi32, #tpu.memory_space<vmem>>
      %dma_start3A_155 = arith.constant 0 : i32
      %dma_start3A_156 = arith.constant 0 : i32
      %dma_start3A_157 = tpu.memref_slice %arg10[%dma_start3A_155, %dma_start3A_156] : memref<10112x64xf32, #tpu.memory_space<vmem_shared>> -> memref<10112x64xf32, #tpu.memory_space<vmem_shared>>
      tpu.enqueue_indirect_dma source(%dma_start3A_151 : memref<128x64xf32, #tpu.memory_space<vmem>>) target(%dma_start3A_157 : memref<10112x64xf32, #tpu.memory_space<vmem_shared>>) offsets(%dma_start3A_154 : memref<128xi32, #tpu.memory_space<vmem>>) semaphore(%arg17 : memref<!tpu.dma_semaphore, #tpu.memory_space<semaphore_mem>>) {add = true}
      %ge3A_158 = arith.constant 3 : i32
      %ge3A_159 = arith.cmpi sge, %add3A_135, %ge3A_158 : i32
      %convert_element_type3A_160 = arith.extui %ge3A_159 : i1 to i32
      %cond3A_161 = arith.constant 0 : i32
      %cond3A_162 = arith.cmpi ne, %convert_element_type3A_160, %cond3A_161 : i32
      scf.if %cond3A_162 {
        %sub3A = arith.constant 3 : i32
        %sub3A_284 = arith.subi %add3A_135, %sub3A : i32
        %dma_wait3A_285 = arith.constant 3 : i32
        %dma_wait3A_286 = arith.constant 0 : i32
        %dma_wait3A_287 = arith.constant 0 : i32
        %dma_wait3A_288 = tpu.memref_slice %arg9[%dma_wait3A_285, %dma_wait3A_286, %dma_wait3A_287] : memref<5x128x64xf32, #tpu.memory_space<vmem>> -> memref<1x128x64xf32, #tpu.memory_space<vmem>>
        %dma_wait3A_289 = tpu.memref_squeeze %dma_wait3A_288 : memref<1x128x64xf32, #tpu.memory_space<vmem>> -> memref<128x64xf32, #tpu.memory_space<vmem>>
        %dma_wait3A_290 = arith.constant 0 : i32
        %dma_wait3A_291 = tpu.memref_slice %arg8[%sub3A_284, %dma_wait3A_290] : memref<160x128xi32, #tpu.memory_space<vmem>> -> memref<1x128xi32, #tpu.memory_space<vmem>>
        %dma_wait3A_292 = tpu.memref_squeeze %dma_wait3A_291 : memref<1x128xi32, #tpu.memory_space<vmem>> -> memref<128xi32, #tpu.memory_space<vmem>>
        %dma_wait3A_293 = arith.constant 0 : i32
        %dma_wait3A_294 = arith.constant 0 : i32
        %dma_wait3A_295 = tpu.memref_slice %arg10[%dma_wait3A_293, %dma_wait3A_294] : memref<10112x64xf32, #tpu.memory_space<vmem_shared>> -> memref<10112x64xf32, #tpu.memory_space<vmem_shared>>
        tpu.wait_indirect_dma semaphore(%arg19 : memref<!tpu.dma_semaphore, #tpu.memory_space<semaphore_mem>>) src(%dma_wait3A_289 : memref<128x64xf32, #tpu.memory_space<vmem>>) dst(%dma_wait3A_295 : memref<10112x64xf32, #tpu.memory_space<vmem_shared>>)
      } else {
      }
      %add3A_163 = arith.constant 2 : i32
      %add3A_164 = arith.addi %add3A_135, %add3A_163 : i32
      %lt3A_165 = arith.constant 160 : i32
      %lt3A_166 = arith.cmpi slt, %add3A_164, %lt3A_165 : i32
      %convert_element_type3A_167 = arith.extui %lt3A_166 : i1 to i32
      %cond3A_168 = arith.constant 0 : i32
      %cond3A_169 = arith.cmpi ne, %convert_element_type3A_167, %cond3A_168 : i32
      scf.if %cond3A_169 {
        %add3A_284 = arith.constant 2 : i32
        %add3A_285 = arith.addi %add3A_135, %add3A_284 : i32
        %dma_start3A_286 = arith.constant 3 : i32
        %dma_start3A_287 = arith.constant 0 : i32
        %dma_start3A_288 = arith.constant 0 : i32
        %dma_start3A_289 = tpu.memref_slice %arg9[%dma_start3A_286, %dma_start3A_287, %dma_start3A_288] : memref<5x128x64xf32, #tpu.memory_space<vmem>> -> memref<1x128x64xf32, #tpu.memory_space<vmem>>
        %dma_start3A_290 = tpu.memref_squeeze %dma_start3A_289 : memref<1x128x64xf32, #tpu.memory_space<vmem>> -> memref<128x64xf32, #tpu.memory_space<vmem>>
        %dma_start3A_291 = arith.constant 0 : i32
        %dma_start3A_292 = tpu.memref_slice %arg7[%add3A_285, %dma_start3A_291] : memref<160x128xi32, #tpu.memory_space<vmem>> -> memref<1x128xi32, #tpu.memory_space<vmem>>
        %dma_start3A_293 = tpu.memref_squeeze %dma_start3A_292 : memref<1x128xi32, #tpu.memory_space<vmem>> -> memref<128xi32, #tpu.memory_space<vmem>>
        %dma_start3A_294 = arith.constant 0 : i32
        %dma_start3A_295 = arith.constant 0 : i32
        %dma_start3A_296 = tpu.memref_slice %arg2[%dma_start3A_294, %dma_start3A_295] : memref<20000x64xf32, #tpu.memory_space<hbm>> -> memref<20000x64xf32, #tpu.memory_space<hbm>>
        tpu.enqueue_indirect_dma source(%dma_start3A_296 : memref<20000x64xf32, #tpu.memory_space<hbm>>) target(%dma_start3A_290 : memref<128x64xf32, #tpu.memory_space<vmem>>) offsets(%dma_start3A_293 : memref<128xi32, #tpu.memory_space<vmem>>) semaphore(%arg14 : memref<!tpu.dma_semaphore, #tpu.memory_space<semaphore_mem>>)
      } else {
      }
      %mul3A_170 = arith.constant 5 : i32
      %mul3A_171 = arith.muli %scan3A_97, %mul3A_170 : i32
      %add3A_172 = arith.constant 2 : i32
      %add3A_173 = arith.addi %mul3A_171, %add3A_172 : i32
      %dma_wait3A_174 = arith.constant 2 : i32
      %dma_wait3A_175 = arith.constant 0 : i32
      %dma_wait3A_176 = arith.constant 0 : i32
      %dma_wait3A_177 = tpu.memref_slice %arg9[%dma_wait3A_174, %dma_wait3A_175, %dma_wait3A_176] : memref<5x128x64xf32, #tpu.memory_space<vmem>> -> memref<1x128x64xf32, #tpu.memory_space<vmem>>
      %dma_wait3A_178 = tpu.memref_squeeze %dma_wait3A_177 : memref<1x128x64xf32, #tpu.memory_space<vmem>> -> memref<128x64xf32, #tpu.memory_space<vmem>>
      %dma_wait3A_179 = arith.constant 0 : i32
      %dma_wait3A_180 = tpu.memref_slice %arg7[%add3A_173, %dma_wait3A_179] : memref<160x128xi32, #tpu.memory_space<vmem>> -> memref<1x128xi32, #tpu.memory_space<vmem>>
      %dma_wait3A_181 = tpu.memref_squeeze %dma_wait3A_180 : memref<1x128xi32, #tpu.memory_space<vmem>> -> memref<128xi32, #tpu.memory_space<vmem>>
      %dma_wait3A_182 = arith.constant 0 : i32
      %dma_wait3A_183 = arith.constant 0 : i32
      %dma_wait3A_184 = tpu.memref_slice %arg2[%dma_wait3A_182, %dma_wait3A_183] : memref<20000x64xf32, #tpu.memory_space<hbm>> -> memref<20000x64xf32, #tpu.memory_space<hbm>>
      tpu.wait_indirect_dma semaphore(%arg13 : memref<!tpu.dma_semaphore, #tpu.memory_space<semaphore_mem>>) src(%dma_wait3A_184 : memref<20000x64xf32, #tpu.memory_space<hbm>>) dst(%dma_wait3A_178 : memref<128x64xf32, #tpu.memory_space<vmem>>)
      %dma_start3A_185 = arith.constant 2 : i32
      %dma_start3A_186 = arith.constant 0 : i32
      %dma_start3A_187 = arith.constant 0 : i32
      %dma_start3A_188 = tpu.memref_slice %arg9[%dma_start3A_185, %dma_start3A_186, %dma_start3A_187] : memref<5x128x64xf32, #tpu.memory_space<vmem>> -> memref<1x128x64xf32, #tpu.memory_space<vmem>>
      %dma_start3A_189 = tpu.memref_squeeze %dma_start3A_188 : memref<1x128x64xf32, #tpu.memory_space<vmem>> -> memref<128x64xf32, #tpu.memory_space<vmem>>
      %dma_start3A_190 = arith.constant 0 : i32
      %dma_start3A_191 = tpu.memref_slice %arg8[%add3A_173, %dma_start3A_190] : memref<160x128xi32, #tpu.memory_space<vmem>> -> memref<1x128xi32, #tpu.memory_space<vmem>>
      %dma_start3A_192 = tpu.memref_squeeze %dma_start3A_191 : memref<1x128xi32, #tpu.memory_space<vmem>> -> memref<128xi32, #tpu.memory_space<vmem>>
      %dma_start3A_193 = arith.constant 0 : i32
      %dma_start3A_194 = arith.constant 0 : i32
      %dma_start3A_195 = tpu.memref_slice %arg10[%dma_start3A_193, %dma_start3A_194] : memref<10112x64xf32, #tpu.memory_space<vmem_shared>> -> memref<10112x64xf32, #tpu.memory_space<vmem_shared>>
      tpu.enqueue_indirect_dma source(%dma_start3A_189 : memref<128x64xf32, #tpu.memory_space<vmem>>) target(%dma_start3A_195 : memref<10112x64xf32, #tpu.memory_space<vmem_shared>>) offsets(%dma_start3A_192 : memref<128xi32, #tpu.memory_space<vmem>>) semaphore(%arg18 : memref<!tpu.dma_semaphore, #tpu.memory_space<semaphore_mem>>) {add = true}
      %ge3A_196 = arith.constant 3 : i32
      %ge3A_197 = arith.cmpi sge, %add3A_173, %ge3A_196 : i32
      %convert_element_type3A_198 = arith.extui %ge3A_197 : i1 to i32
      %cond3A_199 = arith.constant 0 : i32
      %cond3A_200 = arith.cmpi ne, %convert_element_type3A_198, %cond3A_199 : i32
      scf.if %cond3A_200 {
        %sub3A = arith.constant 3 : i32
        %sub3A_284 = arith.subi %add3A_173, %sub3A : i32
        %dma_wait3A_285 = arith.constant 4 : i32
        %dma_wait3A_286 = arith.constant 0 : i32
        %dma_wait3A_287 = arith.constant 0 : i32
        %dma_wait3A_288 = tpu.memref_slice %arg9[%dma_wait3A_285, %dma_wait3A_286, %dma_wait3A_287] : memref<5x128x64xf32, #tpu.memory_space<vmem>> -> memref<1x128x64xf32, #tpu.memory_space<vmem>>
        %dma_wait3A_289 = tpu.memref_squeeze %dma_wait3A_288 : memref<1x128x64xf32, #tpu.memory_space<vmem>> -> memref<128x64xf32, #tpu.memory_space<vmem>>
        %dma_wait3A_290 = arith.constant 0 : i32
        %dma_wait3A_291 = tpu.memref_slice %arg8[%sub3A_284, %dma_wait3A_290] : memref<160x128xi32, #tpu.memory_space<vmem>> -> memref<1x128xi32, #tpu.memory_space<vmem>>
        %dma_wait3A_292 = tpu.memref_squeeze %dma_wait3A_291 : memref<1x128xi32, #tpu.memory_space<vmem>> -> memref<128xi32, #tpu.memory_space<vmem>>
        %dma_wait3A_293 = arith.constant 0 : i32
        %dma_wait3A_294 = arith.constant 0 : i32
        %dma_wait3A_295 = tpu.memref_slice %arg10[%dma_wait3A_293, %dma_wait3A_294] : memref<10112x64xf32, #tpu.memory_space<vmem_shared>> -> memref<10112x64xf32, #tpu.memory_space<vmem_shared>>
        tpu.wait_indirect_dma semaphore(%arg20 : memref<!tpu.dma_semaphore, #tpu.memory_space<semaphore_mem>>) src(%dma_wait3A_289 : memref<128x64xf32, #tpu.memory_space<vmem>>) dst(%dma_wait3A_295 : memref<10112x64xf32, #tpu.memory_space<vmem_shared>>)
      } else {
      }
      %add3A_201 = arith.constant 2 : i32
      %add3A_202 = arith.addi %add3A_173, %add3A_201 : i32
      %lt3A_203 = arith.constant 160 : i32
      %lt3A_204 = arith.cmpi slt, %add3A_202, %lt3A_203 : i32
      %convert_element_type3A_205 = arith.extui %lt3A_204 : i1 to i32
      %cond3A_206 = arith.constant 0 : i32
      %cond3A_207 = arith.cmpi ne, %convert_element_type3A_205, %cond3A_206 : i32
      scf.if %cond3A_207 {
        %add3A_284 = arith.constant 2 : i32
        %add3A_285 = arith.addi %add3A_173, %add3A_284 : i32
        %dma_start3A_286 = arith.constant 4 : i32
        %dma_start3A_287 = arith.constant 0 : i32
        %dma_start3A_288 = arith.constant 0 : i32
        %dma_start3A_289 = tpu.memref_slice %arg9[%dma_start3A_286, %dma_start3A_287, %dma_start3A_288] : memref<5x128x64xf32, #tpu.memory_space<vmem>> -> memref<1x128x64xf32, #tpu.memory_space<vmem>>
        %dma_start3A_290 = tpu.memref_squeeze %dma_start3A_289 : memref<1x128x64xf32, #tpu.memory_space<vmem>> -> memref<128x64xf32, #tpu.memory_space<vmem>>
        %dma_start3A_291 = arith.constant 0 : i32
        %dma_start3A_292 = tpu.memref_slice %arg7[%add3A_285, %dma_start3A_291] : memref<160x128xi32, #tpu.memory_space<vmem>> -> memref<1x128xi32, #tpu.memory_space<vmem>>
        %dma_start3A_293 = tpu.memref_squeeze %dma_start3A_292 : memref<1x128xi32, #tpu.memory_space<vmem>> -> memref<128xi32, #tpu.memory_space<vmem>>
        %dma_start3A_294 = arith.constant 0 : i32
        %dma_start3A_295 = arith.constant 0 : i32
        %dma_start3A_296 = tpu.memref_slice %arg2[%dma_start3A_294, %dma_start3A_295] : memref<20000x64xf32, #tpu.memory_space<hbm>> -> memref<20000x64xf32, #tpu.memory_space<hbm>>
        tpu.enqueue_indirect_dma source(%dma_start3A_296 : memref<20000x64xf32, #tpu.memory_space<hbm>>) target(%dma_start3A_290 : memref<128x64xf32, #tpu.memory_space<vmem>>) offsets(%dma_start3A_293 : memref<128xi32, #tpu.memory_space<vmem>>) semaphore(%arg15 : memref<!tpu.dma_semaphore, #tpu.memory_space<semaphore_mem>>)
      } else {
      }
      %mul3A_208 = arith.constant 5 : i32
      %mul3A_209 = arith.muli %scan3A_97, %mul3A_208 : i32
      %add3A_210 = arith.constant 3 : i32
      %add3A_211 = arith.addi %mul3A_209, %add3A_210 : i32
      %dma_wait3A_212 = arith.constant 3 : i32
      %dma_wait3A_213 = arith.constant 0 : i32
      %dma_wait3A_214 = arith.constant 0 : i32
      %dma_wait3A_215 = tpu.memref_slice %arg9[%dma_wait3A_212, %dma_wait3A_213, %dma_wait3A_214] : memref<5x128x64xf32, #tpu.memory_space<vmem>> -> memref<1x128x64xf32, #tpu.memory_space<vmem>>
      %dma_wait3A_216 = tpu.memref_squeeze %dma_wait3A_215 : memref<1x128x64xf32, #tpu.memory_space<vmem>> -> memref<128x64xf32, #tpu.memory_space<vmem>>
      %dma_wait3A_217 = arith.constant 0 : i32
      %dma_wait3A_218 = tpu.memref_slice %arg7[%add3A_211, %dma_wait3A_217] : memref<160x128xi32, #tpu.memory_space<vmem>> -> memref<1x128xi32, #tpu.memory_space<vmem>>
      %dma_wait3A_219 = tpu.memref_squeeze %dma_wait3A_218 : memref<1x128xi32, #tpu.memory_space<vmem>> -> memref<128xi32, #tpu.memory_space<vmem>>
      %dma_wait3A_220 = arith.constant 0 : i32
      %dma_wait3A_221 = arith.constant 0 : i32
      %dma_wait3A_222 = tpu.memref_slice %arg2[%dma_wait3A_220, %dma_wait3A_221] : memref<20000x64xf32, #tpu.memory_space<hbm>> -> memref<20000x64xf32, #tpu.memory_space<hbm>>
      tpu.wait_indirect_dma semaphore(%arg14 : memref<!tpu.dma_semaphore, #tpu.memory_space<semaphore_mem>>) src(%dma_wait3A_222 : memref<20000x64xf32, #tpu.memory_space<hbm>>) dst(%dma_wait3A_216 : memref<128x64xf32, #tpu.memory_space<vmem>>)
      %dma_start3A_223 = arith.constant 3 : i32
      %dma_start3A_224 = arith.constant 0 : i32
      %dma_start3A_225 = arith.constant 0 : i32
      %dma_start3A_226 = tpu.memref_slice %arg9[%dma_start3A_223, %dma_start3A_224, %dma_start3A_225] : memref<5x128x64xf32, #tpu.memory_space<vmem>> -> memref<1x128x64xf32, #tpu.memory_space<vmem>>
      %dma_start3A_227 = tpu.memref_squeeze %dma_start3A_226 : memref<1x128x64xf32, #tpu.memory_space<vmem>> -> memref<128x64xf32, #tpu.memory_space<vmem>>
      %dma_start3A_228 = arith.constant 0 : i32
      %dma_start3A_229 = tpu.memref_slice %arg8[%add3A_211, %dma_start3A_228] : memref<160x128xi32, #tpu.memory_space<vmem>> -> memref<1x128xi32, #tpu.memory_space<vmem>>
      %dma_start3A_230 = tpu.memref_squeeze %dma_start3A_229 : memref<1x128xi32, #tpu.memory_space<vmem>> -> memref<128xi32, #tpu.memory_space<vmem>>
      %dma_start3A_231 = arith.constant 0 : i32
      %dma_start3A_232 = arith.constant 0 : i32
      %dma_start3A_233 = tpu.memref_slice %arg10[%dma_start3A_231, %dma_start3A_232] : memref<10112x64xf32, #tpu.memory_space<vmem_shared>> -> memref<10112x64xf32, #tpu.memory_space<vmem_shared>>
      tpu.enqueue_indirect_dma source(%dma_start3A_227 : memref<128x64xf32, #tpu.memory_space<vmem>>) target(%dma_start3A_233 : memref<10112x64xf32, #tpu.memory_space<vmem_shared>>) offsets(%dma_start3A_230 : memref<128xi32, #tpu.memory_space<vmem>>) semaphore(%arg19 : memref<!tpu.dma_semaphore, #tpu.memory_space<semaphore_mem>>) {add = true}
      %ge3A_234 = arith.constant 3 : i32
      %ge3A_235 = arith.cmpi sge, %add3A_211, %ge3A_234 : i32
      %convert_element_type3A_236 = arith.extui %ge3A_235 : i1 to i32
      %cond3A_237 = arith.constant 0 : i32
      %cond3A_238 = arith.cmpi ne, %convert_element_type3A_236, %cond3A_237 : i32
      scf.if %cond3A_238 {
        %sub3A = arith.constant 3 : i32
        %sub3A_284 = arith.subi %add3A_211, %sub3A : i32
        %dma_wait3A_285 = arith.constant 0 : i32
        %dma_wait3A_286 = arith.constant 0 : i32
        %dma_wait3A_287 = arith.constant 0 : i32
        %dma_wait3A_288 = tpu.memref_slice %arg9[%dma_wait3A_285, %dma_wait3A_286, %dma_wait3A_287] : memref<5x128x64xf32, #tpu.memory_space<vmem>> -> memref<1x128x64xf32, #tpu.memory_space<vmem>>
        %dma_wait3A_289 = tpu.memref_squeeze %dma_wait3A_288 : memref<1x128x64xf32, #tpu.memory_space<vmem>> -> memref<128x64xf32, #tpu.memory_space<vmem>>
        %dma_wait3A_290 = arith.constant 0 : i32
        %dma_wait3A_291 = tpu.memref_slice %arg8[%sub3A_284, %dma_wait3A_290] : memref<160x128xi32, #tpu.memory_space<vmem>> -> memref<1x128xi32, #tpu.memory_space<vmem>>
        %dma_wait3A_292 = tpu.memref_squeeze %dma_wait3A_291 : memref<1x128xi32, #tpu.memory_space<vmem>> -> memref<128xi32, #tpu.memory_space<vmem>>
        %dma_wait3A_293 = arith.constant 0 : i32
        %dma_wait3A_294 = arith.constant 0 : i32
        %dma_wait3A_295 = tpu.memref_slice %arg10[%dma_wait3A_293, %dma_wait3A_294] : memref<10112x64xf32, #tpu.memory_space<vmem_shared>> -> memref<10112x64xf32, #tpu.memory_space<vmem_shared>>
        tpu.wait_indirect_dma semaphore(%arg16 : memref<!tpu.dma_semaphore, #tpu.memory_space<semaphore_mem>>) src(%dma_wait3A_289 : memref<128x64xf32, #tpu.memory_space<vmem>>) dst(%dma_wait3A_295 : memref<10112x64xf32, #tpu.memory_space<vmem_shared>>)
      } else {
      }
      %add3A_239 = arith.constant 2 : i32
      %add3A_240 = arith.addi %add3A_211, %add3A_239 : i32
      %lt3A_241 = arith.constant 160 : i32
      %lt3A_242 = arith.cmpi slt, %add3A_240, %lt3A_241 : i32
      %convert_element_type3A_243 = arith.extui %lt3A_242 : i1 to i32
      %cond3A_244 = arith.constant 0 : i32
      %cond3A_245 = arith.cmpi ne, %convert_element_type3A_243, %cond3A_244 : i32
      scf.if %cond3A_245 {
        %add3A_284 = arith.constant 2 : i32
        %add3A_285 = arith.addi %add3A_211, %add3A_284 : i32
        %dma_start3A_286 = arith.constant 0 : i32
        %dma_start3A_287 = arith.constant 0 : i32
        %dma_start3A_288 = arith.constant 0 : i32
        %dma_start3A_289 = tpu.memref_slice %arg9[%dma_start3A_286, %dma_start3A_287, %dma_start3A_288] : memref<5x128x64xf32, #tpu.memory_space<vmem>> -> memref<1x128x64xf32, #tpu.memory_space<vmem>>
        %dma_start3A_290 = tpu.memref_squeeze %dma_start3A_289 : memref<1x128x64xf32, #tpu.memory_space<vmem>> -> memref<128x64xf32, #tpu.memory_space<vmem>>
        %dma_start3A_291 = arith.constant 0 : i32
        %dma_start3A_292 = tpu.memref_slice %arg7[%add3A_285, %dma_start3A_291] : memref<160x128xi32, #tpu.memory_space<vmem>> -> memref<1x128xi32, #tpu.memory_space<vmem>>
        %dma_start3A_293 = tpu.memref_squeeze %dma_start3A_292 : memref<1x128xi32, #tpu.memory_space<vmem>> -> memref<128xi32, #tpu.memory_space<vmem>>
        %dma_start3A_294 = arith.constant 0 : i32
        %dma_start3A_295 = arith.constant 0 : i32
        %dma_start3A_296 = tpu.memref_slice %arg2[%dma_start3A_294, %dma_start3A_295] : memref<20000x64xf32, #tpu.memory_space<hbm>> -> memref<20000x64xf32, #tpu.memory_space<hbm>>
        tpu.enqueue_indirect_dma source(%dma_start3A_296 : memref<20000x64xf32, #tpu.memory_space<hbm>>) target(%dma_start3A_290 : memref<128x64xf32, #tpu.memory_space<vmem>>) offsets(%dma_start3A_293 : memref<128xi32, #tpu.memory_space<vmem>>) semaphore(%arg11 : memref<!tpu.dma_semaphore, #tpu.memory_space<semaphore_mem>>)
      } else {
      }
      %mul3A_246 = arith.constant 5 : i32
      %mul3A_247 = arith.muli %scan3A_97, %mul3A_246 : i32
      %add3A_248 = arith.constant 4 : i32
      %add3A_249 = arith.addi %mul3A_247, %add3A_248 : i32
      %dma_wait3A_250 = arith.constant 4 : i32
      %dma_wait3A_251 = arith.constant 0 : i32
      %dma_wait3A_252 = arith.constant 0 : i32
      %dma_wait3A_253 = tpu.memref_slice %arg9[%dma_wait3A_250, %dma_wait3A_251, %dma_wait3A_252] : memref<5x128x64xf32, #tpu.memory_space<vmem>> -> memref<1x128x64xf32, #tpu.memory_space<vmem>>
      %dma_wait3A_254 = tpu.memref_squeeze %dma_wait3A_253 : memref<1x128x64xf32, #tpu.memory_space<vmem>> -> memref<128x64xf32, #tpu.memory_space<vmem>>
      %dma_wait3A_255 = arith.constant 0 : i32
      %dma_wait3A_256 = tpu.memref_slice %arg7[%add3A_249, %dma_wait3A_255] : memref<160x128xi32, #tpu.memory_space<vmem>> -> memref<1x128xi32, #tpu.memory_space<vmem>>
      %dma_wait3A_257 = tpu.memref_squeeze %dma_wait3A_256 : memref<1x128xi32, #tpu.memory_space<vmem>> -> memref<128xi32, #tpu.memory_space<vmem>>
      %dma_wait3A_258 = arith.constant 0 : i32
      %dma_wait3A_259 = arith.constant 0 : i32
      %dma_wait3A_260 = tpu.memref_slice %arg2[%dma_wait3A_258, %dma_wait3A_259] : memref<20000x64xf32, #tpu.memory_space<hbm>> -> memref<20000x64xf32, #tpu.memory_space<hbm>>
      tpu.wait_indirect_dma semaphore(%arg15 : memref<!tpu.dma_semaphore, #tpu.memory_space<semaphore_mem>>) src(%dma_wait3A_260 : memref<20000x64xf32, #tpu.memory_space<hbm>>) dst(%dma_wait3A_254 : memref<128x64xf32, #tpu.memory_space<vmem>>)
      %dma_start3A_261 = arith.constant 4 : i32
      %dma_start3A_262 = arith.constant 0 : i32
      %dma_start3A_263 = arith.constant 0 : i32
      %dma_start3A_264 = tpu.memref_slice %arg9[%dma_start3A_261, %dma_start3A_262, %dma_start3A_263] : memref<5x128x64xf32, #tpu.memory_space<vmem>> -> memref<1x128x64xf32, #tpu.memory_space<vmem>>
      %dma_start3A_265 = tpu.memref_squeeze %dma_start3A_264 : memref<1x128x64xf32, #tpu.memory_space<vmem>> -> memref<128x64xf32, #tpu.memory_space<vmem>>
      %dma_start3A_266 = arith.constant 0 : i32
      %dma_start3A_267 = tpu.memref_slice %arg8[%add3A_249, %dma_start3A_266] : memref<160x128xi32, #tpu.memory_space<vmem>> -> memref<1x128xi32, #tpu.memory_space<vmem>>
      %dma_start3A_268 = tpu.memref_squeeze %dma_start3A_267 : memref<1x128xi32, #tpu.memory_space<vmem>> -> memref<128xi32, #tpu.memory_space<vmem>>
      %dma_start3A_269 = arith.constant 0 : i32
      %dma_start3A_270 = arith.constant 0 : i32
      %dma_start3A_271 = tpu.memref_slice %arg10[%dma_start3A_269, %dma_start3A_270] : memref<10112x64xf32, #tpu.memory_space<vmem_shared>> -> memref<10112x64xf32, #tpu.memory_space<vmem_shared>>
      tpu.enqueue_indirect_dma source(%dma_start3A_265 : memref<128x64xf32, #tpu.memory_space<vmem>>) target(%dma_start3A_271 : memref<10112x64xf32, #tpu.memory_space<vmem_shared>>) offsets(%dma_start3A_268 : memref<128xi32, #tpu.memory_space<vmem>>) semaphore(%arg20 : memref<!tpu.dma_semaphore, #tpu.memory_space<semaphore_mem>>) {add = true}
      %ge3A_272 = arith.constant 3 : i32
      %ge3A_273 = arith.cmpi sge, %add3A_249, %ge3A_272 : i32
      %convert_element_type3A_274 = arith.extui %ge3A_273 : i1 to i32
      %cond3A_275 = arith.constant 0 : i32
      %cond3A_276 = arith.cmpi ne, %convert_element_type3A_274, %cond3A_275 : i32
      scf.if %cond3A_276 {
        %sub3A = arith.constant 3 : i32
        %sub3A_284 = arith.subi %add3A_249, %sub3A : i32
        %dma_wait3A_285 = arith.constant 1 : i32
        %dma_wait3A_286 = arith.constant 0 : i32
        %dma_wait3A_287 = arith.constant 0 : i32
        %dma_wait3A_288 = tpu.memref_slice %arg9[%dma_wait3A_285, %dma_wait3A_286, %dma_wait3A_287] : memref<5x128x64xf32, #tpu.memory_space<vmem>> -> memref<1x128x64xf32, #tpu.memory_space<vmem>>
        %dma_wait3A_289 = tpu.memref_squeeze %dma_wait3A_288 : memref<1x128x64xf32, #tpu.memory_space<vmem>> -> memref<128x64xf32, #tpu.memory_space<vmem>>
        %dma_wait3A_290 = arith.constant 0 : i32
        %dma_wait3A_291 = tpu.memref_slice %arg8[%sub3A_284, %dma_wait3A_290] : memref<160x128xi32, #tpu.memory_space<vmem>> -> memref<1x128xi32, #tpu.memory_space<vmem>>
        %dma_wait3A_292 = tpu.memref_squeeze %dma_wait3A_291 : memref<1x128xi32, #tpu.memory_space<vmem>> -> memref<128xi32, #tpu.memory_space<vmem>>
        %dma_wait3A_293 = arith.constant 0 : i32
        %dma_wait3A_294 = arith.constant 0 : i32
        %dma_wait3A_295 = tpu.memref_slice %arg10[%dma_wait3A_293, %dma_wait3A_294] : memref<10112x64xf32, #tpu.memory_space<vmem_shared>> -> memref<10112x64xf32, #tpu.memory_space<vmem_shared>>
        tpu.wait_indirect_dma semaphore(%arg17 : memref<!tpu.dma_semaphore, #tpu.memory_space<semaphore_mem>>) src(%dma_wait3A_289 : memref<128x64xf32, #tpu.memory_space<vmem>>) dst(%dma_wait3A_295 : memref<10112x64xf32, #tpu.memory_space<vmem_shared>>)
      } else {
      }
      %add3A_277 = arith.constant 2 : i32
      %add3A_278 = arith.addi %add3A_249, %add3A_277 : i32
      %lt3A_279 = arith.constant 160 : i32
      %lt3A_280 = arith.cmpi slt, %add3A_278, %lt3A_279 : i32
      %convert_element_type3A_281 = arith.extui %lt3A_280 : i1 to i32
      %cond3A_282 = arith.constant 0 : i32
      %cond3A_283 = arith.cmpi ne, %convert_element_type3A_281, %cond3A_282 : i32
      scf.if %cond3A_283 {
        %add3A_284 = arith.constant 2 : i32
        %add3A_285 = arith.addi %add3A_249, %add3A_284 : i32
        %dma_start3A_286 = arith.constant 1 : i32
        %dma_start3A_287 = arith.constant 0 : i32
        %dma_start3A_288 = arith.constant 0 : i32
        %dma_start3A_289 = tpu.memref_slice %arg9[%dma_start3A_286, %dma_start3A_287, %dma_start3A_288] : memref<5x128x64xf32, #tpu.memory_space<vmem>> -> memref<1x128x64xf32, #tpu.memory_space<vmem>>
        %dma_start3A_290 = tpu.memref_squeeze %dma_start3A_289 : memref<1x128x64xf32, #tpu.memory_space<vmem>> -> memref<128x64xf32, #tpu.memory_space<vmem>>
        %dma_start3A_291 = arith.constant 0 : i32
        %dma_start3A_292 = tpu.memref_slice %arg7[%add3A_285, %dma_start3A_291] : memref<160x128xi32, #tpu.memory_space<vmem>> -> memref<1x128xi32, #tpu.memory_space<vmem>>
        %dma_start3A_293 = tpu.memref_squeeze %dma_start3A_292 : memref<1x128xi32, #tpu.memory_space<vmem>> -> memref<128xi32, #tpu.memory_space<vmem>>
        %dma_start3A_294 = arith.constant 0 : i32
        %dma_start3A_295 = arith.constant 0 : i32
        %dma_start3A_296 = tpu.memref_slice %arg2[%dma_start3A_294, %dma_start3A_295] : memref<20000x64xf32, #tpu.memory_space<hbm>> -> memref<20000x64xf32, #tpu.memory_space<hbm>>
        tpu.enqueue_indirect_dma source(%dma_start3A_296 : memref<20000x64xf32, #tpu.memory_space<hbm>>) target(%dma_start3A_290 : memref<128x64xf32, #tpu.memory_space<vmem>>) offsets(%dma_start3A_293 : memref<128xi32, #tpu.memory_space<vmem>>) semaphore(%arg12 : memref<!tpu.dma_semaphore, #tpu.memory_space<semaphore_mem>>)
      } else {
      }
    }
    %scan3A_56 = arith.constant 32 : i32
    %dma_wait3A = arith.constant 2 : i32
    %dma_wait3A_57 = arith.constant 157 : i32
    %dma_wait3A_58 = arith.constant 0 : i32
    %dma_wait3A_59 = arith.constant 0 : i32
    %dma_wait3A_60 = tpu.memref_slice %arg9[%dma_wait3A, %dma_wait3A_58, %dma_wait3A_59] : memref<5x128x64xf32, #tpu.memory_space<vmem>> -> memref<1x128x64xf32, #tpu.memory_space<vmem>>
    %dma_wait3A_61 = tpu.memref_squeeze %dma_wait3A_60 : memref<1x128x64xf32, #tpu.memory_space<vmem>> -> memref<128x64xf32, #tpu.memory_space<vmem>>
    %dma_wait3A_62 = arith.constant 0 : i32
    %dma_wait3A_63 = tpu.memref_slice %arg8[%dma_wait3A_57, %dma_wait3A_62] : memref<160x128xi32, #tpu.memory_space<vmem>> -> memref<1x128xi32, #tpu.memory_space<vmem>>
    %dma_wait3A_64 = tpu.memref_squeeze %dma_wait3A_63 : memref<1x128xi32, #tpu.memory_space<vmem>> -> memref<128xi32, #tpu.memory_space<vmem>>
    %dma_wait3A_65 = arith.constant 0 : i32
    %dma_wait3A_66 = arith.constant 0 : i32
    %dma_wait3A_67 = tpu.memref_slice %arg10[%dma_wait3A_65, %dma_wait3A_66] : memref<10112x64xf32, #tpu.memory_space<vmem_shared>> -> memref<10112x64xf32, #tpu.memory_space<vmem_shared>>
    tpu.wait_indirect_dma semaphore(%arg18 : memref<!tpu.dma_semaphore, #tpu.memory_space<semaphore_mem>>) src(%dma_wait3A_61 : memref<128x64xf32, #tpu.memory_space<vmem>>) dst(%dma_wait3A_67 : memref<10112x64xf32, #tpu.memory_space<vmem_shared>>)
    %dma_wait3A_68 = arith.constant 3 : i32
    %dma_wait3A_69 = arith.constant 158 : i32
    %dma_wait3A_70 = arith.constant 0 : i32
    %dma_wait3A_71 = arith.constant 0 : i32
    %dma_wait3A_72 = tpu.memref_slice %arg9[%dma_wait3A_68, %dma_wait3A_70, %dma_wait3A_71] : memref<5x128x64xf32, #tpu.memory_space<vmem>> -> memref<1x128x64xf32, #tpu.memory_space<vmem>>
    %dma_wait3A_73 = tpu.memref_squeeze %dma_wait3A_72 : memref<1x128x64xf32, #tpu.memory_space<vmem>> -> memref<128x64xf32, #tpu.memory_space<vmem>>
    %dma_wait3A_74 = arith.constant 0 : i32
    %dma_wait3A_75 = tpu.memref_slice %arg8[%dma_wait3A_69, %dma_wait3A_74] : memref<160x128xi32, #tpu.memory_space<vmem>> -> memref<1x128xi32, #tpu.memory_space<vmem>>
    %dma_wait3A_76 = tpu.memref_squeeze %dma_wait3A_75 : memref<1x128xi32, #tpu.memory_space<vmem>> -> memref<128xi32, #tpu.memory_space<vmem>>
    %dma_wait3A_77 = arith.constant 0 : i32
    %dma_wait3A_78 = arith.constant 0 : i32
    %dma_wait3A_79 = tpu.memref_slice %arg10[%dma_wait3A_77, %dma_wait3A_78] : memref<10112x64xf32, #tpu.memory_space<vmem_shared>> -> memref<10112x64xf32, #tpu.memory_space<vmem_shared>>
    tpu.wait_indirect_dma semaphore(%arg19 : memref<!tpu.dma_semaphore, #tpu.memory_space<semaphore_mem>>) src(%dma_wait3A_73 : memref<128x64xf32, #tpu.memory_space<vmem>>) dst(%dma_wait3A_79 : memref<10112x64xf32, #tpu.memory_space<vmem_shared>>)
    %dma_wait3A_80 = arith.constant 4 : i32
    %dma_wait3A_81 = arith.constant 159 : i32
    %dma_wait3A_82 = arith.constant 0 : i32
    %dma_wait3A_83 = arith.constant 0 : i32
    %dma_wait3A_84 = tpu.memref_slice %arg9[%dma_wait3A_80, %dma_wait3A_82, %dma_wait3A_83] : memref<5x128x64xf32, #tpu.memory_space<vmem>> -> memref<1x128x64xf32, #tpu.memory_space<vmem>>
    %dma_wait3A_85 = tpu.memref_squeeze %dma_wait3A_84 : memref<1x128x64xf32, #tpu.memory_space<vmem>> -> memref<128x64xf32, #tpu.memory_space<vmem>>
    %dma_wait3A_86 = arith.constant 0 : i32
    %dma_wait3A_87 = tpu.memref_slice %arg8[%dma_wait3A_81, %dma_wait3A_86] : memref<160x128xi32, #tpu.memory_space<vmem>> -> memref<1x128xi32, #tpu.memory_space<vmem>>
    %dma_wait3A_88 = tpu.memref_squeeze %dma_wait3A_87 : memref<1x128xi32, #tpu.memory_space<vmem>> -> memref<128xi32, #tpu.memory_space<vmem>>
    %dma_wait3A_89 = arith.constant 0 : i32
    %dma_wait3A_90 = arith.constant 0 : i32
    %dma_wait3A_91 = tpu.memref_slice %arg10[%dma_wait3A_89, %dma_wait3A_90] : memref<10112x64xf32, #tpu.memory_space<vmem_shared>> -> memref<10112x64xf32, #tpu.memory_space<vmem_shared>>
    tpu.wait_indirect_dma semaphore(%arg20 : memref<!tpu.dma_semaphore, #tpu.memory_space<semaphore_mem>>) src(%dma_wait3A_85 : memref<128x64xf32, #tpu.memory_space<vmem>>) dst(%dma_wait3A_91 : memref<10112x64xf32, #tpu.memory_space<vmem_shared>>)
    %barrier3A_92 = arith.constant 0 : index
    tpu.barrier barrier_id(%barrier3A_92)
    %mul3A_93 = arith.constant 632 : i32
    %mul3A_94 = arith.muli %arg1, %mul3A_93 : i32
    %mul3A_95 = arith.constant 632 : i32
    %mul3A_96 = arith.muli %arg1, %mul3A_95 : i32
    "tpu.region"() ({
      %run_scoped3A_97 = tpu.sem_alloc : memref<!tpu.dma_semaphore, #tpu.memory_space<semaphore_mem>>
      %dma_start3A_98 = arith.constant 0 : i32
      %dma_start3A_99 = tpu.memref_slice %arg6[%arg0, %mul3A_96, %dma_start3A_98] : memref<2x10112x64xf32, #tpu.memory_space<hbm>> -> memref<1x632x64xf32, #tpu.memory_space<hbm>>
      %dma_start3A_100 = tpu.memref_squeeze %dma_start3A_99 : memref<1x632x64xf32, #tpu.memory_space<hbm>> -> memref<632x64xf32, #tpu.memory_space<hbm>>
      %dma_start3A_101 = arith.constant 0 : i32
      %dma_start3A_102 = tpu.memref_slice %arg10[%mul3A_94, %dma_start3A_101] : memref<10112x64xf32, #tpu.memory_space<vmem_shared>> -> memref<632x64xf32, #tpu.memory_space<vmem_shared>>
      tpu.enqueue_dma source(%dma_start3A_102 : memref<632x64xf32, #tpu.memory_space<vmem_shared>>) target(%dma_start3A_100 : memref<632x64xf32, #tpu.memory_space<hbm>>) target_semaphore(%run_scoped3A_97 : memref<!tpu.dma_semaphore, #tpu.memory_space<semaphore_mem>>)
      %dma_wait3A_103 = arith.constant 0 : i32
      %dma_wait3A_104 = tpu.memref_slice %arg6[%arg0, %mul3A_96, %dma_wait3A_103] : memref<2x10112x64xf32, #tpu.memory_space<hbm>> -> memref<1x632x64xf32, #tpu.memory_space<hbm>>
      %dma_wait3A_105 = tpu.memref_squeeze %dma_wait3A_104 : memref<1x632x64xf32, #tpu.memory_space<hbm>> -> memref<632x64xf32, #tpu.memory_space<hbm>>
      %dma_wait3A_106 = arith.constant 0 : i32
      %dma_wait3A_107 = tpu.memref_slice %arg10[%mul3A_94, %dma_wait3A_106] : memref<10112x64xf32, #tpu.memory_space<vmem_shared>> -> memref<632x64xf32, #tpu.memory_space<vmem_shared>>
      tpu.wait_dma2 semaphore(%run_scoped3A_97 : memref<!tpu.dma_semaphore, #tpu.memory_space<semaphore_mem>>) src(%dma_wait3A_107 : memref<632x64xf32, #tpu.memory_space<vmem_shared>>) dst(%dma_wait3A_105 : memref<632x64xf32, #tpu.memory_space<hbm>>)
      tpu.yield
    }) : () -> ()
    return
  }
}

module attributes {stable_mosaic.version = 14 : i64} {
  func.func @_tc1_body(%arg0: i32, %arg1: memref<1000x128xf32, #tpu.memory_space<vmem>>, %arg2: memref<128x128xf32, #tpu.memory_space<vmem>>, %arg3: memref<2x1000x16xf32, #tpu.memory_space<vmem>>, %arg4: memref<2x1000x64xf32, #tpu.memory_space<vmem>>, %arg5: memref<1000x1xf32, #tpu.memory_space<vmem>>) attributes {dimension_semantics = [#tpu.dimension_semantics<arbitrary>], iteration_bounds = array<i64: 10>, scalar_prefetch = 0 : i64, scratch_operands = 0 : i64, tpu.core_type = #tpu.core_type<tc>, window_params = [{transform_indices = @transform_0, window_bounds = array<i64: 1000, 128>}, {pipeline_mode = #tpu.pipeline_mode<synchronous>, transform_indices = @transform_1, window_bounds = array<i64: 128, 128>}, {transform_indices = @transform_2, window_bounds = array<i64: 2, 1000, 16>}, {transform_indices = @transform_3, window_bounds = array<i64: 2, 1000, 64>}, {transform_indices = @transform_4, window_bounds = array<i64: 1000, 1>}]} {
    %get3A = arith.constant 0 : index
    %get3A_0 = arith.constant 0 : index
    %get3A_1 = arith.constant 0 : index
    %get3A_2 = vector.load %arg3[%get3A, %get3A_0, %get3A_1] : memref<2x1000x16xf32, #tpu.memory_space<vmem>>, vector<1x1000x1xf32>
    %get3A_3 = vector.shape_cast %get3A_2 : vector<1x1000x1xf32> to vector<1000x1xf32>
    %get3A_4 = arith.constant 1 : index
    %get3A_5 = arith.constant 0 : index
    %get3A_6 = arith.constant 0 : index
    %get3A_7 = vector.load %arg3[%get3A_4, %get3A_5, %get3A_6] : memref<2x1000x16xf32, #tpu.memory_space<vmem>>, vector<1x1000x1xf32>
    %get3A_8 = vector.shape_cast %get3A_7 : vector<1x1000x1xf32> to vector<1000x1xf32>
    %add3A = arith.addf %get3A_3, %get3A_8 : vector<1000x1xf32>
    %add3A_9 = arith.constant 1.000000e+00 : f32
    %add3A_10 = vector.broadcast %add3A_9 : f32 to vector<1000x1xf32>
    %add3A_11 = arith.addf %add3A, %add3A_10 : vector<1000x1xf32>
    %rsqrt3A = math.rsqrt %add3A_11 : vector<1000x1xf32>
    %get3A_12 = arith.constant 0 : index
    %get3A_13 = arith.constant 0 : index
    %get3A_14 = vector.load %arg1[%get3A_12, %get3A_13] : memref<1000x128xf32, #tpu.memory_space<vmem>>, vector<1000x128xf32>
    %get3A_15 = arith.constant 0 : index
    %get3A_16 = arith.constant 0 : index
    %get3A_17 = vector.load %arg2[%get3A_15, %get3A_16] : memref<128x128xf32, #tpu.memory_space<vmem>>, vector<128x128xf32>
    %dot_general3A = arith.constant dense<0.000000e+00> : vector<1000x128xf32>
    %dot_general3A_18 = tpu.matmul %get3A_14, %get3A_17, %dot_general3A {dimension_numbers = #tpu.dot_dimension_numbers<[1], [0], [0], [1], [0, 0, 1, 1], [], []>, transpose_lhs_hint = false} : vector<1000x128xf32>, vector<128x128xf32>, vector<1000x128xf32> -> vector<1000x128xf32>
    %slice3A = vector.extract_strided_slice %dot_general3A_18 {offsets = [0, 0], sizes = [1000, 64], strides = [1, 1]} : vector<1000x128xf32> to vector<1000x64xf32>
    %mul3A = vector.broadcast %rsqrt3A : vector<1000x1xf32> to vector<1000x64xf32>
    %mul3A_19 = arith.mulf %mul3A, %slice3A : vector<1000x64xf32>
    %swap3A = arith.constant 0 : index
    %swap3A_20 = arith.constant 0 : index
    %swap3A_21 = arith.constant 0 : index
    %swap3A_22 = vector.load %arg4[%swap3A, %swap3A_20, %swap3A_21] : memref<2x1000x64xf32, #tpu.memory_space<vmem>>, vector<1x1000x64xf32>
    %swap3A_23 = vector.shape_cast %swap3A_22 : vector<1x1000x64xf32> to vector<1000x64xf32>
    %swap3A_24 = vector.shape_cast %mul3A_19 : vector<1000x64xf32> to vector<1x1000x64xf32>
    tpu.vector_store %arg4[%swap3A, %swap3A_20, %swap3A_21], %swap3A_24 {strides = array<i32>} : memref<2x1000x64xf32, #tpu.memory_space<vmem>>, vector<1x1000x64xf32>,
    %slice3A_25 = vector.extract_strided_slice %dot_general3A_18 {offsets = [0, 64], sizes = [1000, 64], strides = [1, 1]} : vector<1000x128xf32> to vector<1000x64xf32>
    %mul3A_26 = vector.broadcast %rsqrt3A : vector<1000x1xf32> to vector<1000x64xf32>
    %mul3A_27 = arith.mulf %mul3A_26, %slice3A_25 : vector<1000x64xf32>
    %swap3A_28 = arith.constant 1 : index
    %swap3A_29 = arith.constant 0 : index
    %swap3A_30 = arith.constant 0 : index
    %swap3A_31 = vector.load %arg4[%swap3A_28, %swap3A_29, %swap3A_30] : memref<2x1000x64xf32, #tpu.memory_space<vmem>>, vector<1x1000x64xf32>
    %swap3A_32 = vector.shape_cast %swap3A_31 : vector<1x1000x64xf32> to vector<1000x64xf32>
    %swap3A_33 = vector.shape_cast %mul3A_27 : vector<1000x64xf32> to vector<1x1000x64xf32>
    tpu.vector_store %arg4[%swap3A_28, %swap3A_29, %swap3A_30], %swap3A_33 {strides = array<i32>} : memref<2x1000x64xf32, #tpu.memory_space<vmem>>, vector<1x1000x64xf32>,
    %swap3A_34 = arith.constant 0 : index
    %swap3A_35 = arith.constant 0 : index
    %swap3A_36 = vector.load %arg5[%swap3A_34, %swap3A_35] : memref<1000x1xf32, #tpu.memory_space<vmem>>, vector<1000x1xf32>
    tpu.vector_store %arg5[%swap3A_34, %swap3A_35], %rsqrt3A {strides = array<i32>} : memref<1000x1xf32, #tpu.memory_space<vmem>>, vector<1000x1xf32>,
    return
  }
  func.func @transform_0(%arg0: i32) -> (i32, i32) {
    %c0_i32 = arith.constant 0 : i32
    %c0_i32_0 = arith.constant 0 : i32
    return %arg0, %c0_i32 : i32, i32
  }
  func.func @transform_1(%arg0: i32) -> (i32, i32) {
    %c0_i32 = arith.constant 0 : i32
    %c0_i32_0 = arith.constant 0 : i32
    %c0_i32_1 = arith.constant 0 : i32
    return %c0_i32, %c0_i32_0 : i32, i32
  }
  func.func @transform_2(%arg0: i32) -> (i32, i32, i32) {
    %c0_i32 = arith.constant 0 : i32
    %c0_i32_0 = arith.constant 0 : i32
    %c0_i32_1 = arith.constant 0 : i32
    return %c0_i32, %arg0, %c0_i32_0 : i32, i32, i32
  }
  func.func @transform_3(%arg0: i32) -> (i32, i32, i32) {
    %c0_i32 = arith.constant 0 : i32
    %c0_i32_0 = arith.constant 0 : i32
    %c0_i32_1 = arith.constant 0 : i32
    return %c0_i32, %arg0, %c0_i32_0 : i32, i32, i32
  }
  func.func @transform_4(%arg0: i32) -> (i32, i32) {
    %c0_i32 = arith.constant 0 : i32
    %c0_i32_0 = arith.constant 0 : i32
    return %arg0, %c0_i32 : i32, i32
  }
}

module attributes {stable_mosaic.version = 14 : i64} {
  func.func @_tc2_body(%arg0: i32, %arg1: memref<2x1000x64xf32, #tpu.memory_space<vmem>>, %arg2: memref<2x1000x64xf32, #tpu.memory_space<vmem>>, %arg3: memref<1000x1xf32, #tpu.memory_space<vmem>>, %arg4: memref<2x1x64xf32, #tpu.memory_space<vmem>>, %arg5: memref<2x1000x64xf32, #tpu.memory_space<vmem>>) attributes {dimension_semantics = [#tpu.dimension_semantics<arbitrary>], iteration_bounds = array<i64: 10>, scalar_prefetch = 0 : i64, scratch_operands = 0 : i64, tpu.core_type = #tpu.core_type<tc>, window_params = [{transform_indices = @transform_0, window_bounds = array<i64: 2, 1000, 64>}, {transform_indices = @transform_1, window_bounds = array<i64: 2, 1000, 64>}, {transform_indices = @transform_2, window_bounds = array<i64: 1000, 1>}, {pipeline_mode = #tpu.pipeline_mode<synchronous>, transform_indices = @transform_3, window_bounds = array<i64: 2, 1, 64>}, {transform_indices = @transform_4, window_bounds = array<i64: 2, 1000, 64>}]} {
    %get3A = arith.constant 0 : index
    %get3A_0 = arith.constant 0 : index
    %get3A_1 = vector.load %arg3[%get3A, %get3A_0] : memref<1000x1xf32, #tpu.memory_space<vmem>>, vector<1000x1xf32>
    %get3A_2 = arith.constant 0 : index
    %get3A_3 = arith.constant 0 : index
    %get3A_4 = arith.constant 0 : index
    %get3A_5 = vector.load %arg1[%get3A_2, %get3A_3, %get3A_4] : memref<2x1000x64xf32, #tpu.memory_space<vmem>>, vector<1x1000x64xf32>
    %get3A_6 = vector.shape_cast %get3A_5 : vector<1x1000x64xf32> to vector<1000x64xf32>
    %get3A_7 = arith.constant 0 : index
    %get3A_8 = arith.constant 0 : index
    %get3A_9 = arith.constant 0 : index
    %get3A_10 = vector.load %arg2[%get3A_7, %get3A_8, %get3A_9] : memref<2x1000x64xf32, #tpu.memory_space<vmem>>, vector<1x1000x64xf32>
    %get3A_11 = vector.shape_cast %get3A_10 : vector<1x1000x64xf32> to vector<1000x64xf32>
    %add3A = arith.addf %get3A_6, %get3A_11 : vector<1000x64xf32>
    %mul3A = vector.broadcast %get3A_1 : vector<1000x1xf32> to vector<1000x64xf32>
    %mul3A_12 = arith.mulf %mul3A, %add3A : vector<1000x64xf32>
    %get3A_13 = arith.constant 0 : index
    %get3A_14 = arith.constant 0 : index
    %get3A_15 = arith.constant 0 : index
    %get3A_16 = vector.load %arg4[%get3A_13, %get3A_14, %get3A_15] : memref<2x1x64xf32, #tpu.memory_space<vmem>>, vector<1x1x64xf32>
    %get3A_17 = vector.shape_cast %get3A_16 : vector<1x1x64xf32> to vector<1x64xf32>
    %add3A_18 = vector.broadcast %get3A_17 : vector<1x64xf32> to vector<1000x64xf32>
    %add3A_19 = arith.addf %mul3A_12, %add3A_18 : vector<1000x64xf32>
    %max3A = arith.constant 0.000000e+00 : f32
    %max3A_20 = vector.broadcast %max3A : f32 to vector<1000x64xf32>
    %max3A_21 = arith.maximumf %add3A_19, %max3A_20 : vector<1000x64xf32>
    %mul3A_22 = vector.broadcast %get3A_1 : vector<1000x1xf32> to vector<1000x64xf32>
    %mul3A_23 = arith.mulf %mul3A_22, %max3A_21 : vector<1000x64xf32>
    %swap3A = arith.constant 0 : index
    %swap3A_24 = arith.constant 0 : index
    %swap3A_25 = arith.constant 0 : index
    %swap3A_26 = vector.load %arg5[%swap3A, %swap3A_24, %swap3A_25] : memref<2x1000x64xf32, #tpu.memory_space<vmem>>, vector<1x1000x64xf32>
    %swap3A_27 = vector.shape_cast %swap3A_26 : vector<1x1000x64xf32> to vector<1000x64xf32>
    %swap3A_28 = vector.shape_cast %mul3A_23 : vector<1000x64xf32> to vector<1x1000x64xf32>
    tpu.vector_store %arg5[%swap3A, %swap3A_24, %swap3A_25], %swap3A_28 {strides = array<i32>} : memref<2x1000x64xf32, #tpu.memory_space<vmem>>, vector<1x1000x64xf32>,
    %get3A_29 = arith.constant 1 : index
    %get3A_30 = arith.constant 0 : index
    %get3A_31 = arith.constant 0 : index
    %get3A_32 = vector.load %arg1[%get3A_29, %get3A_30, %get3A_31] : memref<2x1000x64xf32, #tpu.memory_space<vmem>>, vector<1x1000x64xf32>
    %get3A_33 = vector.shape_cast %get3A_32 : vector<1x1000x64xf32> to vector<1000x64xf32>
    %get3A_34 = arith.constant 1 : index
    %get3A_35 = arith.constant 0 : index
    %get3A_36 = arith.constant 0 : index
    %get3A_37 = vector.load %arg2[%get3A_34, %get3A_35, %get3A_36] : memref<2x1000x64xf32, #tpu.memory_space<vmem>>, vector<1x1000x64xf32>
    %get3A_38 = vector.shape_cast %get3A_37 : vector<1x1000x64xf32> to vector<1000x64xf32>
    %add3A_39 = arith.addf %get3A_33, %get3A_38 : vector<1000x64xf32>
    %mul3A_40 = vector.broadcast %get3A_1 : vector<1000x1xf32> to vector<1000x64xf32>
    %mul3A_41 = arith.mulf %mul3A_40, %add3A_39 : vector<1000x64xf32>
    %get3A_42 = arith.constant 1 : index
    %get3A_43 = arith.constant 0 : index
    %get3A_44 = arith.constant 0 : index
    %get3A_45 = vector.load %arg4[%get3A_42, %get3A_43, %get3A_44] : memref<2x1x64xf32, #tpu.memory_space<vmem>>, vector<1x1x64xf32>
    %get3A_46 = vector.shape_cast %get3A_45 : vector<1x1x64xf32> to vector<1x64xf32>
    %add3A_47 = vector.broadcast %get3A_46 : vector<1x64xf32> to vector<1000x64xf32>
    %add3A_48 = arith.addf %mul3A_41, %add3A_47 : vector<1000x64xf32>
    %max3A_49 = arith.constant 0.000000e+00 : f32
    %max3A_50 = vector.broadcast %max3A_49 : f32 to vector<1000x64xf32>
    %max3A_51 = arith.maximumf %add3A_48, %max3A_50 : vector<1000x64xf32>
    %mul3A_52 = vector.broadcast %get3A_1 : vector<1000x1xf32> to vector<1000x64xf32>
    %mul3A_53 = arith.mulf %mul3A_52, %max3A_51 : vector<1000x64xf32>
    %swap3A_54 = arith.constant 1 : index
    %swap3A_55 = arith.constant 0 : index
    %swap3A_56 = arith.constant 0 : index
    %swap3A_57 = vector.load %arg5[%swap3A_54, %swap3A_55, %swap3A_56] : memref<2x1000x64xf32, #tpu.memory_space<vmem>>, vector<1x1000x64xf32>
    %swap3A_58 = vector.shape_cast %swap3A_57 : vector<1x1000x64xf32> to vector<1000x64xf32>
    %swap3A_59 = vector.shape_cast %mul3A_53 : vector<1000x64xf32> to vector<1x1000x64xf32>
    tpu.vector_store %arg5[%swap3A_54, %swap3A_55, %swap3A_56], %swap3A_59 {strides = array<i32>} : memref<2x1000x64xf32, #tpu.memory_space<vmem>>, vector<1x1000x64xf32>,
    return
  }
  func.func @transform_0(%arg0: i32) -> (i32, i32, i32) {
    %c0_i32 = arith.constant 0 : i32
    %c0_i32_0 = arith.constant 0 : i32
    %c0_i32_1 = arith.constant 0 : i32
    return %c0_i32, %arg0, %c0_i32_0 : i32, i32, i32
  }
  func.func @transform_1(%arg0: i32) -> (i32, i32, i32) {
    %c0_i32 = arith.constant 0 : i32
    %c0_i32_0 = arith.constant 0 : i32
    %c0_i32_1 = arith.constant 0 : i32
    return %c0_i32, %arg0, %c0_i32_0 : i32, i32, i32
  }
  func.func @transform_2(%arg0: i32) -> (i32, i32) {
    %c0_i32 = arith.constant 0 : i32
    %c0_i32_0 = arith.constant 0 : i32
    return %arg0, %c0_i32 : i32, i32
  }
  func.func @transform_3(%arg0: i32) -> (i32, i32, i32) {
    %c0_i32 = arith.constant 0 : i32
    %c0_i32_0 = arith.constant 0 : i32
    %c0_i32_1 = arith.constant 0 : i32
    %c0_i32_2 = arith.constant 0 : i32
    return %c0_i32, %c0_i32_0, %c0_i32_1 : i32, i32, i32
  }
  func.func @transform_4(%arg0: i32) -> (i32, i32, i32) {
    %c0_i32 = arith.constant 0 : i32
    %c0_i32_0 = arith.constant 0 : i32
    %c0_i32_1 = arith.constant 0 : i32
    return %c0_i32, %arg0, %c0_i32_0 : i32, i32, i32
  }
}

module attributes {stable_mosaic.version = 14 : i64} {
  func.func @_tc3_body(%arg0: i32, %arg1: memref<2x1000x64xf32, #tpu.memory_space<vmem>>, %arg2: memref<2x1000x64xf32, #tpu.memory_space<vmem>>, %arg3: memref<1000x1xf32, #tpu.memory_space<vmem>>, %arg4: memref<2x64x64xf32, #tpu.memory_space<vmem>>, %arg5: memref<1x64xf32, #tpu.memory_space<vmem>>, %arg6: memref<2x64x64xf32, #tpu.memory_space<vmem>>, %arg7: memref<1x64xf32, #tpu.memory_space<vmem>>, %arg8: memref<1000x64xf32, #tpu.memory_space<vmem>>, %arg9: memref<1000x64xf32, #tpu.memory_space<vmem>>, %arg10: memref<1000x64xf32, #tpu.memory_space<vmem>>, %arg11: memref<1000x64xf32, #tpu.memory_space<vmem>>) attributes {dimension_semantics = [#tpu.dimension_semantics<arbitrary>], iteration_bounds = array<i64: 10>, scalar_prefetch = 0 : i64, scratch_operands = 0 : i64, tpu.core_type = #tpu.core_type<tc>, window_params = [{transform_indices = @transform_0, window_bounds = array<i64: 2, 1000, 64>}, {transform_indices = @transform_1, window_bounds = array<i64: 2, 1000, 64>}, {transform_indices = @transform_2, window_bounds = array<i64: 1000, 1>}, {pipeline_mode = #tpu.pipeline_mode<synchronous>, transform_indices = @transform_3, window_bounds = array<i64: 2, 64, 64>}, {pipeline_mode = #tpu.pipeline_mode<synchronous>, transform_indices = @transform_4, window_bounds = array<i64: 1, 64>}, {pipeline_mode = #tpu.pipeline_mode<synchronous>, transform_indices = @transform_5, window_bounds = array<i64: 2, 64, 64>}, {pipeline_mode = #tpu.pipeline_mode<synchronous>, transform_indices = @transform_6, window_bounds = array<i64: 1, 64>}, {transform_indices = @transform_7, window_bounds = array<i64: 1000, 64>}, {transform_indices = @transform_8, window_bounds = array<i64: 1000, 64>}, {transform_indices = @transform_9, window_bounds = array<i64: 1000, 64>}, {transform_indices = @transform_10, window_bounds = array<i64: 1000, 64>}]} {
    %get3A = arith.constant 0 : index
    %get3A_0 = arith.constant 0 : index
    %get3A_1 = vector.load %arg3[%get3A, %get3A_0] : memref<1000x1xf32, #tpu.memory_space<vmem>>, vector<1000x1xf32>
    %get3A_2 = arith.constant 0 : index
    %get3A_3 = arith.constant 0 : index
    %get3A_4 = arith.constant 0 : index
    %get3A_5 = vector.load %arg1[%get3A_2, %get3A_3, %get3A_4] : memref<2x1000x64xf32, #tpu.memory_space<vmem>>, vector<1x1000x64xf32>
    %get3A_6 = vector.shape_cast %get3A_5 : vector<1x1000x64xf32> to vector<1000x64xf32>
    %get3A_7 = arith.constant 0 : index
    %get3A_8 = arith.constant 0 : index
    %get3A_9 = arith.constant 0 : index
    %get3A_10 = vector.load %arg2[%get3A_7, %get3A_8, %get3A_9] : memref<2x1000x64xf32, #tpu.memory_space<vmem>>, vector<1x1000x64xf32>
    %get3A_11 = vector.shape_cast %get3A_10 : vector<1x1000x64xf32> to vector<1000x64xf32>
    %add3A = arith.addf %get3A_6, %get3A_11 : vector<1000x64xf32>
    %mul3A = vector.broadcast %get3A_1 : vector<1000x1xf32> to vector<1000x64xf32>
    %mul3A_12 = arith.mulf %mul3A, %add3A : vector<1000x64xf32>
    %get3A_13 = arith.constant 1 : index
    %get3A_14 = arith.constant 0 : index
    %get3A_15 = arith.constant 0 : index
    %get3A_16 = vector.load %arg1[%get3A_13, %get3A_14, %get3A_15] : memref<2x1000x64xf32, #tpu.memory_space<vmem>>, vector<1x1000x64xf32>
    %get3A_17 = vector.shape_cast %get3A_16 : vector<1x1000x64xf32> to vector<1000x64xf32>
    %get3A_18 = arith.constant 1 : index
    %get3A_19 = arith.constant 0 : index
    %get3A_20 = arith.constant 0 : index
    %get3A_21 = vector.load %arg2[%get3A_18, %get3A_19, %get3A_20] : memref<2x1000x64xf32, #tpu.memory_space<vmem>>, vector<1x1000x64xf32>
    %get3A_22 = vector.shape_cast %get3A_21 : vector<1x1000x64xf32> to vector<1000x64xf32>
    %add3A_23 = arith.addf %get3A_17, %get3A_22 : vector<1000x64xf32>
    %mul3A_24 = vector.broadcast %get3A_1 : vector<1000x1xf32> to vector<1000x64xf32>
    %mul3A_25 = arith.mulf %mul3A_24, %add3A_23 : vector<1000x64xf32>
    %get3A_26 = arith.constant 0 : index
    %get3A_27 = arith.constant 0 : index
    %get3A_28 = arith.constant 0 : index
    %get3A_29 = vector.load %arg4[%get3A_26, %get3A_27, %get3A_28] : memref<2x64x64xf32, #tpu.memory_space<vmem>>, vector<1x64x64xf32>
    %get3A_30 = vector.shape_cast %get3A_29 : vector<1x64x64xf32> to vector<64x64xf32>
    %dot_general3A = arith.constant dense<0.000000e+00> : vector<1000x64xf32>
    %dot_general3A_31 = tpu.matmul %mul3A_12, %get3A_30, %dot_general3A {dimension_numbers = #tpu.dot_dimension_numbers<[1], [0], [0], [1], [0, 0, 1, 1], [], []>, transpose_lhs_hint = false} : vector<1000x64xf32>, vector<64x64xf32>, vector<1000x64xf32> -> vector<1000x64xf32>
    %get3A_32 = arith.constant 1 : index
    %get3A_33 = arith.constant 0 : index
    %get3A_34 = arith.constant 0 : index
    %get3A_35 = vector.load %arg4[%get3A_32, %get3A_33, %get3A_34] : memref<2x64x64xf32, #tpu.memory_space<vmem>>, vector<1x64x64xf32>
    %get3A_36 = vector.shape_cast %get3A_35 : vector<1x64x64xf32> to vector<64x64xf32>
    %dot_general3A_37 = arith.constant dense<0.000000e+00> : vector<1000x64xf32>
    %dot_general3A_38 = tpu.matmul %mul3A_25, %get3A_36, %dot_general3A_37 {dimension_numbers = #tpu.dot_dimension_numbers<[1], [0], [0], [1], [0, 0, 1, 1], [], []>, transpose_lhs_hint = false} : vector<1000x64xf32>, vector<64x64xf32>, vector<1000x64xf32> -> vector<1000x64xf32>
    %add3A_39 = arith.addf %dot_general3A_31, %dot_general3A_38 : vector<1000x64xf32>
    %get3A_40 = arith.constant 0 : index
    %get3A_41 = arith.constant 0 : index
    %get3A_42 = vector.load %arg5[%get3A_40, %get3A_41] : memref<1x64xf32, #tpu.memory_space<vmem>>, vector<1x64xf32>
    %add3A_43 = vector.broadcast %get3A_42 : vector<1x64xf32> to vector<1000x64xf32>
    %add3A_44 = arith.addf %add3A_39, %add3A_43 : vector<1000x64xf32>
    %get3A_45 = arith.constant 0 : index
    %get3A_46 = arith.constant 0 : index
    %get3A_47 = arith.constant 0 : index
    %get3A_48 = vector.load %arg6[%get3A_45, %get3A_46, %get3A_47] : memref<2x64x64xf32, #tpu.memory_space<vmem>>, vector<1x64x64xf32>
    %get3A_49 = vector.shape_cast %get3A_48 : vector<1x64x64xf32> to vector<64x64xf32>
    %dot_general3A_50 = arith.constant dense<0.000000e+00> : vector<1000x64xf32>
    %dot_general3A_51 = tpu.matmul %mul3A_12, %get3A_49, %dot_general3A_50 {dimension_numbers = #tpu.dot_dimension_numbers<[1], [0], [0], [1], [0, 0, 1, 1], [], []>, transpose_lhs_hint = false} : vector<1000x64xf32>, vector<64x64xf32>, vector<1000x64xf32> -> vector<1000x64xf32>
    %get3A_52 = arith.constant 1 : index
    %get3A_53 = arith.constant 0 : index
    %get3A_54 = arith.constant 0 : index
    %get3A_55 = vector.load %arg6[%get3A_52, %get3A_53, %get3A_54] : memref<2x64x64xf32, #tpu.memory_space<vmem>>, vector<1x64x64xf32>
    %get3A_56 = vector.shape_cast %get3A_55 : vector<1x64x64xf32> to vector<64x64xf32>
    %dot_general3A_57 = arith.constant dense<0.000000e+00> : vector<1000x64xf32>
    %dot_general3A_58 = tpu.matmul %mul3A_25, %get3A_56, %dot_general3A_57 {dimension_numbers = #tpu.dot_dimension_numbers<[1], [0], [0], [1], [0, 0, 1, 1], [], []>, transpose_lhs_hint = false} : vector<1000x64xf32>, vector<64x64xf32>, vector<1000x64xf32> -> vector<1000x64xf32>
    %add3A_59 = arith.addf %dot_general3A_51, %dot_general3A_58 : vector<1000x64xf32>
    %get3A_60 = arith.constant 0 : index
    %get3A_61 = arith.constant 0 : index
    %get3A_62 = vector.load %arg7[%get3A_60, %get3A_61] : memref<1x64xf32, #tpu.memory_space<vmem>>, vector<1x64xf32>
    %add3A_63 = vector.broadcast %get3A_62 : vector<1x64xf32> to vector<1000x64xf32>
    %add3A_64 = arith.addf %add3A_59, %add3A_63 : vector<1000x64xf32>
    %swap3A = arith.constant 0 : index
    %swap3A_65 = arith.constant 0 : index
    %swap3A_66 = vector.load %arg9[%swap3A, %swap3A_65] : memref<1000x64xf32, #tpu.memory_space<vmem>>, vector<1000x64xf32>
    tpu.vector_store %arg9[%swap3A, %swap3A_65], %add3A_44 {strides = array<i32>} : memref<1000x64xf32, #tpu.memory_space<vmem>>, vector<1000x64xf32>,
    %swap3A_67 = arith.constant 0 : index
    %swap3A_68 = arith.constant 0 : index
    %swap3A_69 = vector.load %arg10[%swap3A_67, %swap3A_68] : memref<1000x64xf32, #tpu.memory_space<vmem>>, vector<1000x64xf32>
    tpu.vector_store %arg10[%swap3A_67, %swap3A_68], %add3A_64 {strides = array<i32>} : memref<1000x64xf32, #tpu.memory_space<vmem>>, vector<1000x64xf32>,
    %get3A_70 = arith.constant 0 : index
    %get3A_71 = arith.constant 0 : index
    %get3A_72 = vector.load %arg8[%get3A_70, %get3A_71] : memref<1000x64xf32, #tpu.memory_space<vmem>>, vector<1000x64xf32>
    %mul3A_73 = arith.constant 5.000000e-01 : f32
    %mul3A_74 = vector.broadcast %mul3A_73 : f32 to vector<1000x64xf32>
    %mul3A_75 = arith.mulf %mul3A_74, %add3A_64 : vector<1000x64xf32>
    %exp3A = math.exp %mul3A_75 : vector<1000x64xf32>
    %mul3A_76 = arith.mulf %get3A_72, %exp3A : vector<1000x64xf32>
    %add3A_77 = arith.addf %mul3A_76, %add3A_44 : vector<1000x64xf32>
    %swap3A_78 = arith.constant 0 : index
    %swap3A_79 = arith.constant 0 : index
    %swap3A_80 = vector.load %arg11[%swap3A_78, %swap3A_79] : memref<1000x64xf32, #tpu.memory_space<vmem>>, vector<1000x64xf32>
    tpu.vector_store %arg11[%swap3A_78, %swap3A_79], %add3A_77 {strides = array<i32>} : memref<1000x64xf32, #tpu.memory_space<vmem>>, vector<1000x64xf32>,
    return
  }
  func.func @transform_0(%arg0: i32) -> (i32, i32, i32) {
    %c0_i32 = arith.constant 0 : i32
    %c0_i32_0 = arith.constant 0 : i32
    %c0_i32_1 = arith.constant 0 : i32
    return %c0_i32, %arg0, %c0_i32_0 : i32, i32, i32
  }
  func.func @transform_1(%arg0: i32) -> (i32, i32, i32) {
    %c0_i32 = arith.constant 0 : i32
    %c0_i32_0 = arith.constant 0 : i32
    %c0_i32_1 = arith.constant 0 : i32
    return %c0_i32, %arg0, %c0_i32_0 : i32, i32, i32
  }
  func.func @transform_2(%arg0: i32) -> (i32, i32) {
    %c0_i32 = arith.constant 0 : i32
    %c0_i32_0 = arith.constant 0 : i32
    return %arg0, %c0_i32 : i32, i32
  }
  func.func @transform_3(%arg0: i32) -> (i32, i32, i32) {
    %c0_i32 = arith.constant 0 : i32
    %c0_i32_0 = arith.constant 0 : i32
    %c0_i32_1 = arith.constant 0 : i32
    %c0_i32_2 = arith.constant 0 : i32
    return %c0_i32, %c0_i32_0, %c0_i32_1 : i32, i32, i32
  }
  func.func @transform_4(%arg0: i32) -> (i32, i32) {
    %c0_i32 = arith.constant 0 : i32
    %c0_i32_0 = arith.constant 0 : i32
    %c0_i32_1 = arith.constant 0 : i32
    return %c0_i32, %c0_i32_0 : i32, i32
  }
  func.func @transform_5(%arg0: i32) -> (i32, i32, i32) {
    %c0_i32 = arith.constant 0 : i32
    %c0_i32_0 = arith.constant 0 : i32
    %c0_i32_1 = arith.constant 0 : i32
    %c0_i32_2 = arith.constant 0 : i32
    return %c0_i32, %c0_i32_0, %c0_i32_1 : i32, i32, i32
  }
  func.func @transform_6(%arg0: i32) -> (i32, i32) {
    %c0_i32 = arith.constant 0 : i32
    %c0_i32_0 = arith.constant 0 : i32
    %c0_i32_1 = arith.constant 0 : i32
    return %c0_i32, %c0_i32_0 : i32, i32
  }
  func.func @transform_7(%arg0: i32) -> (i32, i32) {
    %c0_i32 = arith.constant 0 : i32
    %c0_i32_0 = arith.constant 0 : i32
    return %arg0, %c0_i32 : i32, i32
  }
  func.func @transform_8(%arg0: i32) -> (i32, i32) {
    %c0_i32 = arith.constant 0 : i32
    %c0_i32_0 = arith.constant 0 : i32
    return %arg0, %c0_i32 : i32, i32
  }
  func.func @transform_9(%arg0: i32) -> (i32, i32) {
    %c0_i32 = arith.constant 0 : i32
    %c0_i32_0 = arith.constant 0 : i32
    return %arg0, %c0_i32 : i32, i32
  }
  func.func @transform_10(%arg0: i32) -> (i32, i32) {
    %c0_i32 = arith.constant 0 : i32
    %c0_i32_0 = arith.constant 0 : i32
    return %arg0, %c0_i32 : i32, i32
  }
}

module attributes {stable_mosaic.version = 14 : i64} {
  func.func @_dec_body(%arg0: i32, %arg1: memref<400x64xf32, #tpu.memory_space<vmem>>, %arg2: memref<10000x64xf32, #tpu.memory_space<vmem>>, %arg3: memref<400x10000xf32, #tpu.memory_space<vmem>>) attributes {dimension_semantics = [#tpu.dimension_semantics<arbitrary>], iteration_bounds = array<i64: 25>, scalar_prefetch = 0 : i64, scratch_operands = 0 : i64, tpu.core_type = #tpu.core_type<tc>, window_params = [{transform_indices = @transform_0, window_bounds = array<i64: 400, 64>}, {pipeline_mode = #tpu.pipeline_mode<synchronous>, transform_indices = @transform_1, window_bounds = array<i64: 10000, 64>}, {transform_indices = @transform_2, window_bounds = array<i64: 400, 10000>}]} {
    %get3A = arith.constant 0 : index
    %get3A_0 = arith.constant 0 : index
    %get3A_1 = vector.load %arg1[%get3A, %get3A_0] : memref<400x64xf32, #tpu.memory_space<vmem>>, vector<400x64xf32>
    %get3A_2 = arith.constant 0 : index
    %get3A_3 = arith.constant 0 : index
    %get3A_4 = vector.load %arg2[%get3A_2, %get3A_3] : memref<10000x64xf32, #tpu.memory_space<vmem>>, vector<10000x64xf32>
    %dot_general3A = arith.constant dense<0.000000e+00> : vector<400x10000xf32>
    %dot_general3A_5 = tpu.matmul %get3A_1, %get3A_4, %dot_general3A {dimension_numbers = #tpu.dot_dimension_numbers<[1], [1], [0], [0], [0, 0, 1, 0], [], []>, transpose_lhs_hint = false} : vector<400x64xf32>, vector<10000x64xf32>, vector<400x10000xf32> -> vector<400x10000xf32>
    %logistic3A = arith.negf %dot_general3A_5 : vector<400x10000xf32>
    %logistic3A_6 = math.exp %logistic3A : vector<400x10000xf32>
    %logistic3A_7 = arith.constant 1.000000e+00 : f32
    %logistic3A_8 = vector.broadcast %logistic3A_7 : f32 to vector<400x10000xf32>
    %logistic3A_9 = arith.addf %logistic3A_8, %logistic3A_6 : vector<400x10000xf32>
    %logistic3A_10 = arith.divf %logistic3A_8, %logistic3A_9 : vector<400x10000xf32>
    %swap3A = arith.constant 0 : index
    %swap3A_11 = arith.constant 0 : index
    %swap3A_12 = vector.load %arg3[%swap3A, %swap3A_11] : memref<400x10000xf32, #tpu.memory_space<vmem>>, vector<400x10000xf32>
    tpu.vector_store %arg3[%swap3A, %swap3A_11], %logistic3A_10 {strides = array<i32>} : memref<400x10000xf32, #tpu.memory_space<vmem>>, vector<400x10000xf32>,
    return
  }
  func.func @transform_0(%arg0: i32) -> (i32, i32) {
    %c0_i32 = arith.constant 0 : i32
    %c0_i32_0 = arith.constant 0 : i32
    return %arg0, %c0_i32 : i32, i32
  }
  func.func @transform_1(%arg0: i32) -> (i32, i32) {
    %c0_i32 = arith.constant 0 : i32
    %c0_i32_0 = arith.constant 0 : i32
    %c0_i32_1 = arith.constant 0 : i32
    return %c0_i32, %c0_i32_0 : i32, i32
  }
  func.func @transform_2(%arg0: i32) -> (i32, i32) {
    %c0_i32 = arith.constant 0 : i32
    %c0_i32_0 = arith.constant 0 : i32
    return %arg0, %c0_i32 : i32, i32
  }
}

</mosaic_0001>

<sc_bundles>
// kernel: kernel.12.cloned.1.call-start
scs
__scs_entry_jumppad:
0x0: {  	(pc) =	sbr.rel $0x88, $3  }
0x1: {  	(tag) =	ssettag $0x0;
	lr =	simm.s32 $0x1  }
0x2: {  	[smem:$0x3F99] =	sst lr;
	_ =	strace $0xD0000000  }
0x3: {  	_ = 	snop  }
0x4: {  	_ = 	snop  }
0x5: {  	_ = 	snop  }
0x6: {  	_ = 	snop  }
0x7: {  	_ = 	snop  }
__scs_overlays_trampoline_lowered:
0x8: {  	[smem:$0x3FA8] =	sst s0  }
0x9: {  	[smem:$0x3FA9] =	sst s1  }
0xa: {  	[smem:$0x3FAA] =	sst s2  }
0xb: {  	[smem:$0x3FAB] =	sst s3  }
0xc: {  	[smem:$0x3FAC] =	sst s4  }
0xd: {  	[smem:$0x3FAD] =	sst s5  }
0xe: {  	[smem:$0x3FAE] =	sst s6  }
0xf: {  	[smem:$0x3FAF] =	sst s7  }
0x10: {  	[smem:$0x3FB0] =	sst s8  }
0x11: {  	[smem:$0x3FB1] =	sst s9;
	s0 =	simm.s32 @!p0 $0x0  }
0x12: {  	s1 =	sld [smem:$0x3F97];
	s0 =	simm.s32 @p0 $0x1  }
0x13: {  	[smem:$0x3FB2] =	sst s0;
	s0 =	simm.s32 @!p1 $0x0  }
0x14: {  	s2 =	sld [smem:$0x3F96];
	s0 =	simm.s32 @p1 $0x1  }
0x15: {  	[smem:$0x3FB3] =	sst s0;
	s0 =	simm.s32 @!p2 $0x0  }
0x16: {  	s3 =	sld [smem:$0x3FDB];
	s0 =	simm.s32 @p2 $0x1  }
0x17: {  	s4 =	simm.s32 $0x1BF5;
	[smem:$0x3FB5] =	sst s0  }
0x18: {  	s0 =	sld [smem:$0x3F98];
	_ =	swait.ge [sflag:s4], $0x0  }
0x19: {  	s7 =	sld [smem:$0x3F99]  }
0x1a: {  	s8 =	sadd.s32 $0xFFFFE003, lr  }
0x1b: {  	s9 =	sadd.s32 $0xFFFFFEF7, lr;
	s5 =	simm.s32 $0xFFFFFFFF;
	p2 =	slt.u32 s8, $0xFFFFF086  }
0x1c: {  	p1 =	slt.u32 s9, $0xF7A;
	s5 =	simm.s32 @!p2 $0x0  }
0x1d: {  	s5 =	simm.s32 @p1 $0x1;
	p0 =	seq.s32 s7, s2  }
0x1e: {  	s7 =	smul.u32 @!p0 $0xF7A, s2;
	p2 =	seq.s32 @!p0 s5, $0x0  }
0x1f: {  	s9 =	smul.u32 $0xF7A, s1;
	s8 =	simm.s32 @!p0 $0x1BF5;
	p2 =	por !p2, p0  }
0x20: {  	[sflag:s8] =	ssyncset.s32 @!p0 $0xFFFFF086;
	s6 =	sadd.s32 @!p0 s3, s7;
	s7 =	simm.s32 @!p0 $0x108  }
0x21: {  	s3 =	sadd.s32 s3, s9;
	s6 =	sadd.s32 @!p0 $0x88, s6;
	s7 =	simm.s32 @p2 $0x1082  }
0x22: {  	[simem:s7], [sflag:s8] =	dma.local @!p0 [hbm:s6], $0xF7A  }
0x23: {  	s9 =	sor.u32 $0xD0000000, s2;
	s6 =	simm.s32 $0x108;
	_ =	swait.ge @!p0 [sflag:s8], $0x0  }
0x24: {  	s3 =	sadd.s32 $0x88, s3;
	s6 =	simm.s32 @!p1 $0x1082;
	[sflag:s4] =	ssyncset.s32 $0xFFFFF086  }
0x25: {  	[simem:s6], [sflag:s4] =	dma.local [hbm:s3], $0xF7A  }
0x26: {  	[smem:$0x3F99] =	sst s1;
	(tag) =	ssettag s2;
	_ =	strace s9  }
0x27: {  	s1 =	sld [smem:$0x3FA9]  }
0x28: {  	s2 =	sld [smem:$0x3FAA]  }
0x29: {  	s4 =	sld [smem:$0x3FAC]  }
0x2a: {  	p0 =	seq.s32 s5, $0x0;
	s5 =	sld [smem:$0x3FAD]  }
0x2b: {  	s6 =	sld [smem:$0x3FAE]  }
0x2c: {  	s7 =	sld [smem:$0x3FAF]  }
0x2d: {  	s3 =	simm.s32 $0x108;
	s8 =	sld [smem:$0x3FB0]  }
0x2e: {  	s3 =	simm.s32 @!p0 $0x1082;
	s9 =	sld [smem:$0x3FB1]  }
0x2f: {  	lr =	sadd.s32 s0, s3;
	s0 =	sld [smem:$0x3FA8]  }
0x30: {  	s3 =	sld [smem:$0x3FAB]  }
0x31: {  	[smem:$0x3FB4] =	sst s10  }
0x32: {  	s10 =	sld [smem:$0x3FB2];
	_ =	sdelay $0x3  }
0x33: {  	p0 =	seq.s32 s10, $0x1;
	s10 =	sld [smem:$0x3FB4];
	_ =	sdelay $0x3  }
0x34: {  	[smem:$0x3FB4] =	sst s10  }
0x35: {  	s10 =	sld [smem:$0x3FB3];
	_ =	sdelay $0x3  }
0x36: {  	p1 =	seq.s32 s10, $0x1;
	s10 =	sld [smem:$0x3FB4];
	_ =	sdelay $0x3  }
0x37: {  	[smem:$0x3FB4] =	sst s10  }
0x38: {  	s10 =	sld [smem:$0x3FB5]  }
0x39: {  	_ = 	snop;
	(pc) =	sbr.ind lr, $3  }
0x3a: {  	_ = 	snop  }
0x3b: {  	_ = 	snop  }
0x3c: {  	p2 =	seq.s32 s10, $0x1;
	s10 =	sld [smem:$0x3FB4]  }
0x3d: {  	_ =	shalt  }
0x3e: {  	_ =	shalt  }
0x3f: {  	_ =	shalt  }
0x40: {  	_ =	shalt  }
0x41: {  	_ =	shalt  }
0x42: {  	_ =	shalt  }
0x43: {  	_ =	shalt  }
0x44: {  	_ =	shalt  }
0x45: {  	_ =	shalt  }
0x46: {  	_ =	shalt  }
0x47: {  	_ =	shalt  }
0x48: {  	_ =	shalt  }
0x49: {  	_ =	shalt  }
0x4a: {  	_ =	shalt  }
0x4b: {  	_ =	shalt  }
0x4c: {  	_ =	shalt  }
0x4d: {  	_ =	shalt  }
0x4e: {  	_ =	shalt  }
0x4f: {  	_ =	shalt  }
0x50: {  	_ =	shalt  }
0x51: {  	_ =	shalt  }
0x52: {  	_ =	shalt  }
0x53: {  	_ =	shalt  }
0x54: {  	_ =	shalt  }
0x55: {  	_ =	shalt  }
0x56: {  	_ =	shalt  }
0x57: {  	_ =	shalt  }
0x58: {  	_ =	shalt  }
0x59: {  	_ =	shalt  }
0x5a: {  	_ =	shalt  }
0x5b: {  	_ =	shalt  }
0x5c: {  	_ =	shalt  }
0x5d: {  	_ =	shalt  }
0x5e: {  	_ =	shalt  }
0x5f: {  	_ =	shalt  }
0x60: {  	_ =	shalt  }
0x61: {  	_ =	shalt  }
0x62: {  	_ =	shalt  }
0x63: {  	_ =	shalt  }
0x64: {  	_ =	shalt  }
0x65: {  	_ =	shalt  }
0x66: {  	_ =	shalt  }
0x67: {  	_ =	shalt  }
0x68: {  	_ =	shalt  }
0x69: {  	_ =	shalt  }
0x6a: {  	_ =	shalt  }
0x6b: {  	_ =	shalt  }
0x6c: {  	_ =	shalt  }
0x6d: {  	_ =	shalt  }
0x6e: {  	_ =	shalt  }
0x6f: {  	_ =	shalt  }
0x70: {  	_ =	shalt  }
0x71: {  	_ =	shalt  }
0x72: {  	_ =	shalt  }
0x73: {  	_ =	shalt  }
0x74: {  	_ =	shalt  }
0x75: {  	_ =	shalt  }
0x76: {  	_ =	shalt  }
0x77: {  	_ =	shalt  }
0x78: {  	_ =	shalt  }
0x79: {  	_ =	shalt  }
0x7a: {  	_ =	shalt  }
0x7b: {  	_ =	shalt  }
0x7c: {  	_ =	shalt  }
0x7d: {  	_ =	shalt  }
0x7e: {  	_ =	shalt  }
0x7f: {  	_ =	shalt  }
0x80: {  	_ =	shalt  }
0x81: {  	_ =	shalt  }
0x82: {  	_ =	shalt  }
0x83: {  	_ =	shalt  }
0x84: {  	_ =	shalt  }
0x85: {  	_ =	shalt  }
0x86: {  	_ =	shalt  }
0x87: {  	_ =	shalt  }
.Lfunc_end0:
.L_simem_size_0:
called_computation.1_lowered:
.L_overlay_start_0:
0x88: {  	s2 =	sld [smem:$0x3FD9]  }
0x89: {  	s3 =	sld [smem:$0x3FFE];
	_ =	sdelay $0x1  }
0x8a: {  	s1 =	srdreg.scid  }
0x8b: {  	s0 =	sand.u32 $0x1, s1  }
0x8c: {  	s14 =	sshll.u32 s0, $0xA;
	s2 =	sadd.s32 s3, s2  }
0x8d: {  	s2 =	sadd.s32 s2, s14  }
0x8e: {  	[smem:$0x3FC0] =	sst s2  }
0x8f: {  	_ = 	snop  }
0x90: {  	s2 =	sld [smem:$0x3FD0];
	_ =	sdelay $0x2  }
0x91: {  	s15 =	simm.s32 $0xA;
	s4 =	simm.s32 $0x10  }
0x92: {  	[smem:s4], [sflag:s15] =	dma.local [hbm:s2], $0x1  }
0x93: {  	_ =	swait.eq [sflag:s15], $0x1  }
0x94: {  	s16 =	sld [smem:$0x10];
	[sflag:s15] =	ssyncset.done $0x0  }
0x95: {  	s17 =	sld [smem:$0x12];
	[sflag:s15] =	ssyncadd.s32 $0xFFFFFFFF  }
0x96: {  	s18 =	sld [smem:$0x13];
	(tm) =	ssettm $0x1  }
0x97: {  	s5 =	sld [smem:$0x3FFB];
	_ =	sdelay $0x3  }
0x98: {  	_ =	strace s5  }
0x99: {  	s5 =	sld [smem:$0x3FFC];
	_ =	sdelay $0x3  }
0x9a: {  	_ =	strace s5  }
0x9b: {  	s5 =	sld [smem:$0x3FFD];
	_ =	sdelay $0x3  }
0x9c: {  	_ =	strace s5  }
0x9d: {  	_ =	strace $0x8FFFFFFF  }
0x9e: {  	s19 =	sld [smem:$0x3FDB];
	_ =	sdelay $0x1  }
0x9f: {  	s6 =	simm.s32 $_scs_section_size  }
0xa0: {  	s7 =	simm.s32 $_size__tile_overlayer_lowered;
	s8 =	simm.s32 $_tile_overlayer_lowered  }
0xa1: {  	s22 =	simm.s32 $0x1BFF;
	s21 =	sshll.u32 s8, $0x1;
	s5 =	sadd.s32 s6, s19  }
0xa2: {  	s9 =	simm.s32 $0x0;
	s20 =	sshll.u32 s7, $0x1;
	s7 =	sadd.s32 s21, s5  }
0xa3: {  	[timem:s9], [sflag:s22] =	dma.local [hbm:s7], s20  }
0xa4: {  	_ =	swait.ge [sflag:s22], s20  }
0xa5: {  	s6 =	ssub.s32 $0x0, s20;
	[sflag:s22] =	ssyncset.done $0x0  }
0xa6: {  	[sflag:s22] =	ssyncadd.s32 s6;
	_ =	sdelay $0x1  }
0xa7: {  	s23 =	simm.s32 $0x1B8B  }
0xa8: {  	_ =	swait.ge [sflag:s23], $0x1  }
0xa9: {  	[sflag:s23] =	ssyncset.done $0x0  }
0xaa: {  	s25 =	simm.s32 $0x1B8E;
	s24 =	sld [smem:$0x3FFE];
	[sflag:s23] =	ssyncadd.s32 $0xFFFFFFFF  }
0xab: {  	s26 =	simm.s32 $execute0_lowered;
	[smem:$0x3FD2] =	sst s25  }
0xac: {  	s7 =	sshll.u32 s26, $0x1;
	_ =	strace $0x80000049;
	[dreg:$0x1] =	wrdreg $0xFFFFFFFF  }
0xad: {  	s28 =	simm.s32 $_size_execute0_lowered;
	s5 =	sadd.s32 s5, s7;
	[dreg:$0x0] =	wrdreg $0x0  }
0xae: {  	s7 =	sshll.u32 s28, $0x1;
	[dreg:$0x2] =	wrdreg s5  }
0xaf: {  	[dreg:$0x3] =	wrdreg s7  }
0xb0: {  	[dreg:$0x4] =	wrdreg $0xC0  }
0xb1: {  	_ =	task [dreg:s9], $0x5FFFF  }
0xb2: {  	[dreg:$0x1] =	wrdreg $0xFFFFFFFF  }
0xb3: {  	[dreg:$0x0] =	wrdreg $0x60  }
0xb4: {  	[dreg:$0x2] =	wrdreg s16  }
0xb5: {  	[dreg:$0x3] =	wrdreg s24  }
0xb6: {  	[dreg:$0x4] =	wrdreg s18  }
0xb7: {  	[dreg:$0x5] =	wrdreg s17  }
0xb8: {  	[dreg:$0x6] =	wrdreg $0x140000  }
0xb9: {  	[dreg:$0x7] =	wrdreg $0x9  }
0xba: {  	_ =	task.clear_ibuf [dreg:s9], $0x8FFFF;
	_ =	strace $0x90000049  }
0xbb: {  	s29 =	simm.s32 $0x9;
	_ =	strace $0x8000004B  }
0xbc: {  	_ =	swait.ge [sflag:s29], $0x1  }
0xbd: {  	[sflag:s29] =	ssyncadd.s32 $0xFFFFFFFF  }
0xbe: {  	_ =	strace $0x9000004B  }
0xbf: {  	_ =	sfence  }
0xc0: {  	s30 =	sld [smem:$0x0];
	_ =	sdelay $0x2  }
0xc1: {  	s31 =	sshll.u32 s1, $0xD;
	s1 =	sshrl.u32 s1, $0x2  }
0xc2: {  	s3 =	sand.u32 $0x4000, s31;
	s1 =	sadd.s32 s1, s30  }
0xc3: {  	s0 =	sor.u32 s3, s0;
	s1 =	sshll.u32 s1, $0x11  }
0xc4: {  	s0 =	sor.u32 s1, s0  }
0xc5: {  	s0 =	sadd.s32 $0x8F2B, s0  }
0xc6: {  	[sflag:s0] =	ssyncadd.remote.s32 $0x1  }
0xc7: {  	_ =	sfence.sel $0xFFFF  }
0xc8: {  	[dreg:$0x0] =	wrdreg $0xFFFFFFFF;
	(pc) =	sbr.abs _section_cstart, $3  }
0xc9: {  	[dreg:$0x1] =	wrdreg $0xFFFFFFFF  }
0xca: {  	_ =	task.clear_ibuf [dreg:s9], $0x2FFFF;
	_ =	strace $0x9FFFFFFF  }
0xcb: {  	(tm) =	ssettm $0x7FFFFFFF  }
tec
execute0_lowered:
.L_overlay_start_1:
0x0: {  	(tag) =	ssettag $0x1  }
0x1: {  	s0 =	rddreg [dreg:$0x0]  }
0x2: {  	s1 =	rddreg [dreg:$0x1]  }
0x3: {  	s2 =	rddreg [dreg:$0x2];
	s3 =	srdreg.scid  }
0x4: {  	s10 =	stileid.u32;
	s4 =	rddreg [dreg:$0x4];
	s5 =	simm.s32 $0x0  }
0x5: {  	s15 =	simm.s32 $0xA000;
	s16 =	simm.s32 $0xB;
	s17 =	simm.s32 $0x5000  }
0x6: {  	s18 =	simm.s32 $0x80;
	s19 =	simm.s32 $0xC000;
	s7 =	smul.u32 $0xA00, s10  }
0x7: {  	s20 =	simm.s32 $0x1;
	s28 =	simm.s32 $0x3;
	s8 =	smul.u32 $0x9E00, s10  }
0x8: {  	s31 =	simm.s32 $0x12000;
	s3 =	sand.u32 $0x1, s3;
	s10 =	smul.u32 $0x27800, s10  }
0x9: {  	s29 =	simm.s32 $0x7;
	s30 =	simm.s32 $0x0;
	s6 =	smul.u32 $0xA000, s3  }
0xa: {  	[smem:$0x7FF] =	sst s5;
	s9 =	smul.u32 $0x9E000, s3;
	s3 =	ssub.s32 $0x2, s3  }
0xb: {  	_ =	strace $0x8000004A;
	s22 =	sshrl.u32 s3, $0x1;
	s23 =	sshrl.u32 s10, $0x2  }
0xc: {  	s12 =	sadd.s32 s2, s7;
	s2 =	simm.s32 $0x4;
	s6 =	sadd.s32 s7, s6  }
0xd: {  	s9 =	sadd.s32 s8, s9;
	s3 =	ssub.s32 s3, s22;
	s24 =	sadd.s32 s23, s4  }
0xe: {  	s22 =	simm.s32 $0xE000;
	s23 =	simm.s32 $0x2;
	s11 =	sadd.s32 s6, s1  }
0xf: {  	s21 =	sshrl.u32 s9, $0x3;
	s6 =	sadd.s32 s8, s4;
	s9 =	sadd.s32 $0x2000, s24  }
0x10: {  	s25 =	sadd.s32 $0x4000, s24;
	s26 =	sadd.s32 $0x6000, s24;
	[dreg:$0x6] =	wrdreg s9  }
.Ltmp0:
0x11: {  	s8 =	sadd.s32 $0x8000, s24;
	[dreg:$0x7] =	wrdreg s25;
	(pc) =	sbr.rel .LBB2_1-.Ltmp0, $4  }
0x12: {  	s14 =	smax.u32 s3, $0x1;
	s24 =	simm.s32 $0x5;
	[dreg:$0x8] =	wrdreg s26  }
0x13: {  	s3 =	simm.s32 $0x8;
	s1 =	sadd.s32 s21, s1;
	[dreg:$0x9] =	wrdreg s8  }
0x14: {  	s11 =	sadd.s32 $0x2C00, s11;
	s26 =	simm.s32 $0x10000;
	s21 =	simm.s32 $0x9  }
0x15: {  	s25 =	simm.s32 $0xA;
	s13 =	sadd.s32 $0x8C000, s1;
	s1 =	simm.s32 $0x6  }
.LBB2_4:
0x16: {  	_ =	swait.ge [sflag:s24], $0x2000  }
0x17: {  	[sflag:s24] =	ssyncset.done $0x0  }
0x18: {  	[sflag:s24] =	ssyncadd.s32 $0xFFFFE000  }
0x19: {  	[spmem:s4] =	stream.indirect.scatter.add.f32 [tilespmem:s31], [sflag:$0xA], $0x40, s9, s18, $0xb8;
	[tilespmem:$0x1DE00] =	vst v63  }
0x1a: {  	_ =	swait.ge [sflag:s29], $0x2000  }
0x1b: {  	[sflag:s29] =	ssyncset.done $0x0  }
0x1c: {  	[sflag:s29] =	ssyncadd.s32 $0xFFFFE000  }
0x1d: {  	_ =	swait.ge [sflag:s3], $0x2000  }
0x1e: {  	[sflag:s3] =	ssyncset.done $0x0  }
0x1f: {  	[sflag:s3] =	ssyncadd.s32 $0xFFFFE000  }
0x20: {  	_ =	swait.ge [sflag:s21], $0x2000  }
0x21: {  	[sflag:s21] =	ssyncset.done $0x0  }
0x22: {  	[sflag:s21] =	ssyncadd.s32 $0xFFFFE000  }
0x23: {  	s7 =	stileid.u32;
	_ =	swait.ge [sflag:s25], $0x2000  }
0x24: {  	s8 =	sshrl.u32 s6, $0x3;
	s30 =	sadd.s32 $0x1, s30;
	[sflag:s25] =	ssyncset.done $0x0  }
0x25: {  	s7 =	sshll.u32 s7, $0x6;
	p0 =	sne.s32 s30, s14;
	[sflag:s25] =	ssyncadd.s32 $0xFFFFE000  }
.Ltmp1:
0x26: {  	s7 =	sor.u32 $0x1C0B, s7;
	[bflag:$0x0] =	sbarrier.arrive $0xFFFF;
	(pc) =	sbr.rel @!p0 .LBB2_5-.Ltmp1, $4  }
0x27: {  	[hbm:s13], [sflag:s7] =	dma.local [spmem:s8], $0x13C0  }
0x28: {  	_ =	swait.ge [sflag:s16], $0x13C0  }
0x29: {  	[sflag:s16] =	ssyncset.done $0x0  }
0x2a: {  	[sflag:s16] =	ssyncadd.s32 $0xFFFFEC40  }
.LBB2_1:
0x2b: {  	s7 =	rddreg [dreg:$0x3]  }
0x2c: {  	[tilespmem:s15], [sflag:$0xB] =	stream.linear.gather [hbm4b:s7+s5], $0x2000, $0x38;
	[tilespmem:$0x1DE00] =	vst v63  }
0x2d: {  	_ =	swait.ge [sflag:s16], $0x2000  }
0x2e: {  	[sflag:s16] =	ssyncset.done $0x0  }
0x2f: {  	[sflag:s16] =	ssyncadd.s32 $0xFFFFE000  }
0x30: {  	[spmem:s6] =	stream.linear.scatter [tilespmem:s15], [sflag:$0xB], $0x2000, $0x38;
	[tilespmem:$0x1DE00] =	vst v63  }
0x31: {  	_ =	swait.ge [sflag:s16], $0x2000  }
0x32: {  	[sflag:s16] =	ssyncset.done $0x0  }
0x33: {  	s10 =	rddreg [dreg:$0x6];
	[sflag:s16] =	ssyncadd.s32 $0xFFFFE000  }
0x34: {  	[spmem:s10] =	stream.linear.scatter [tilespmem:s15], [sflag:$0xB], $0x2000, $0x38;
	[tilespmem:$0x1DE00] =	vst v63  }
0x35: {  	_ =	swait.ge [sflag:s16], $0x2000  }
0x36: {  	[sflag:s16] =	ssyncset.done $0x0  }
0x37: {  	s8 =	rddreg [dreg:$0x7];
	[sflag:s16] =	ssyncadd.s32 $0xFFFFE000  }
0x38: {  	[spmem:s8] =	stream.linear.scatter [tilespmem:s15], [sflag:$0xB], $0x2000, $0x38;
	[tilespmem:$0x1DE00] =	vst v63  }
0x39: {  	_ =	swait.ge [sflag:s16], $0x2000  }
0x3a: {  	[sflag:s16] =	ssyncset.done $0x0  }
0x3b: {  	s9 =	rddreg [dreg:$0x8];
	[sflag:s16] =	ssyncadd.s32 $0xFFFFE000  }
0x3c: {  	[spmem:s9] =	stream.linear.scatter [tilespmem:s15], [sflag:$0xB], $0x2000, $0x38;
	[tilespmem:$0x1DE00] =	vst v63  }
0x3d: {  	_ =	swait.ge [sflag:s16], $0x2000  }
0x3e: {  	[sflag:s16] =	ssyncset.done $0x0  }
0x3f: {  	s10 =	rddreg [dreg:$0x9];
	[sflag:s16] =	ssyncadd.s32 $0xFFFFE000  }
0x40: {  	[spmem:s10] =	stream.linear.scatter [tilespmem:s15], [sflag:$0xB], $0x1E00, $0x38;
	[tilespmem:$0x1DE00] =	vst v63  }
0x41: {  	_ =	swait.ge [sflag:s16], $0x1E00  }
0x42: {  	[sflag:s16] =	ssyncset.done $0x0  }
0x43: {  	[sflag:s16] =	ssyncadd.s32 $0xFFFFE200  }
0x44: {  	[tilespmem:s5], [sflag:$0xB] =	stream.linear.gather [hbm4b:s11+s5], $0x5000, $0x38;
	[tilespmem:$0x1DE00] =	vst v63  }
0x45: {  	_ =	swait.ge [sflag:s16], $0x5000  }
0x46: {  	[sflag:s16] =	ssyncset.done $0x0  }
0x47: {  	[sflag:s16] =	ssyncadd.s32 $0xFFFFB000  }
0x48: {  	[tilespmem:s17], [sflag:$0xB] =	stream.linear.gather [hbm4b:s12+s5], $0x5000, $0x38;
	[tilespmem:$0x1DE00] =	vst v63  }
0x49: {  	_ =	swait.ge [sflag:s16], $0x5000  }
0x4a: {  	[sflag:s16] =	ssyncset.done $0x0  }
0x4b: {  	[sflag:s16] =	ssyncadd.s32 $0xFFFFB000  }
0x4c: {  	[bflag:$0x0] =	sbarrier.arrive $0xFFFF  }
0x4d: {  	[tilespmem:s15], [sflag:$0x1] =	stream.indirect.gather [hbm4b:s0+s18], $0x40, s5, s18, $0xb8;
	[tilespmem:$0x1DE00] =	vst v63  }
0x4e: {  	_ = 	snop  }
0x4f: {  	[tilespmem:s19], [sflag:$0x2] =	stream.indirect.gather [hbm4b:s0+s18], $0x40, s18, s18, $0xb8;
	[tilespmem:$0x1DE00] =	vst v63  }
0x50: {  	_ =	swait.ge [sflag:s20], $0x2000  }
0x51: {  	[sflag:s20] =	ssyncset.done $0x0  }
0x52: {  	[sflag:s20] =	ssyncadd.s32 $0xFFFFE000  }
0x53: {  	[spmem:s4] =	stream.indirect.scatter.add.f32 [tilespmem:s15], [sflag:$0x6], $0x40, s17, s18, $0xb8;
	[tilespmem:$0x1DE00] =	vst v63  }
0x54: {  	s8 =	simm.s32 $0x100  }
0x55: {  	[tilespmem:s22], [sflag:$0x3] =	stream.indirect.gather [hbm4b:s0+s18], $0x40, s8, s18, $0xb8;
	[tilespmem:$0x1DE00] =	vst v63  }
0x56: {  	_ =	swait.ge [sflag:s23], $0x2000  }
0x57: {  	[sflag:s23] =	ssyncset.done $0x0  }
0x58: {  	s9 =	simm.s32 $0x5080;
	[sflag:s23] =	ssyncadd.s32 $0xFFFFE000  }
0x59: {  	[spmem:s4] =	stream.indirect.scatter.add.f32 [tilespmem:s19], [sflag:$0x7], $0x40, s9, s18, $0xb8;
	[tilespmem:$0x1DE00] =	vst v63  }
0x5a: {  	s10 =	simm.s32 $0x180  }
0x5b: {  	[tilespmem:s26], [sflag:$0x4] =	stream.indirect.gather [hbm4b:s0+s18], $0x40, s10, s18, $0xb8;
	[tilespmem:$0x1DE00] =	vst v63  }
0x5c: {  	_ =	swait.ge [sflag:s28], $0x2000  }
0x5d: {  	[sflag:s28] =	ssyncset.done $0x0  }
0x5e: {  	s8 =	simm.s32 $0x5100;
	[sflag:s28] =	ssyncadd.s32 $0xFFFFE000  }
0x5f: {  	[spmem:s4] =	stream.indirect.scatter.add.f32 [tilespmem:s22], [sflag:$0x8], $0x40, s8, s18, $0xb8;
	[tilespmem:$0x1DE00] =	vst v63  }
0x60: {  	s9 =	simm.s32 $0x200  }
0x61: {  	[tilespmem:s31], [sflag:$0x5] =	stream.indirect.gather [hbm4b:s0+s18], $0x40, s9, s18, $0xb8;
	[tilespmem:$0x1DE00] =	vst v63  }
0x62: {  	_ =	swait.ge [sflag:s2], $0x2000  }
0x63: {  	[sflag:s2] =	ssyncset.done $0x0  }
0x64: {  	s10 =	simm.s32 $0x5180;
	[sflag:s2] =	ssyncadd.s32 $0xFFFFE000  }
0x65: {  	[spmem:s4] =	stream.indirect.scatter.add.f32 [tilespmem:s26], [sflag:$0x9], $0x40, s10, s18, $0xb8;
	[tilespmem:$0x1DE00] =	vst v63  }
0x66: {  	_ =	swait.ge [sflag:s1], $0x2000  }
0x67: {  	[sflag:s1] =	ssyncset.done $0x0  }
0x68: {  	s8 =	simm.s32 $0x280;
	[sflag:s1] =	ssyncadd.s32 $0xFFFFE000  }
0x69: {  	[tilespmem:s15], [sflag:$0x1] =	stream.indirect.gather [hbm4b:s0+s18], $0x40, s8, s18, $0xb8;
	[tilespmem:$0x1DE00] =	vst v63  }
0x6a: {  	_ =	swait.ge [sflag:s24], $0x2000  }
0x6b: {  	[sflag:s24] =	ssyncset.done $0x0  }
0x6c: {  	s9 =	simm.s32 $0x5200;
	[sflag:s24] =	ssyncadd.s32 $0xFFFFE000  }
0x6d: {  	[spmem:s4] =	stream.indirect.scatter.add.f32 [tilespmem:s31], [sflag:$0xA], $0x40, s9, s18, $0xb8;
	[tilespmem:$0x1DE00] =	vst v63  }
0x6e: {  	_ =	swait.ge [sflag:s29], $0x2000  }
0x6f: {  	[sflag:s29] =	ssyncset.done $0x0  }
0x70: {  	s7 =	simm.s32 $0x0;
	s10 =	simm.s32 $0x300;
	[sflag:s29] =	ssyncadd.s32 $0xFFFFE000  }
0x71: {  	[tilespmem:s19], [sflag:$0x2] =	stream.indirect.gather [hbm4b:s0+s18], $0x40, s10, s18, $0xb8;
	[tilespmem:$0x1DE00] =	vst v63  }
.LBB2_2:
0x72: {  	_ =	swait.ge [sflag:s20], $0x2000  }
0x73: {  	s8 =	sshra.s32 s7, $0x2;
	[sflag:s20] =	ssyncset.done $0x0  }
0x74: {  	s9 =	sadd.s32 $0x5280, s8;
	[sflag:s20] =	ssyncadd.s32 $0xFFFFE000  }
0x75: {  	[spmem:s4] =	stream.indirect.scatter.add.f32 [tilespmem:s15], [sflag:$0x6], $0x40, s9, s18, $0xb8;
	[tilespmem:$0x1DE00] =	vst v63  }
0x76: {  	_ =	swait.ge [sflag:s3], $0x2000  }
0x77: {  	[sflag:s3] =	ssyncset.done $0x0  }
0x78: {  	s10 =	sadd.s32 $0x380, s8;
	[sflag:s3] =	ssyncadd.s32 $0xFFFFE000  }
0x79: {  	[tilespmem:s22], [sflag:$0x3] =	stream.indirect.gather [hbm4b:s0+s18], $0x40, s10, s18, $0xb8;
	[tilespmem:$0x1DE00] =	vst v63  }
0x7a: {  	_ =	swait.ge [sflag:s23], $0x2000  }
0x7b: {  	[sflag:s23] =	ssyncset.done $0x0  }
0x7c: {  	s10 =	sadd.s32 $0x5300, s8;
	[sflag:s23] =	ssyncadd.s32 $0xFFFFE000  }
0x7d: {  	[spmem:s4] =	stream.indirect.scatter.add.f32 [tilespmem:s19], [sflag:$0x7], $0x40, s10, s18, $0xb8;
	[tilespmem:$0x1DE00] =	vst v63  }
0x7e: {  	_ =	swait.ge [sflag:s21], $0x2000  }
0x7f: {  	[sflag:s21] =	ssyncset.done $0x0  }
0x80: {  	s10 =	sadd.s32 $0x400, s8;
	[sflag:s21] =	ssyncadd.s32 $0xFFFFE000  }
0x81: {  	[tilespmem:s26], [sflag:$0x4] =	stream.indirect.gather [hbm4b:s0+s18], $0x40, s10, s18, $0xb8;
	[tilespmem:$0x1DE00] =	vst v63  }
0x82: {  	_ =	swait.ge [sflag:s28], $0x2000  }
0x83: {  	[sflag:s28] =	ssyncset.done $0x0  }
0x84: {  	s10 =	sadd.s32 $0x5380, s8;
	[sflag:s28] =	ssyncadd.s32 $0xFFFFE000  }
0x85: {  	[spmem:s4] =	stream.indirect.scatter.add.f32 [tilespmem:s22], [sflag:$0x8], $0x40, s10, s18, $0xb8;
	[tilespmem:$0x1DE00] =	vst v63  }
0x86: {  	_ =	swait.ge [sflag:s25], $0x2000  }
0x87: {  	[sflag:s25] =	ssyncset.done $0x0  }
0x88: {  	s10 =	sadd.s32 $0x480, s8;
	[sflag:s25] =	ssyncadd.s32 $0xFFFFE000  }
0x89: {  	[tilespmem:s31], [sflag:$0x5] =	stream.indirect.gather [hbm4b:s0+s18], $0x40, s10, s18, $0xb8;
	[tilespmem:$0x1DE00] =	vst v63  }
0x8a: {  	_ =	swait.ge [sflag:s2], $0x2000  }
0x8b: {  	p0 =	seq.s32 s7, $0x12C00;
	[sflag:s2] =	ssyncset.done $0x0  }
.Ltmp2:
0x8c: {  	s10 =	sadd.s32 $0x5400, s8;
	[sflag:s2] =	ssyncadd.s32 $0xFFFFE000;
	(pc) =	sbr.rel @p0 .LBB2_4-.Ltmp2, $4  }
0x8d: {  	[spmem:s4] =	stream.indirect.scatter.add.f32 [tilespmem:s26], [sflag:$0x9], $0x40, s10, s18, $0xb8;
	[tilespmem:$0x1DE00] =	vst v63  }
0x8e: {  	_ =	swait.ge [sflag:s1], $0x2000  }
0x8f: {  	[sflag:s1] =	ssyncset.done $0x0  }
0x90: {  	s9 =	sadd.s32 $0x5480, s8;
	[sflag:s1] =	ssyncadd.s32 $0xFFFFE000  }
0x91: {  	s10 =	sadd.s32 $0x500, s8  }
0x92: {  	[tilespmem:s15], [sflag:$0x1] =	stream.indirect.gather [hbm4b:s0+s18], $0x40, s10, s18, $0xb8;
	[tilespmem:$0x1DE00] =	vst v63  }
0x93: {  	_ =	swait.ge [sflag:s24], $0x2000  }
0x94: {  	[sflag:s24] =	ssyncset.done $0x0  }
0x95: {  	[sflag:s24] =	ssyncadd.s32 $0xFFFFE000  }
0x96: {  	[spmem:s4] =	stream.indirect.scatter.add.f32 [tilespmem:s31], [sflag:$0xA], $0x40, s9, s18, $0xb8;
	[tilespmem:$0x1DE00] =	vst v63  }
.Ltmp3:
0x97: {  	_ = 	snop;
	(pc) =	sbr.rel .LBB2_2-.Ltmp3, $4  }
0x98: {  	_ =	swait.ge [sflag:s29], $0x2000  }
0x99: {  	[sflag:s29] =	ssyncset.done $0x0  }
0x9a: {  	s7 =	sadd.s32 $0xA00, s7;
	s10 =	sadd.s32 $0x580, s8;
	[sflag:s29] =	ssyncadd.s32 $0xFFFFE000  }
0x9b: {  	[tilespmem:s19], [sflag:$0x2] =	stream.indirect.gather [hbm4b:s0+s18], $0x40, s10, s18, $0xb8;
	[tilespmem:$0x1DE00] =	vst v63  }
.LBB2_5:
0x9c: {  	_ =	sfence.sel $0x180000  }
0x9d: {  	[bflag:$0x0] =	sbarrier.arrive $0xFFFF  }
0x9e: {  	_ =	strace $0x9000004A  }
0x9f: {  	s0 =	stileid.u32;
	[bflag:$0x2] =	sbarrier.arrive $0xFFFF  }
0xa0: {  	p0 =	sne.s32 s0, $0x0;
	s0 =	rddreg [dreg:$0x5]  }
0xa1: {  	s0 =	sadd.s32 @!p0 $0x100000, s0  }
0xa2: {  	[sflag:s0] =	ssyncadd.tile.s32 @!p0 $0x1;
	_ =	shalt  }
.Lfunc_end2:
_tile_overlayer_lowered:
.L_overlay_start_2:
0xa3: {  	(tag) =	ssettag $0x2  }
0xa4: {  	s0 =	rddreg [dreg:$0x0];
	s2 =	stileid.u32  }
0xa5: {  	s1 =	rddreg [dreg:$0x1];
	p0 =	sne.s32 s2, $0x0  }
0xa6: {  	s3 =	rddreg [dreg:$0x2];
	[bflag:$0x3] =	sbarrier.arrive $0xFFFF;
	s2 =	simm.s32 @!p0 $0x1C0B  }
0xa7: {  	[timem:s3], [sflag:s2] =	dma.local @!p0 [hbm:s0], s1  }
0xa8: {  	s0 =	simm.s32 @!p0 $0xB  }
0xa9: {  	_ =	swait.ge @!p0 [sflag:s0], s1  }
0xaa: {  	s1 =	ssub.s32 @!p0 $0x0, s1;
	[sflag:s0] =	ssyncset.done @!p0 $0x0  }
0xab: {  	[sflag:s0] =	ssyncadd.s32 @!p0 s1  }
0xac: {  	[bflag:$0x3] =	sbarrier.arrive $0xFFFF  }
0xad: {  	_ =	shalt  }

// kernel: kernel.15.cloned.1.call-start
scs
__scs_entry_jumppad:
0x0: {  	(pc) =	sbr.rel $0x88, $3  }
0x1: {  	(tag) =	ssettag $0x0;
	lr =	simm.s32 $0x1  }
0x2: {  	[smem:$0x3F99] =	sst lr;
	_ =	strace $0xD0000000  }
0x3: {  	_ = 	snop  }
0x4: {  	_ = 	snop  }
0x5: {  	_ = 	snop  }
0x6: {  	_ = 	snop  }
0x7: {  	_ = 	snop  }
__scs_overlays_trampoline_lowered:
0x8: {  	[smem:$0x3FA8] =	sst s0  }
0x9: {  	[smem:$0x3FA9] =	sst s1  }
0xa: {  	[smem:$0x3FAA] =	sst s2  }
0xb: {  	[smem:$0x3FAB] =	sst s3  }
0xc: {  	[smem:$0x3FAC] =	sst s4  }
0xd: {  	[smem:$0x3FAD] =	sst s5  }
0xe: {  	[smem:$0x3FAE] =	sst s6  }
0xf: {  	[smem:$0x3FAF] =	sst s7  }
0x10: {  	[smem:$0x3FB0] =	sst s8  }
0x11: {  	[smem:$0x3FB1] =	sst s9;
	s0 =	simm.s32 @!p0 $0x0  }
0x12: {  	s1 =	sld [smem:$0x3F97];
	s0 =	simm.s32 @p0 $0x1  }
0x13: {  	[smem:$0x3FB2] =	sst s0;
	s0 =	simm.s32 @!p1 $0x0  }
0x14: {  	s2 =	sld [smem:$0x3F96];
	s0 =	simm.s32 @p1 $0x1  }
0x15: {  	[smem:$0x3FB3] =	sst s0;
	s0 =	simm.s32 @!p2 $0x0  }
0x16: {  	s3 =	sld [smem:$0x3FDB];
	s0 =	simm.s32 @p2 $0x1  }
0x17: {  	s4 =	simm.s32 $0x1BF5;
	[smem:$0x3FB5] =	sst s0  }
0x18: {  	s0 =	sld [smem:$0x3F98];
	_ =	swait.ge [sflag:s4], $0x0  }
0x19: {  	s7 =	sld [smem:$0x3F99]  }
0x1a: {  	s8 =	sadd.s32 $0xFFFFE003, lr  }
0x1b: {  	s9 =	sadd.s32 $0xFFFFFEF7, lr;
	s5 =	simm.s32 $0xFFFFFFFF;
	p2 =	slt.u32 s8, $0xFFFFF086  }
0x1c: {  	p1 =	slt.u32 s9, $0xF7A;
	s5 =	simm.s32 @!p2 $0x0  }
0x1d: {  	s5 =	simm.s32 @p1 $0x1;
	p0 =	seq.s32 s7, s2  }
0x1e: {  	s7 =	smul.u32 @!p0 $0xF7A, s2;
	p2 =	seq.s32 @!p0 s5, $0x0  }
0x1f: {  	s9 =	smul.u32 $0xF7A, s1;
	s8 =	simm.s32 @!p0 $0x1BF5;
	p2 =	por !p2, p0  }
0x20: {  	[sflag:s8] =	ssyncset.s32 @!p0 $0xFFFFF086;
	s6 =	sadd.s32 @!p0 s3, s7;
	s7 =	simm.s32 @!p0 $0x108  }
0x21: {  	s3 =	sadd.s32 s3, s9;
	s6 =	sadd.s32 @!p0 $0x88, s6;
	s7 =	simm.s32 @p2 $0x1082  }
0x22: {  	[simem:s7], [sflag:s8] =	dma.local @!p0 [hbm:s6], $0xF7A  }
0x23: {  	s9 =	sor.u32 $0xD0000000, s2;
	s6 =	simm.s32 $0x108;
	_ =	swait.ge @!p0 [sflag:s8], $0x0  }
0x24: {  	s3 =	sadd.s32 $0x88, s3;
	s6 =	simm.s32 @!p1 $0x1082;
	[sflag:s4] =	ssyncset.s32 $0xFFFFF086  }
0x25: {  	[simem:s6], [sflag:s4] =	dma.local [hbm:s3], $0xF7A  }
0x26: {  	[smem:$0x3F99] =	sst s1;
	(tag) =	ssettag s2;
	_ =	strace s9  }
0x27: {  	s1 =	sld [smem:$0x3FA9]  }
0x28: {  	s2 =	sld [smem:$0x3FAA]  }
0x29: {  	s4 =	sld [smem:$0x3FAC]  }
0x2a: {  	p0 =	seq.s32 s5, $0x0;
	s5 =	sld [smem:$0x3FAD]  }
0x2b: {  	s6 =	sld [smem:$0x3FAE]  }
0x2c: {  	s7 =	sld [smem:$0x3FAF]  }
0x2d: {  	s3 =	simm.s32 $0x108;
	s8 =	sld [smem:$0x3FB0]  }
0x2e: {  	s3 =	simm.s32 @!p0 $0x1082;
	s9 =	sld [smem:$0x3FB1]  }
0x2f: {  	lr =	sadd.s32 s0, s3;
	s0 =	sld [smem:$0x3FA8]  }
0x30: {  	s3 =	sld [smem:$0x3FAB]  }
0x31: {  	[smem:$0x3FB4] =	sst s10  }
0x32: {  	s10 =	sld [smem:$0x3FB2];
	_ =	sdelay $0x3  }
0x33: {  	p0 =	seq.s32 s10, $0x1;
	s10 =	sld [smem:$0x3FB4];
	_ =	sdelay $0x3  }
0x34: {  	[smem:$0x3FB4] =	sst s10  }
0x35: {  	s10 =	sld [smem:$0x3FB3];
	_ =	sdelay $0x3  }
0x36: {  	p1 =	seq.s32 s10, $0x1;
	s10 =	sld [smem:$0x3FB4];
	_ =	sdelay $0x3  }
0x37: {  	[smem:$0x3FB4] =	sst s10  }
0x38: {  	s10 =	sld [smem:$0x3FB5]  }
0x39: {  	_ = 	snop;
	(pc) =	sbr.ind lr, $3  }
0x3a: {  	_ = 	snop  }
0x3b: {  	_ = 	snop  }
0x3c: {  	p2 =	seq.s32 s10, $0x1;
	s10 =	sld [smem:$0x3FB4]  }
0x3d: {  	_ =	shalt  }
0x3e: {  	_ =	shalt  }
0x3f: {  	_ =	shalt  }
0x40: {  	_ =	shalt  }
0x41: {  	_ =	shalt  }
0x42: {  	_ =	shalt  }
0x43: {  	_ =	shalt  }
0x44: {  	_ =	shalt  }
0x45: {  	_ =	shalt  }
0x46: {  	_ =	shalt  }
0x47: {  	_ =	shalt  }
0x48: {  	_ =	shalt  }
0x49: {  	_ =	shalt  }
0x4a: {  	_ =	shalt  }
0x4b: {  	_ =	shalt  }
0x4c: {  	_ =	shalt  }
0x4d: {  	_ =	shalt  }
0x4e: {  	_ =	shalt  }
0x4f: {  	_ =	shalt  }
0x50: {  	_ =	shalt  }
0x51: {  	_ =	shalt  }
0x52: {  	_ =	shalt  }
0x53: {  	_ =	shalt  }
0x54: {  	_ =	shalt  }
0x55: {  	_ =	shalt  }
0x56: {  	_ =	shalt  }
0x57: {  	_ =	shalt  }
0x58: {  	_ =	shalt  }
0x59: {  	_ =	shalt  }
0x5a: {  	_ =	shalt  }
0x5b: {  	_ =	shalt  }
0x5c: {  	_ =	shalt  }
0x5d: {  	_ =	shalt  }
0x5e: {  	_ =	shalt  }
0x5f: {  	_ =	shalt  }
0x60: {  	_ =	shalt  }
0x61: {  	_ =	shalt  }
0x62: {  	_ =	shalt  }
0x63: {  	_ =	shalt  }
0x64: {  	_ =	shalt  }
0x65: {  	_ =	shalt  }
0x66: {  	_ =	shalt  }
0x67: {  	_ =	shalt  }
0x68: {  	_ =	shalt  }
0x69: {  	_ =	shalt  }
0x6a: {  	_ =	shalt  }
0x6b: {  	_ =	shalt  }
0x6c: {  	_ =	shalt  }
0x6d: {  	_ =	shalt  }
0x6e: {  	_ =	shalt  }
0x6f: {  	_ =	shalt  }
0x70: {  	_ =	shalt  }
0x71: {  	_ =	shalt  }
0x72: {  	_ =	shalt  }
0x73: {  	_ =	shalt  }
0x74: {  	_ =	shalt  }
0x75: {  	_ =	shalt  }
0x76: {  	_ =	shalt  }
0x77: {  	_ =	shalt  }
0x78: {  	_ =	shalt  }
0x79: {  	_ =	shalt  }
0x7a: {  	_ =	shalt  }
0x7b: {  	_ =	shalt  }
0x7c: {  	_ =	shalt  }
0x7d: {  	_ =	shalt  }
0x7e: {  	_ =	shalt  }
0x7f: {  	_ =	shalt  }
0x80: {  	_ =	shalt  }
0x81: {  	_ =	shalt  }
0x82: {  	_ =	shalt  }
0x83: {  	_ =	shalt  }
0x84: {  	_ =	shalt  }
0x85: {  	_ =	shalt  }
0x86: {  	_ =	shalt  }
0x87: {  	_ =	shalt  }
.Lfunc_end0:
.L_simem_size_0:
called_computation.2_lowered:
.L_overlay_start_0:
0x88: {  	s2 =	sld [smem:$0x3FD9]  }
0x89: {  	s3 =	sld [smem:$0x3FFE];
	_ =	sdelay $0x1  }
0x8a: {  	s1 =	srdreg.scid  }
0x8b: {  	s0 =	sand.u32 $0x1, s1  }
0x8c: {  	s14 =	sshll.u32 s0, $0xA;
	s2 =	sadd.s32 s3, s2  }
0x8d: {  	s2 =	sadd.s32 s2, s14  }
0x8e: {  	[smem:$0x3FC0] =	sst s2  }
0x8f: {  	_ = 	snop  }
0x90: {  	s2 =	sld [smem:$0x3FD0];
	_ =	sdelay $0x2  }
0x91: {  	s15 =	simm.s32 $0xA;
	s4 =	simm.s32 $0x10  }
0x92: {  	[smem:s4], [sflag:s15] =	dma.local [hbm:s2], $0x1  }
0x93: {  	_ =	swait.eq [sflag:s15], $0x1  }
0x94: {  	s16 =	sld [smem:$0x10];
	[sflag:s15] =	ssyncset.done $0x0  }
0x95: {  	s17 =	sld [smem:$0x12];
	[sflag:s15] =	ssyncadd.s32 $0xFFFFFFFF  }
0x96: {  	s18 =	sld [smem:$0x13];
	(tm) =	ssettm $0x1  }
0x97: {  	s5 =	sld [smem:$0x3FFB];
	_ =	sdelay $0x3  }
0x98: {  	_ =	strace s5  }
0x99: {  	s5 =	sld [smem:$0x3FFC];
	_ =	sdelay $0x3  }
0x9a: {  	_ =	strace s5  }
0x9b: {  	s5 =	sld [smem:$0x3FFD];
	_ =	sdelay $0x3  }
0x9c: {  	_ =	strace s5  }
0x9d: {  	_ =	strace $0x8FFFFFFF  }
0x9e: {  	s19 =	sld [smem:$0x3FDB];
	_ =	sdelay $0x1  }
0x9f: {  	s6 =	simm.s32 $_scs_section_size  }
0xa0: {  	s7 =	simm.s32 $_size__tile_overlayer_lowered;
	s8 =	simm.s32 $_tile_overlayer_lowered  }
0xa1: {  	s22 =	simm.s32 $0x1BFF;
	s21 =	sshll.u32 s8, $0x1;
	s5 =	sadd.s32 s6, s19  }
0xa2: {  	s9 =	simm.s32 $0x0;
	s20 =	sshll.u32 s7, $0x1;
	s7 =	sadd.s32 s21, s5  }
0xa3: {  	[timem:s9], [sflag:s22] =	dma.local [hbm:s7], s20  }
0xa4: {  	_ =	swait.ge [sflag:s22], s20  }
0xa5: {  	s6 =	ssub.s32 $0x0, s20;
	[sflag:s22] =	ssyncset.done $0x0  }
0xa6: {  	[sflag:s22] =	ssyncadd.s32 s6;
	_ =	sdelay $0x1  }
0xa7: {  	s23 =	simm.s32 $0x1B8B  }
0xa8: {  	_ =	swait.ge [sflag:s23], $0x1  }
0xa9: {  	[sflag:s23] =	ssyncset.done $0x0  }
0xaa: {  	s25 =	simm.s32 $0x1B8E;
	s24 =	sld [smem:$0x3FFE];
	[sflag:s23] =	ssyncadd.s32 $0xFFFFFFFF  }
0xab: {  	s26 =	simm.s32 $execute0_lowered;
	[smem:$0x3FD2] =	sst s25  }
0xac: {  	s7 =	sshll.u32 s26, $0x1;
	_ =	strace $0x8000004C;
	[dreg:$0x1] =	wrdreg $0xFFFFFFFF  }
0xad: {  	s28 =	simm.s32 $_size_execute0_lowered;
	s5 =	sadd.s32 s5, s7;
	[dreg:$0x0] =	wrdreg $0x0  }
0xae: {  	s7 =	sshll.u32 s28, $0x1;
	[dreg:$0x2] =	wrdreg s5  }
0xaf: {  	[dreg:$0x3] =	wrdreg s7  }
0xb0: {  	[dreg:$0x4] =	wrdreg $0xC0  }
0xb1: {  	_ =	task [dreg:s9], $0x5FFFF  }
0xb2: {  	[dreg:$0x1] =	wrdreg $0xFFFFFFFF  }
0xb3: {  	[dreg:$0x0] =	wrdreg $0x60  }
0xb4: {  	[dreg:$0x2] =	wrdreg s16  }
0xb5: {  	[dreg:$0x3] =	wrdreg s24  }
0xb6: {  	[dreg:$0x4] =	wrdreg s18  }
0xb7: {  	[dreg:$0x5] =	wrdreg s17  }
0xb8: {  	[dreg:$0x6] =	wrdreg $0x140000  }
0xb9: {  	[dreg:$0x7] =	wrdreg $0x9  }
0xba: {  	_ =	task.clear_ibuf [dreg:s9], $0x8FFFF;
	_ =	strace $0x9000004C  }
0xbb: {  	s29 =	simm.s32 $0x9;
	_ =	strace $0x8000004E  }
0xbc: {  	_ =	swait.ge [sflag:s29], $0x1  }
0xbd: {  	[sflag:s29] =	ssyncadd.s32 $0xFFFFFFFF  }
0xbe: {  	_ =	strace $0x9000004E  }
0xbf: {  	_ =	sfence  }
0xc0: {  	s30 =	sld [smem:$0x0];
	_ =	sdelay $0x2  }
0xc1: {  	s31 =	sshll.u32 s1, $0xD;
	s1 =	sshrl.u32 s1, $0x2  }
0xc2: {  	s3 =	sand.u32 $0x4000, s31;
	s1 =	sadd.s32 s1, s30  }
0xc3: {  	s0 =	sor.u32 s3, s0;
	s1 =	sshll.u32 s1, $0x11  }
0xc4: {  	s0 =	sor.u32 s1, s0  }
0xc5: {  	s0 =	sadd.s32 $0x8F2B, s0  }
0xc6: {  	[sflag:s0] =	ssyncadd.remote.s32 $0x1  }
0xc7: {  	_ =	sfence.sel $0xFFFF  }
0xc8: {  	[dreg:$0x0] =	wrdreg $0xFFFFFFFF;
	(pc) =	sbr.abs _section_cstart, $3  }
0xc9: {  	[dreg:$0x1] =	wrdreg $0xFFFFFFFF  }
0xca: {  	_ =	task.clear_ibuf [dreg:s9], $0x2FFFF;
	_ =	strace $0x9FFFFFFF  }
0xcb: {  	(tm) =	ssettm $0x7FFFFFFF  }
tec
execute0_lowered:
.L_overlay_start_1:
0x0: {  	(tag) =	ssettag $0x1  }
0x1: {  	s0 =	rddreg [dreg:$0x0]  }
0x2: {  	s1 =	rddreg [dreg:$0x1]  }
0x3: {  	s2 =	rddreg [dreg:$0x2];
	s3 =	srdreg.scid  }
0x4: {  	s10 =	stileid.u32;
	s4 =	rddreg [dreg:$0x4];
	s5 =	simm.s32 $0x0  }
0x5: {  	s15 =	simm.s32 $0xA000;
	s16 =	simm.s32 $0xB;
	s17 =	simm.s32 $0x5000  }
0x6: {  	s18 =	simm.s32 $0x80;
	s19 =	simm.s32 $0xC000;
	s7 =	smul.u32 $0xA00, s10  }
0x7: {  	s20 =	simm.s32 $0x1;
	s28 =	simm.s32 $0x3;
	s8 =	smul.u32 $0x9E00, s10  }
0x8: {  	s31 =	simm.s32 $0x12000;
	s3 =	sand.u32 $0x1, s3;
	s10 =	smul.u32 $0x27800, s10  }
0x9: {  	s29 =	simm.s32 $0x7;
	s30 =	simm.s32 $0x0;
	s6 =	smul.u32 $0xA000, s3  }
0xa: {  	[smem:$0x7FF] =	sst s5;
	s9 =	smul.u32 $0x9E000, s3;
	s3 =	ssub.s32 $0x2, s3  }
0xb: {  	_ =	strace $0x8000004D;
	s22 =	sshrl.u32 s3, $0x1;
	s23 =	sshrl.u32 s10, $0x2  }
0xc: {  	s12 =	sadd.s32 s2, s7;
	s2 =	simm.s32 $0x4;
	s6 =	sadd.s32 s7, s6  }
0xd: {  	s9 =	sadd.s32 s8, s9;
	s3 =	ssub.s32 s3, s22;
	s24 =	sadd.s32 s23, s4  }
0xe: {  	s22 =	simm.s32 $0xE000;
	s23 =	simm.s32 $0x2;
	s11 =	sadd.s32 s6, s1  }
0xf: {  	s21 =	sshrl.u32 s9, $0x3;
	s6 =	sadd.s32 s8, s4;
	s9 =	sadd.s32 $0x2000, s24  }
0x10: {  	s25 =	sadd.s32 $0x4000, s24;
	s26 =	sadd.s32 $0x6000, s24;
	[dreg:$0x6] =	wrdreg s9  }
.Ltmp0:
0x11: {  	s8 =	sadd.s32 $0x8000, s24;
	[dreg:$0x7] =	wrdreg s25;
	(pc) =	sbr.rel .LBB2_1-.Ltmp0, $4  }
0x12: {  	s14 =	smax.u32 s3, $0x1;
	s24 =	simm.s32 $0x5;
	[dreg:$0x8] =	wrdreg s26  }
0x13: {  	s3 =	simm.s32 $0x8;
	s1 =	sadd.s32 s21, s1;
	[dreg:$0x9] =	wrdreg s8  }
0x14: {  	s11 =	sadd.s32 $0x2C00, s11;
	s26 =	simm.s32 $0x10000;
	s21 =	simm.s32 $0x9  }
0x15: {  	s25 =	simm.s32 $0xA;
	s13 =	sadd.s32 $0x8C000, s1;
	s1 =	simm.s32 $0x6  }
.LBB2_4:
0x16: {  	_ =	swait.ge [sflag:s24], $0x2000  }
0x17: {  	[sflag:s24] =	ssyncset.done $0x0  }
0x18: {  	[sflag:s24] =	ssyncadd.s32 $0xFFFFE000  }
0x19: {  	[spmem:s4] =	stream.indirect.scatter.add.f32 [tilespmem:s31], [sflag:$0xA], $0x40, s9, s18, $0xb8;
	[tilespmem:$0x1DE00] =	vst v63  }
0x1a: {  	_ =	swait.ge [sflag:s29], $0x2000  }
0x1b: {  	[sflag:s29] =	ssyncset.done $0x0  }
0x1c: {  	[sflag:s29] =	ssyncadd.s32 $0xFFFFE000  }
0x1d: {  	_ =	swait.ge [sflag:s3], $0x2000  }
0x1e: {  	[sflag:s3] =	ssyncset.done $0x0  }
0x1f: {  	[sflag:s3] =	ssyncadd.s32 $0xFFFFE000  }
0x20: {  	_ =	swait.ge [sflag:s21], $0x2000  }
0x21: {  	[sflag:s21] =	ssyncset.done $0x0  }
0x22: {  	[sflag:s21] =	ssyncadd.s32 $0xFFFFE000  }
0x23: {  	s7 =	stileid.u32;
	_ =	swait.ge [sflag:s25], $0x2000  }
0x24: {  	s8 =	sshrl.u32 s6, $0x3;
	s30 =	sadd.s32 $0x1, s30;
	[sflag:s25] =	ssyncset.done $0x0  }
0x25: {  	s7 =	sshll.u32 s7, $0x6;
	p0 =	sne.s32 s30, s14;
	[sflag:s25] =	ssyncadd.s32 $0xFFFFE000  }
.Ltmp1:
0x26: {  	s7 =	sor.u32 $0x1C0B, s7;
	[bflag:$0x0] =	sbarrier.arrive $0xFFFF;
	(pc) =	sbr.rel @!p0 .LBB2_5-.Ltmp1, $4  }
0x27: {  	[hbm:s13], [sflag:s7] =	dma.local [spmem:s8], $0x13C0  }
0x28: {  	_ =	swait.ge [sflag:s16], $0x13C0  }
0x29: {  	[sflag:s16] =	ssyncset.done $0x0  }
0x2a: {  	[sflag:s16] =	ssyncadd.s32 $0xFFFFEC40  }
.LBB2_1:
0x2b: {  	s7 =	rddreg [dreg:$0x3]  }
0x2c: {  	[tilespmem:s15], [sflag:$0xB] =	stream.linear.gather [hbm4b:s7+s5], $0x2000, $0x38;
	[tilespmem:$0x1DE00] =	vst v63  }
0x2d: {  	_ =	swait.ge [sflag:s16], $0x2000  }
0x2e: {  	[sflag:s16] =	ssyncset.done $0x0  }
0x2f: {  	[sflag:s16] =	ssyncadd.s32 $0xFFFFE000  }
0x30: {  	[spmem:s6] =	stream.linear.scatter [tilespmem:s15], [sflag:$0xB], $0x2000, $0x38;
	[tilespmem:$0x1DE00] =	vst v63  }
0x31: {  	_ =	swait.ge [sflag:s16], $0x2000  }
0x32: {  	[sflag:s16] =	ssyncset.done $0x0  }
0x33: {  	s10 =	rddreg [dreg:$0x6];
	[sflag:s16] =	ssyncadd.s32 $0xFFFFE000  }
0x34: {  	[spmem:s10] =	stream.linear.scatter [tilespmem:s15], [sflag:$0xB], $0x2000, $0x38;
	[tilespmem:$0x1DE00] =	vst v63  }
0x35: {  	_ =	swait.ge [sflag:s16], $0x2000  }
0x36: {  	[sflag:s16] =	ssyncset.done $0x0  }
0x37: {  	s8 =	rddreg [dreg:$0x7];
	[sflag:s16] =	ssyncadd.s32 $0xFFFFE000  }
0x38: {  	[spmem:s8] =	stream.linear.scatter [tilespmem:s15], [sflag:$0xB], $0x2000, $0x38;
	[tilespmem:$0x1DE00] =	vst v63  }
0x39: {  	_ =	swait.ge [sflag:s16], $0x2000  }
0x3a: {  	[sflag:s16] =	ssyncset.done $0x0  }
0x3b: {  	s9 =	rddreg [dreg:$0x8];
	[sflag:s16] =	ssyncadd.s32 $0xFFFFE000  }
0x3c: {  	[spmem:s9] =	stream.linear.scatter [tilespmem:s15], [sflag:$0xB], $0x2000, $0x38;
	[tilespmem:$0x1DE00] =	vst v63  }
0x3d: {  	_ =	swait.ge [sflag:s16], $0x2000  }
0x3e: {  	[sflag:s16] =	ssyncset.done $0x0  }
0x3f: {  	s10 =	rddreg [dreg:$0x9];
	[sflag:s16] =	ssyncadd.s32 $0xFFFFE000  }
0x40: {  	[spmem:s10] =	stream.linear.scatter [tilespmem:s15], [sflag:$0xB], $0x1E00, $0x38;
	[tilespmem:$0x1DE00] =	vst v63  }
0x41: {  	_ =	swait.ge [sflag:s16], $0x1E00  }
0x42: {  	[sflag:s16] =	ssyncset.done $0x0  }
0x43: {  	[sflag:s16] =	ssyncadd.s32 $0xFFFFE200  }
0x44: {  	[tilespmem:s5], [sflag:$0xB] =	stream.linear.gather [hbm4b:s11+s5], $0x5000, $0x38;
	[tilespmem:$0x1DE00] =	vst v63  }
0x45: {  	_ =	swait.ge [sflag:s16], $0x5000  }
0x46: {  	[sflag:s16] =	ssyncset.done $0x0  }
0x47: {  	[sflag:s16] =	ssyncadd.s32 $0xFFFFB000  }
0x48: {  	[tilespmem:s17], [sflag:$0xB] =	stream.linear.gather [hbm4b:s12+s5], $0x5000, $0x38;
	[tilespmem:$0x1DE00] =	vst v63  }
0x49: {  	_ =	swait.ge [sflag:s16], $0x5000  }
0x4a: {  	[sflag:s16] =	ssyncset.done $0x0  }
0x4b: {  	[sflag:s16] =	ssyncadd.s32 $0xFFFFB000  }
0x4c: {  	[bflag:$0x0] =	sbarrier.arrive $0xFFFF  }
0x4d: {  	[tilespmem:s15], [sflag:$0x1] =	stream.indirect.gather [hbm4b:s0+s18], $0x40, s5, s18, $0xb8;
	[tilespmem:$0x1DE00] =	vst v63  }
0x4e: {  	_ = 	snop  }
0x4f: {  	[tilespmem:s19], [sflag:$0x2] =	stream.indirect.gather [hbm4b:s0+s18], $0x40, s18, s18, $0xb8;
	[tilespmem:$0x1DE00] =	vst v63  }
0x50: {  	_ =	swait.ge [sflag:s20], $0x2000  }
0x51: {  	[sflag:s20] =	ssyncset.done $0x0  }
0x52: {  	[sflag:s20] =	ssyncadd.s32 $0xFFFFE000  }
0x53: {  	[spmem:s4] =	stream.indirect.scatter.add.f32 [tilespmem:s15], [sflag:$0x6], $0x40, s17, s18, $0xb8;
	[tilespmem:$0x1DE00] =	vst v63  }
0x54: {  	s8 =	simm.s32 $0x100  }
0x55: {  	[tilespmem:s22], [sflag:$0x3] =	stream.indirect.gather [hbm4b:s0+s18], $0x40, s8, s18, $0xb8;
	[tilespmem:$0x1DE00] =	vst v63  }
0x56: {  	_ =	swait.ge [sflag:s23], $0x2000  }
0x57: {  	[sflag:s23] =	ssyncset.done $0x0  }
0x58: {  	s9 =	simm.s32 $0x5080;
	[sflag:s23] =	ssyncadd.s32 $0xFFFFE000  }
0x59: {  	[spmem:s4] =	stream.indirect.scatter.add.f32 [tilespmem:s19], [sflag:$0x7], $0x40, s9, s18, $0xb8;
	[tilespmem:$0x1DE00] =	vst v63  }
0x5a: {  	s10 =	simm.s32 $0x180  }
0x5b: {  	[tilespmem:s26], [sflag:$0x4] =	stream.indirect.gather [hbm4b:s0+s18], $0x40, s10, s18, $0xb8;
	[tilespmem:$0x1DE00] =	vst v63  }
0x5c: {  	_ =	swait.ge [sflag:s28], $0x2000  }
0x5d: {  	[sflag:s28] =	ssyncset.done $0x0  }
0x5e: {  	s8 =	simm.s32 $0x5100;
	[sflag:s28] =	ssyncadd.s32 $0xFFFFE000  }
0x5f: {  	[spmem:s4] =	stream.indirect.scatter.add.f32 [tilespmem:s22], [sflag:$0x8], $0x40, s8, s18, $0xb8;
	[tilespmem:$0x1DE00] =	vst v63  }
0x60: {  	s9 =	simm.s32 $0x200  }
0x61: {  	[tilespmem:s31], [sflag:$0x5] =	stream.indirect.gather [hbm4b:s0+s18], $0x40, s9, s18, $0xb8;
	[tilespmem:$0x1DE00] =	vst v63  }
0x62: {  	_ =	swait.ge [sflag:s2], $0x2000  }
0x63: {  	[sflag:s2] =	ssyncset.done $0x0  }
0x64: {  	s10 =	simm.s32 $0x5180;
	[sflag:s2] =	ssyncadd.s32 $0xFFFFE000  }
0x65: {  	[spmem:s4] =	stream.indirect.scatter.add.f32 [tilespmem:s26], [sflag:$0x9], $0x40, s10, s18, $0xb8;
	[tilespmem:$0x1DE00] =	vst v63  }
0x66: {  	_ =	swait.ge [sflag:s1], $0x2000  }
0x67: {  	[sflag:s1] =	ssyncset.done $0x0  }
0x68: {  	s8 =	simm.s32 $0x280;
	[sflag:s1] =	ssyncadd.s32 $0xFFFFE000  }
0x69: {  	[tilespmem:s15], [sflag:$0x1] =	stream.indirect.gather [hbm4b:s0+s18], $0x40, s8, s18, $0xb8;
	[tilespmem:$0x1DE00] =	vst v63  }
0x6a: {  	_ =	swait.ge [sflag:s24], $0x2000  }
0x6b: {  	[sflag:s24] =	ssyncset.done $0x0  }
0x6c: {  	s9 =	simm.s32 $0x5200;
	[sflag:s24] =	ssyncadd.s32 $0xFFFFE000  }
0x6d: {  	[spmem:s4] =	stream.indirect.scatter.add.f32 [tilespmem:s31], [sflag:$0xA], $0x40, s9, s18, $0xb8;
	[tilespmem:$0x1DE00] =	vst v63  }
0x6e: {  	_ =	swait.ge [sflag:s29], $0x2000  }
0x6f: {  	[sflag:s29] =	ssyncset.done $0x0  }
0x70: {  	s7 =	simm.s32 $0x0;
	s10 =	simm.s32 $0x300;
	[sflag:s29] =	ssyncadd.s32 $0xFFFFE000  }
0x71: {  	[tilespmem:s19], [sflag:$0x2] =	stream.indirect.gather [hbm4b:s0+s18], $0x40, s10, s18, $0xb8;
	[tilespmem:$0x1DE00] =	vst v63  }
.LBB2_2:
0x72: {  	_ =	swait.ge [sflag:s20], $0x2000  }
0x73: {  	s8 =	sshra.s32 s7, $0x2;
	[sflag:s20] =	ssyncset.done $0x0  }
0x74: {  	s9 =	sadd.s32 $0x5280, s8;
	[sflag:s20] =	ssyncadd.s32 $0xFFFFE000  }
0x75: {  	[spmem:s4] =	stream.indirect.scatter.add.f32 [tilespmem:s15], [sflag:$0x6], $0x40, s9, s18, $0xb8;
	[tilespmem:$0x1DE00] =	vst v63  }
0x76: {  	_ =	swait.ge [sflag:s3], $0x2000  }
0x77: {  	[sflag:s3] =	ssyncset.done $0x0  }
0x78: {  	s10 =	sadd.s32 $0x380, s8;
	[sflag:s3] =	ssyncadd.s32 $0xFFFFE000  }
0x79: {  	[tilespmem:s22], [sflag:$0x3] =	stream.indirect.gather [hbm4b:s0+s18], $0x40, s10, s18, $0xb8;
	[tilespmem:$0x1DE00] =	vst v63  }
0x7a: {  	_ =	swait.ge [sflag:s23], $0x2000  }
0x7b: {  	[sflag:s23] =	ssyncset.done $0x0  }
0x7c: {  	s10 =	sadd.s32 $0x5300, s8;
	[sflag:s23] =	ssyncadd.s32 $0xFFFFE000  }
0x7d: {  	[spmem:s4] =	stream.indirect.scatter.add.f32 [tilespmem:s19], [sflag:$0x7], $0x40, s10, s18, $0xb8;
	[tilespmem:$0x1DE00] =	vst v63  }
0x7e: {  	_ =	swait.ge [sflag:s21], $0x2000  }
0x7f: {  	[sflag:s21] =	ssyncset.done $0x0  }
0x80: {  	s10 =	sadd.s32 $0x400, s8;
	[sflag:s21] =	ssyncadd.s32 $0xFFFFE000  }
0x81: {  	[tilespmem:s26], [sflag:$0x4] =	stream.indirect.gather [hbm4b:s0+s18], $0x40, s10, s18, $0xb8;
	[tilespmem:$0x1DE00] =	vst v63  }
0x82: {  	_ =	swait.ge [sflag:s28], $0x2000  }
0x83: {  	[sflag:s28] =	ssyncset.done $0x0  }
0x84: {  	s10 =	sadd.s32 $0x5380, s8;
	[sflag:s28] =	ssyncadd.s32 $0xFFFFE000  }
0x85: {  	[spmem:s4] =	stream.indirect.scatter.add.f32 [tilespmem:s22], [sflag:$0x8], $0x40, s10, s18, $0xb8;
	[tilespmem:$0x1DE00] =	vst v63  }
0x86: {  	_ =	swait.ge [sflag:s25], $0x2000  }
0x87: {  	[sflag:s25] =	ssyncset.done $0x0  }
0x88: {  	s10 =	sadd.s32 $0x480, s8;
	[sflag:s25] =	ssyncadd.s32 $0xFFFFE000  }
0x89: {  	[tilespmem:s31], [sflag:$0x5] =	stream.indirect.gather [hbm4b:s0+s18], $0x40, s10, s18, $0xb8;
	[tilespmem:$0x1DE00] =	vst v63  }
0x8a: {  	_ =	swait.ge [sflag:s2], $0x2000  }
0x8b: {  	p0 =	seq.s32 s7, $0x12C00;
	[sflag:s2] =	ssyncset.done $0x0  }
.Ltmp2:
0x8c: {  	s10 =	sadd.s32 $0x5400, s8;
	[sflag:s2] =	ssyncadd.s32 $0xFFFFE000;
	(pc) =	sbr.rel @p0 .LBB2_4-.Ltmp2, $4  }
0x8d: {  	[spmem:s4] =	stream.indirect.scatter.add.f32 [tilespmem:s26], [sflag:$0x9], $0x40, s10, s18, $0xb8;
	[tilespmem:$0x1DE00] =	vst v63  }
0x8e: {  	_ =	swait.ge [sflag:s1], $0x2000  }
0x8f: {  	[sflag:s1] =	ssyncset.done $0x0  }
0x90: {  	s9 =	sadd.s32 $0x5480, s8;
	[sflag:s1] =	ssyncadd.s32 $0xFFFFE000  }
0x91: {  	s10 =	sadd.s32 $0x500, s8  }
0x92: {  	[tilespmem:s15], [sflag:$0x1] =	stream.indirect.gather [hbm4b:s0+s18], $0x40, s10, s18, $0xb8;
	[tilespmem:$0x1DE00] =	vst v63  }
0x93: {  	_ =	swait.ge [sflag:s24], $0x2000  }
0x94: {  	[sflag:s24] =	ssyncset.done $0x0  }
0x95: {  	[sflag:s24] =	ssyncadd.s32 $0xFFFFE000  }
0x96: {  	[spmem:s4] =	stream.indirect.scatter.add.f32 [tilespmem:s31], [sflag:$0xA], $0x40, s9, s18, $0xb8;
	[tilespmem:$0x1DE00] =	vst v63  }
.Ltmp3:
0x97: {  	_ = 	snop;
	(pc) =	sbr.rel .LBB2_2-.Ltmp3, $4  }
0x98: {  	_ =	swait.ge [sflag:s29], $0x2000  }
0x99: {  	[sflag:s29] =	ssyncset.done $0x0  }
0x9a: {  	s7 =	sadd.s32 $0xA00, s7;
	s10 =	sadd.s32 $0x580, s8;
	[sflag:s29] =	ssyncadd.s32 $0xFFFFE000  }
0x9b: {  	[tilespmem:s19], [sflag:$0x2] =	stream.indirect.gather [hbm4b:s0+s18], $0x40, s10, s18, $0xb8;
	[tilespmem:$0x1DE00] =	vst v63  }
.LBB2_5:
0x9c: {  	_ =	sfence.sel $0x180000  }
0x9d: {  	[bflag:$0x0] =	sbarrier.arrive $0xFFFF  }
0x9e: {  	_ =	strace $0x9000004D  }
0x9f: {  	s0 =	stileid.u32;
	[bflag:$0x2] =	sbarrier.arrive $0xFFFF  }
0xa0: {  	p0 =	sne.s32 s0, $0x0;
	s0 =	rddreg [dreg:$0x5]  }
0xa1: {  	s0 =	sadd.s32 @!p0 $0x100000, s0  }
0xa2: {  	[sflag:s0] =	ssyncadd.tile.s32 @!p0 $0x1;
	_ =	shalt  }
.Lfunc_end2:
_tile_overlayer_lowered:
.L_overlay_start_2:
0xa3: {  	(tag) =	ssettag $0x2  }
0xa4: {  	s0 =	rddreg [dreg:$0x0];
	s2 =	stileid.u32  }
0xa5: {  	s1 =	rddreg [dreg:$0x1];
	p0 =	sne.s32 s2, $0x0  }
0xa6: {  	s3 =	rddreg [dreg:$0x2];
	[bflag:$0x3] =	sbarrier.arrive $0xFFFF;
	s2 =	simm.s32 @!p0 $0x1C0B  }
0xa7: {  	[timem:s3], [sflag:s2] =	dma.local @!p0 [hbm:s0], s1  }
0xa8: {  	s0 =	simm.s32 @!p0 $0xB  }
0xa9: {  	_ =	swait.ge @!p0 [sflag:s0], s1  }
0xaa: {  	s1 =	ssub.s32 @!p0 $0x0, s1;
	[sflag:s0] =	ssyncset.done @!p0 $0x0  }
0xab: {  	[sflag:s0] =	ssyncadd.s32 @!p0 s1  }
0xac: {  	[bflag:$0x3] =	sbarrier.arrive $0xFFFF  }
0xad: {  	_ =	shalt  }

// kernel: kernel.9.cloned.1.call-start
scs
__scs_entry_jumppad:
0x0: {  	(pc) =	sbr.rel $0x88, $3  }
0x1: {  	(tag) =	ssettag $0x0;
	lr =	simm.s32 $0x1  }
0x2: {  	[smem:$0x3F99] =	sst lr;
	_ =	strace $0xD0000000  }
0x3: {  	_ = 	snop  }
0x4: {  	_ = 	snop  }
0x5: {  	_ = 	snop  }
0x6: {  	_ = 	snop  }
0x7: {  	_ = 	snop  }
__scs_overlays_trampoline_lowered:
0x8: {  	[smem:$0x3FA8] =	sst s0  }
0x9: {  	[smem:$0x3FA9] =	sst s1  }
0xa: {  	[smem:$0x3FAA] =	sst s2  }
0xb: {  	[smem:$0x3FAB] =	sst s3  }
0xc: {  	[smem:$0x3FAC] =	sst s4  }
0xd: {  	[smem:$0x3FAD] =	sst s5  }
0xe: {  	[smem:$0x3FAE] =	sst s6  }
0xf: {  	[smem:$0x3FAF] =	sst s7  }
0x10: {  	[smem:$0x3FB0] =	sst s8  }
0x11: {  	[smem:$0x3FB1] =	sst s9;
	s0 =	simm.s32 @!p0 $0x0  }
0x12: {  	s1 =	sld [smem:$0x3F97];
	s0 =	simm.s32 @p0 $0x1  }
0x13: {  	[smem:$0x3FB2] =	sst s0;
	s0 =	simm.s32 @!p1 $0x0  }
0x14: {  	s2 =	sld [smem:$0x3F96];
	s0 =	simm.s32 @p1 $0x1  }
0x15: {  	[smem:$0x3FB3] =	sst s0;
	s0 =	simm.s32 @!p2 $0x0  }
0x16: {  	s3 =	sld [smem:$0x3FDB];
	s0 =	simm.s32 @p2 $0x1  }
0x17: {  	s4 =	simm.s32 $0x1BF5;
	[smem:$0x3FB5] =	sst s0  }
0x18: {  	s0 =	sld [smem:$0x3F98];
	_ =	swait.ge [sflag:s4], $0x0  }
0x19: {  	s7 =	sld [smem:$0x3F99]  }
0x1a: {  	s8 =	sadd.s32 $0xFFFFE003, lr  }
0x1b: {  	s9 =	sadd.s32 $0xFFFFFEF7, lr;
	s5 =	simm.s32 $0xFFFFFFFF;
	p2 =	slt.u32 s8, $0xFFFFF086  }
0x1c: {  	p1 =	slt.u32 s9, $0xF7A;
	s5 =	simm.s32 @!p2 $0x0  }
0x1d: {  	s5 =	simm.s32 @p1 $0x1;
	p0 =	seq.s32 s7, s2  }
0x1e: {  	s7 =	smul.u32 @!p0 $0xF7A, s2;
	p2 =	seq.s32 @!p0 s5, $0x0  }
0x1f: {  	s9 =	smul.u32 $0xF7A, s1;
	s8 =	simm.s32 @!p0 $0x1BF5;
	p2 =	por !p2, p0  }
0x20: {  	[sflag:s8] =	ssyncset.s32 @!p0 $0xFFFFF086;
	s6 =	sadd.s32 @!p0 s3, s7;
	s7 =	simm.s32 @!p0 $0x108  }
0x21: {  	s3 =	sadd.s32 s3, s9;
	s6 =	sadd.s32 @!p0 $0x88, s6;
	s7 =	simm.s32 @p2 $0x1082  }
0x22: {  	[simem:s7], [sflag:s8] =	dma.local @!p0 [hbm:s6], $0xF7A  }
0x23: {  	s9 =	sor.u32 $0xD0000000, s2;
	s6 =	simm.s32 $0x108;
	_ =	swait.ge @!p0 [sflag:s8], $0x0  }
0x24: {  	s3 =	sadd.s32 $0x88, s3;
	s6 =	simm.s32 @!p1 $0x1082;
	[sflag:s4] =	ssyncset.s32 $0xFFFFF086  }
0x25: {  	[simem:s6], [sflag:s4] =	dma.local [hbm:s3], $0xF7A  }
0x26: {  	[smem:$0x3F99] =	sst s1;
	(tag) =	ssettag s2;
	_ =	strace s9  }
0x27: {  	s1 =	sld [smem:$0x3FA9]  }
0x28: {  	s2 =	sld [smem:$0x3FAA]  }
0x29: {  	s4 =	sld [smem:$0x3FAC]  }
0x2a: {  	p0 =	seq.s32 s5, $0x0;
	s5 =	sld [smem:$0x3FAD]  }
0x2b: {  	s6 =	sld [smem:$0x3FAE]  }
0x2c: {  	s7 =	sld [smem:$0x3FAF]  }
0x2d: {  	s3 =	simm.s32 $0x108;
	s8 =	sld [smem:$0x3FB0]  }
0x2e: {  	s3 =	simm.s32 @!p0 $0x1082;
	s9 =	sld [smem:$0x3FB1]  }
0x2f: {  	lr =	sadd.s32 s0, s3;
	s0 =	sld [smem:$0x3FA8]  }
0x30: {  	s3 =	sld [smem:$0x3FAB]  }
0x31: {  	[smem:$0x3FB4] =	sst s10  }
0x32: {  	s10 =	sld [smem:$0x3FB2];
	_ =	sdelay $0x3  }
0x33: {  	p0 =	seq.s32 s10, $0x1;
	s10 =	sld [smem:$0x3FB4];
	_ =	sdelay $0x3  }
0x34: {  	[smem:$0x3FB4] =	sst s10  }
0x35: {  	s10 =	sld [smem:$0x3FB3];
	_ =	sdelay $0x3  }
0x36: {  	p1 =	seq.s32 s10, $0x1;
	s10 =	sld [smem:$0x3FB4];
	_ =	sdelay $0x3  }
0x37: {  	[smem:$0x3FB4] =	sst s10  }
0x38: {  	s10 =	sld [smem:$0x3FB5]  }
0x39: {  	_ = 	snop;
	(pc) =	sbr.ind lr, $3  }
0x3a: {  	_ = 	snop  }
0x3b: {  	_ = 	snop  }
0x3c: {  	p2 =	seq.s32 s10, $0x1;
	s10 =	sld [smem:$0x3FB4]  }
0x3d: {  	_ =	shalt  }
0x3e: {  	_ =	shalt  }
0x3f: {  	_ =	shalt  }
0x40: {  	_ =	shalt  }
0x41: {  	_ =	shalt  }
0x42: {  	_ =	shalt  }
0x43: {  	_ =	shalt  }
0x44: {  	_ =	shalt  }
0x45: {  	_ =	shalt  }
0x46: {  	_ =	shalt  }
0x47: {  	_ =	shalt  }
0x48: {  	_ =	shalt  }
0x49: {  	_ =	shalt  }
0x4a: {  	_ =	shalt  }
0x4b: {  	_ =	shalt  }
0x4c: {  	_ =	shalt  }
0x4d: {  	_ =	shalt  }
0x4e: {  	_ =	shalt  }
0x4f: {  	_ =	shalt  }
0x50: {  	_ =	shalt  }
0x51: {  	_ =	shalt  }
0x52: {  	_ =	shalt  }
0x53: {  	_ =	shalt  }
0x54: {  	_ =	shalt  }
0x55: {  	_ =	shalt  }
0x56: {  	_ =	shalt  }
0x57: {  	_ =	shalt  }
0x58: {  	_ =	shalt  }
0x59: {  	_ =	shalt  }
0x5a: {  	_ =	shalt  }
0x5b: {  	_ =	shalt  }
0x5c: {  	_ =	shalt  }
0x5d: {  	_ =	shalt  }
0x5e: {  	_ =	shalt  }
0x5f: {  	_ =	shalt  }
0x60: {  	_ =	shalt  }
0x61: {  	_ =	shalt  }
0x62: {  	_ =	shalt  }
0x63: {  	_ =	shalt  }
0x64: {  	_ =	shalt  }
0x65: {  	_ =	shalt  }
0x66: {  	_ =	shalt  }
0x67: {  	_ =	shalt  }
0x68: {  	_ =	shalt  }
0x69: {  	_ =	shalt  }
0x6a: {  	_ =	shalt  }
0x6b: {  	_ =	shalt  }
0x6c: {  	_ =	shalt  }
0x6d: {  	_ =	shalt  }
0x6e: {  	_ =	shalt  }
0x6f: {  	_ =	shalt  }
0x70: {  	_ =	shalt  }
0x71: {  	_ =	shalt  }
0x72: {  	_ =	shalt  }
0x73: {  	_ =	shalt  }
0x74: {  	_ =	shalt  }
0x75: {  	_ =	shalt  }
0x76: {  	_ =	shalt  }
0x77: {  	_ =	shalt  }
0x78: {  	_ =	shalt  }
0x79: {  	_ =	shalt  }
0x7a: {  	_ =	shalt  }
0x7b: {  	_ =	shalt  }
0x7c: {  	_ =	shalt  }
0x7d: {  	_ =	shalt  }
0x7e: {  	_ =	shalt  }
0x7f: {  	_ =	shalt  }
0x80: {  	_ =	shalt  }
0x81: {  	_ =	shalt  }
0x82: {  	_ =	shalt  }
0x83: {  	_ =	shalt  }
0x84: {  	_ =	shalt  }
0x85: {  	_ =	shalt  }
0x86: {  	_ =	shalt  }
0x87: {  	_ =	shalt  }
.Lfunc_end0:
.L_simem_size_0:
called_computation_lowered:
.L_overlay_start_0:
0x88: {  	s2 =	sld [smem:$0x3FD9]  }
0x89: {  	s3 =	sld [smem:$0x3FFE];
	_ =	sdelay $0x1  }
0x8a: {  	s1 =	srdreg.scid  }
0x8b: {  	s0 =	sand.u32 $0x1, s1  }
0x8c: {  	s15 =	sshll.u32 s0, $0xA;
	s2 =	sadd.s32 s3, s2  }
0x8d: {  	s2 =	sadd.s32 s2, s15  }
0x8e: {  	[smem:$0x3FC0] =	sst s2  }
0x8f: {  	_ = 	snop  }
0x90: {  	s2 =	sld [smem:$0x3FD0];
	_ =	sdelay $0x2  }
0x91: {  	s16 =	simm.s32 $0xA;
	s4 =	simm.s32 $0x10  }
0x92: {  	[smem:s4], [sflag:s16] =	dma.local [hbm:s2], $0x1  }
0x93: {  	_ =	swait.eq [sflag:s16], $0x1  }
0x94: {  	s17 =	sld [smem:$0x10]  }
0x95: {  	s18 =	sld [smem:$0x11];
	[sflag:s16] =	ssyncset.done $0x0  }
0x96: {  	s5 =	sld [smem:$0x12];
	[sflag:s16] =	ssyncadd.s32 $0xFFFFFFFF  }
0x97: {  	s19 =	sld [smem:$0x13];
	(tm) =	ssettm $0x1  }
0x98: {  	s6 =	sld [smem:$0x3FFB];
	_ =	sdelay $0x3  }
0x99: {  	_ =	strace s6  }
0x9a: {  	s6 =	sld [smem:$0x3FFC];
	_ =	sdelay $0x3  }
0x9b: {  	_ =	strace s6  }
0x9c: {  	s6 =	sld [smem:$0x3FFD];
	_ =	sdelay $0x3  }
0x9d: {  	_ =	strace s6  }
0x9e: {  	_ =	strace $0x8FFFFFFF  }
0x9f: {  	s20 =	sld [smem:$0x3FDB];
	_ =	sdelay $0x1  }
0xa0: {  	s7 =	simm.s32 $_scs_section_size  }
0xa1: {  	s8 =	simm.s32 $_size__tile_overlayer_lowered;
	s9 =	simm.s32 $_tile_overlayer_lowered  }
0xa2: {  	s23 =	simm.s32 $0x1BFF;
	s22 =	sshll.u32 s9, $0x1;
	s6 =	sadd.s32 s7, s20  }
0xa3: {  	s10 =	simm.s32 $0x0;
	s21 =	sshll.u32 s8, $0x1;
	s8 =	sadd.s32 s22, s6  }
0xa4: {  	[timem:s10], [sflag:s23] =	dma.local [hbm:s8], s21  }
0xa5: {  	_ =	swait.ge [sflag:s23], s21  }
0xa6: {  	s7 =	ssub.s32 $0x0, s21;
	[sflag:s23] =	ssyncset.done $0x0  }
0xa7: {  	[sflag:s23] =	ssyncadd.s32 s7;
	_ =	sdelay $0x1  }
0xa8: {  	s24 =	simm.s32 $0x1B8B  }
0xa9: {  	_ =	swait.ge [sflag:s24], $0x1  }
0xaa: {  	[sflag:s24] =	ssyncset.done $0x0  }
0xab: {  	s25 =	simm.s32 $0x1B8E;
	[sflag:s24] =	ssyncadd.s32 $0xFFFFFFFF  }
0xac: {  	s26 =	simm.s32 $execute0_lowered;
	[smem:$0x3FD2] =	sst s25  }
0xad: {  	s7 =	sshll.u32 s26, $0x1;
	_ =	strace $0x80000046;
	[dreg:$0x1] =	wrdreg $0xFFFFFFFF  }
0xae: {  	s28 =	simm.s32 $_size_execute0_lowered;
	s6 =	sadd.s32 s6, s7;
	[dreg:$0x0] =	wrdreg $0x0  }
0xaf: {  	s7 =	sshll.u32 s28, $0x1;
	[dreg:$0x2] =	wrdreg s6  }
0xb0: {  	[dreg:$0x3] =	wrdreg s7  }
0xb1: {  	[dreg:$0x4] =	wrdreg $0xC0  }
0xb2: {  	_ =	task [dreg:s10], $0x5FFFF  }
0xb3: {  	[dreg:$0x1] =	wrdreg $0xFFFFFFFF  }
0xb4: {  	[dreg:$0x0] =	wrdreg $0x60  }
0xb5: {  	[dreg:$0x2] =	wrdreg s19  }
0xb6: {  	[dreg:$0x3] =	wrdreg s17  }
0xb7: {  	[dreg:$0x4] =	wrdreg s18  }
0xb8: {  	[dreg:$0x5] =	wrdreg s5  }
0xb9: {  	[dreg:$0x6] =	wrdreg $0x57800  }
0xba: {  	[dreg:$0x7] =	wrdreg $0x9  }
0xbb: {  	_ =	task.clear_ibuf [dreg:s10], $0x8FFFF;
	_ =	strace $0x90000046  }
0xbc: {  	s29 =	simm.s32 $0x9;
	_ =	strace $0x80000048  }
0xbd: {  	_ =	swait.ge [sflag:s29], $0x1  }
0xbe: {  	[sflag:s29] =	ssyncadd.s32 $0xFFFFFFFF  }
0xbf: {  	_ =	strace $0x90000048  }
0xc0: {  	_ =	sfence  }
0xc1: {  	s30 =	sld [smem:$0x0];
	_ =	sdelay $0x2  }
0xc2: {  	s31 =	sshll.u32 s1, $0xD;
	s1 =	sshrl.u32 s1, $0x2  }
0xc3: {  	s3 =	sand.u32 $0x4000, s31;
	s1 =	sadd.s32 s1, s30  }
0xc4: {  	s0 =	sor.u32 s3, s0;
	s1 =	sshll.u32 s1, $0x11  }
0xc5: {  	s0 =	sor.u32 s1, s0  }
0xc6: {  	s0 =	sadd.s32 $0x8F2B, s0  }
0xc7: {  	[sflag:s0] =	ssyncadd.remote.s32 $0x1  }
0xc8: {  	_ =	sfence.sel $0xFFFF  }
0xc9: {  	[dreg:$0x0] =	wrdreg $0xFFFFFFFF;
	(pc) =	sbr.abs _section_cstart, $3  }
0xca: {  	[dreg:$0x1] =	wrdreg $0xFFFFFFFF  }
0xcb: {  	_ =	task.clear_ibuf [dreg:s10], $0x2FFFF;
	_ =	strace $0x9FFFFFFF  }
0xcc: {  	(tm) =	ssettm $0x7FFFFFFF  }
0xcd: {  	_ =	shalt  }
tec
execute0_lowered:
.L_overlay_start_1:
0x0: {  	(tag) =	ssettag $0x1  }
0x1: {  	s7 =	rddreg [dreg:$0x0]  }
0x2: {  	s1 =	rddreg [dreg:$0x1]  }
0x3: {  	s3 =	rddreg [dreg:$0x2]  }
0x4: {  	s8 =	rddreg [dreg:$0x3]  }
0x5: {  	s4 =	rddreg [dreg:$0x4]  }
0x6: {  	s5 =	srdreg.scid;
	s2 =	stileid.u32  }
0x7: {  	s0 =	rddreg [dreg:$0x5];
	s16 =	simm.s32 $0x0;
	s6 =	sand.u32 $0x1, s5  }
0x8: {  	s9 =	smul.u32 $0x2780, s2;
	s5 =	simm.s32 $0x0;
	s10 =	sshll.u32 s2, $0x1  }
0x9: {  	s14 =	sshll.u32 s2, $0x6;
	s11 =	smul.u32 $0x27800, s6;
	[smem:$0x7FF] =	sst s5  }
0xa: {  	s12 =	ssub.s32 $0x2, s6;
	s6 =	sor.u32 s6, s10;
	s14 =	sor.u32 $0x1C01, s14  }
0xb: {  	s30 =	sshrl.u32 s12, $0x1;
	s13 =	smul.u32 $0x500, s6;
	_ =	strace $0x80000047  }
0xc: {  	s6 =	sadd.s32 s9, s4;
	s31 =	sadd.s32 s9, s11;
	s10 =	ssub.s32 s12, s30  }
0xd: {  	s12 =	simm.s32 $0x2800;
	s15 =	sshrl.u32 s6, $0x3;
	s11 =	sshrl.u32 s31, $0x3  }
0xe: {  	s7 =	sadd.s32 s7, s13;
	s9 =	smax.u32 s10, $0x1;
	s10 =	simm.s32 $0x3000  }
0xf: {  	s13 =	simm.s32 $0x80;
	s8 =	sadd.s32 s8, s11;
	s11 =	simm.s32 $0x1  }
.LBB2_1:
0x10: {  	[tilespmem:s10], [sflag:$0x1] =	stream.linear.gather [hbm4b:s3+s5], $0x2780, $0x38;
	[tilespmem:$0x7F00] =	vst v63  }
0x11: {  	_ =	swait.ge [sflag:s11], $0x2780  }
0x12: {  	[sflag:s11] =	ssyncset.done $0x0  }
0x13: {  	[sflag:s11] =	ssyncadd.s32 $0xFFFFD880  }
0x14: {  	[spmem:s6] =	stream.linear.scatter [tilespmem:s10], [sflag:$0x1], $0x2780, $0x38;
	[tilespmem:$0x7F00] =	vst v63  }
0x15: {  	_ =	swait.ge [sflag:s11], $0x2780  }
0x16: {  	[sflag:s11] =	ssyncset.done $0x0  }
0x17: {  	[sflag:s11] =	ssyncadd.s32 $0xFFFFD880  }
0x18: {  	[tilespmem:s12], [sflag:$0x1] =	stream.linear.gather [hbm4b:s1+s5], $0x800, $0x38;
	[tilespmem:$0x7F00] =	vst v63  }
0x19: {  	_ =	swait.ge [sflag:s11], $0x800  }
0x1a: {  	[sflag:s11] =	ssyncset.done $0x0  }
0x1b: {  	[sflag:s11] =	ssyncadd.s32 $0xFFFFF800  }
0x1c: {  	[tilespmem:s5], [sflag:$0x1] =	stream.linear.gather [hbm4b:s7+s5], $0x2800, $0x38;
	[tilespmem:$0x7F00] =	vst v63  }
0x1d: {  	_ =	swait.ge [sflag:s11], $0x2800  }
0x1e: {  	[sflag:s11] =	ssyncset.done $0x0  }
0x1f: {  	[sflag:s11] =	ssyncadd.s32 $0xFFFFD800  }
0x20: {  	s17 =	simm.s32 $0x0;
	[bflag:$0x0] =	sbarrier.arrive $0xFFFF  }
0x21: {  	[spmem:s4] =	stream.indirect.scatter.add.f32 [tilespmem:s12], [sflag:$0x1], $0x10, s17, s13, $0xb8;
	[tilespmem:$0x7F00] =	vst v63  }
0x22: {  	_ =	swait.ge [sflag:s11], $0x800  }
0x23: {  	s17 =	simm.s32 $0x200;
	[sflag:s11] =	ssyncset.done $0x0  }
.LBB2_2:
0x24: {  	s18 =	sshra.s32 s17, $0x2;
	[sflag:s11] =	ssyncadd.s32 $0xFFFFF800;
	p0 =	sne.s32 s17, $0x9E00  }
0x25: {  	[spmem:s4] =	stream.indirect.scatter.add.f32 [tilespmem:s12], [sflag:$0x1], $0x10, s18, s13, $0xb8;
	[tilespmem:$0x7F00] =	vst v63  }
.Ltmp0:
0x26: {  	_ = 	snop;
	(pc) =	sbr.rel @p0 .LBB2_2-.Ltmp0, $4  }
0x27: {  	_ = 	snop  }
0x28: {  	s17 =	sadd.s32 $0x200, s17  }
0x29: {  	_ =	swait.ge [sflag:s11], $0x800  }
0x2a: {  	[sflag:s11] =	ssyncset.done $0x0  }
0x2b: {  	s16 =	sadd.s32 $0x1, s16  }
0x2c: {  	[sflag:s11] =	ssyncadd.s32 $0xFFFFF800;
	p0 =	sne.s32 s16, s9  }
.Ltmp1:
0x2d: {  	[bflag:$0x0] =	sbarrier.arrive $0xFFFF;
	(pc) =	sbr.rel @p0 .LBB2_1-.Ltmp1, $4  }
0x2e: {  	[hbm:s8], [sflag:s14] =	dma.local [spmem:s15], $0x4F0  }
0x2f: {  	_ =	swait.ge [sflag:s11], $0x4F0  }
0x30: {  	[sflag:s11] =	ssyncset.done $0x0  }
0x31: {  	[sflag:s11] =	ssyncadd.s32 $0xFFFFFB10  }
0x32: {  	_ =	sfence.sel $0x180000  }
0x33: {  	[bflag:$0x0] =	sbarrier.arrive $0xFFFF  }
0x34: {  	p0 =	sne.s32 s2, $0x0;
	_ =	strace $0x90000047  }
0x35: {  	s0 =	sadd.s32 @!p0 $0x100000, s0;
	[bflag:$0x2] =	sbarrier.arrive $0xFFFF  }
0x36: {  	[sflag:s0] =	ssyncadd.tile.s32 @!p0 $0x1;
	_ =	shalt  }
.Lfunc_end2:
_tile_overlayer_lowered:
.L_overlay_start_2:
0x37: {  	(tag) =	ssettag $0x2  }
0x38: {  	s0 =	rddreg [dreg:$0x0];
	s2 =	stileid.u32  }
0x39: {  	s1 =	rddreg [dreg:$0x1];
	p0 =	sne.s32 s2, $0x0  }
0x3a: {  	s3 =	rddreg [dreg:$0x2];
	[bflag:$0x3] =	sbarrier.arrive $0xFFFF;
	s2 =	simm.s32 @!p0 $0x1C01  }
0x3b: {  	[timem:s3], [sflag:s2] =	dma.local @!p0 [hbm:s0], s1  }
0x3c: {  	s0 =	simm.s32 @!p0 $0x1  }
0x3d: {  	_ =	swait.ge @!p0 [sflag:s0], s1  }
0x3e: {  	s1 =	ssub.s32 @!p0 $0x0, s1;
	[sflag:s0] =	ssyncset.done @!p0 $0x0  }
0x3f: {  	[sflag:s0] =	ssyncadd.s32 @!p0 s1  }
0x40: {  	[bflag:$0x3] =	sbarrier.arrive $0xFFFF  }
0x41: {  	_ =	shalt  }

</sc_bundles>
